<compile_context>
chip_gen: v7x
topology: tpu7x:2x2x1
jax: 0.10.2.dev20260603
libtpu: 0.0.44.dev20260713+nightly
codegen_flags: <defaults>
</compile_context>

<pallas_src>
import functools

import jax
import jax.numpy as jnp
from jax import lax
from jax.experimental import pallas as pl
from jax.experimental.pallas import tpu as pltpu
from jax.experimental.pallas import tpu_sc as plsc

VOCAB = 1000000
B = 16384
D = 64
NNEG = 20
L = 16
NC, NS = 2, 16
NW = NC * NS
BPW = B // NW
CHUNK = 32
NCHUNK = BPW // CHUNK
GPC = CHUNK // L
NEG_ROWS = CHUNK * NNEG
NIDX_W = 128
NIDX_ROWS = NEG_ROWS // NIDX_W
WIDXR = NCHUNK * NIDX_ROWS
QPW = BPW // NIDX_W


def _sc_scores(cw, xw, neg2d, w_center, w_context):
    mesh = plsc.VectorSubcoreMesh(core_axis_name="c", subcore_axis_name="s")

    @functools.partial(
        pl.kernel,
        mesh=mesh,
        out_type=[
            jax.ShapeDtypeStruct((B,), jnp.float32),
            jax.ShapeDtypeStruct((NW * NNEG * QPW, NIDX_W), jnp.float32),
        ],
        scratch_types=[
            pltpu.VMEM((BPW,), jnp.int32),
            pltpu.VMEM((BPW,), jnp.int32),
            pltpu.VMEM((WIDXR, NIDX_W), jnp.int32),
            pltpu.VMEM((CHUNK, D), jnp.float32),
            pltpu.VMEM((CHUNK, D), jnp.float32),
            pltpu.VMEM((NEG_ROWS, D), jnp.float32),
            pltpu.VMEM((CHUNK, D), jnp.float32),
            pltpu.VMEM((CHUNK, D), jnp.float32),
            pltpu.VMEM((NEG_ROWS, D), jnp.float32),
            pltpu.VMEM((BPW,), jnp.float32),
            pltpu.VMEM((NNEG * QPW, NIDX_W), jnp.float32),
            pltpu.SemaphoreType.DMA,
            pltpu.SemaphoreType.DMA,
        ],
        compiler_params=pltpu.CompilerParams(
            needs_layout_passes=False, use_tc_tiling_on_sc=False),
    )
    def body(cw_hbm, xw_hbm, neg_hbm, wc_hbm, wx_hbm, pos_out, negt_out,
             idx_c, idx_x, idx_n,
             rows_c0, rows_x0, rows_n0, rows_c1, rows_x1, rows_n1,
             pos_buf, negt_buf, sem0, sem1):
        wid = lax.axis_index("s") * NC + lax.axis_index("c")
        base = wid * BPW
        lane = lax.iota(jnp.int32, L)
        bufs = ((rows_c0, rows_x0, rows_n0, sem0),
                (rows_c1, rows_x1, rows_n1, sem1))

        pltpu.sync_copy(cw_hbm.at[pl.ds(base, BPW)], idx_c)
        pltpu.sync_copy(xw_hbm.at[pl.ds(base, BPW)], idx_x)
        nbase = pl.multiple_of(wid * WIDXR, 8)
        pltpu.sync_copy(neg_hbm.at[pl.ds(nbase, WIDXR)], idx_n)

        def chunk_dmas(ci, b):
            rows_c, rows_x, rows_n, sem = bufs[b]
            cps = [
                pltpu.make_async_copy(
                    wc_hbm.at[idx_c.at[pl.ds(ci * CHUNK, CHUNK)]],
                    rows_c, sem),
                pltpu.make_async_copy(
                    wx_hbm.at[idx_x.at[pl.ds(ci * CHUNK, CHUNK)]],
                    rows_x, sem),
            ]
            for j in range(NIDX_ROWS):
                cps.append(pltpu.make_async_copy(
                    wx_hbm.at[idx_n.at[ci * NIDX_ROWS + j]],
                    rows_n.at[pl.ds(j * NIDX_W, NIDX_W)], sem))
            return cps

        def fire(ci, b):
            for cp in chunk_dmas(ci, b):
                cp.start()

        def drain(ci, b):
            for cp in chunk_dmas(ci, b):
                cp.wait()

        def compute(ci, b):
            rows_c, rows_x, rows_n, _ = bufs[b]

            def group_body(g, gcarry):
                row16 = g * L + lane

                def d_body(it, accs):
                    d0 = it * 4
                    new = list(accs)
                    for u in range(4):
                        rot = (lane + (d0 + u)) & (D - 1)
                        cv = plsc.load_gather(rows_c, [row16, rot])
                        xv = plsc.load_gather(rows_x, [row16, rot])
                        new[0] = new[0] + cv * xv
                        for n in range(NNEG):
                            nv = plsc.load_gather(
                                rows_n, [row16 + n * CHUNK, rot])
                            new[n + 1] = new[n + 1] + cv * nv
                    return tuple(new)

                zero = jnp.zeros((L,), jnp.float32)
                accs = lax.fori_loop(0, D // 4, d_body, (zero,) * (NNEG + 1))
                off = ci * CHUNK + g * L
                q = off >> 7
                cq = off & (NIDX_W - 1)
                pos_buf[pl.ds(off, L)] = accs[0]
                for n in range(NNEG):
                    negt_buf[n * QPW + q, pl.ds(cq, L)] = accs[n + 1]
                return gcarry

            lax.fori_loop(0, GPC, group_body, 0)

        fire(0, 0)

        def pair_body(p, carry):
            e = 2 * p
            drain(e, 0)
            fire(e + 1, 1)
            compute(e, 0)
            drain(e + 1, 1)

            @pl.when(p < NCHUNK // 2 - 1)
            def _prefetch():
                fire(e + 2, 0)

            compute(e + 1, 1)
            return carry

        lax.fori_loop(0, NCHUNK // 2, pair_body, 0)
        pltpu.sync_copy(pos_buf, pos_out.at[pl.ds(base, BPW)])
        obase = pl.multiple_of(wid * (NNEG * QPW), 8)
        pltpu.sync_copy(negt_buf, negt_out.at[pl.ds(obase, NNEG * QPW)])

    return body(cw, xw, neg2d, w_center, w_context)


def _tc_loss(pos2d, negflat):
    def body(pos_ref, neg_ref, out_ref):
        def log_sigmoid(x):
            return jnp.minimum(x, 0.0) - jnp.log(1.0 + jnp.exp(-jnp.abs(x)))
        s = jnp.sum(log_sigmoid(pos_ref[...])) \
            + jnp.sum(log_sigmoid(-neg_ref[...]))
        out_ref[0, 0] = -s / B

    return pl.pallas_call(
        body,
        out_shape=jax.ShapeDtypeStruct((1, 1), jnp.float32),
        out_specs=pl.BlockSpec(memory_space=pltpu.SMEM),
    )(pos2d, negflat)


def kernel(center_words, context_words, negative_words, W_center, W_context):
    cw = center_words.astype(jnp.int32)
    xw = context_words.astype(jnp.int32)
    neg2d = (negative_words.astype(jnp.int32)
             .reshape(NW, NCHUNK, CHUNK, NNEG)
             .transpose(0, 1, 3, 2)
             .reshape(B * NNEG // NIDX_W, NIDX_W))
    pos, negt = _sc_scores(cw, xw, neg2d, W_center, W_context)
    loss = _tc_loss(pos.reshape(B // NIDX_W, NIDX_W), negt)
    return loss[0, 0]

# --- scband reference (transcript-rebuilt; emitter-appended) ---
"""Pipeline reference for scband-skip-gram-neg-sampling-18184891531989 (READ-ONLY COPY).

The authoritative reference and input builder live on the scoring server;
editing this copy changes nothing except your own understanding.
"""

import jax, jax.numpy as jnp
import numpy as np

VOCAB = 1000000
DIM = 64
BATCH = 16384
NUM_NEG = 20

def setup_inputs(seed: int = 0) -> dict:
    key = jax.random.key(seed)
    k1, k2, k3, k4 = jax.random.split(key, 4)
    center_words = jax.random.randint(k1, (BATCH,), 0, VOCAB, dtype=jnp.int64 if jax.config.jax_enable_x64 else jnp.int32)
    context_words = jax.random.randint(k2, (BATCH,), 0, VOCAB, dtype=jnp.int64 if jax.config.jax_enable_x64 else jnp.int32)
    negative_words = jax.random.randint(k3, (BATCH, NUM_NEG), 0, VOCAB, dtype=jnp.int64 if jax.config.jax_enable_x64 else jnp.int32)
    initrange = 0.5 / DIM
    W_center = jax.random.uniform(k4, (VOCAB, DIM), dtype=jnp.float32, minval=-initrange, maxval=initrange)
    W_context = jnp.zeros((VOCAB, DIM), dtype=jnp.float32)
    return {"center_words": center_words, "context_words": context_words,
            "negative_words": negative_words, "W_center": W_center, "W_context": W_context}

def reference(center_words, context_words, negative_words, W_center, W_context):
    center_emb = jnp.take(W_center, center_words, axis=0)          # (B, D)
    context_emb = jnp.take(W_context, context_words, axis=0)       # (B, D)
    neg_emb = jnp.take(W_context, negative_words, axis=0)          # (B, N, D)
    pos_score = jnp.sum(center_emb * context_emb, axis=1)          # (B,)
    pos_loss = jax.nn.log_sigmoid(pos_score)
    neg_score = jnp.einsum('bnd,bd->bn', neg_emb, center_emb)      # (B, N)
    neg_loss = jnp.sum(jax.nn.log_sigmoid(-neg_score), axis=1)
    loss = -jnp.mean(pos_loss + neg_loss)
    return loss

if __name__ == "__main__":
    import jax
    _d = setup_inputs()
    print(jax.jit(kernel)(*tuple(_d.values())))

</pallas_src>

<mosaic_0001>
#map = affine_map<(d0, d1) -> (0)>
#map1 = affine_map<(d0, d1) -> (0, 0)>
module attributes {stable_mosaic.version = 14 : i64} {
  func.func @body(%arg0: i32, %arg1: i32, %arg2: memref<16384xi32, #tpu.memory_space<hbm>>, %arg3: memref<16384xi32, #tpu.memory_space<hbm>>, %arg4: memref<2560x128xi32, #tpu.memory_space<hbm>>, %arg5: memref<1000000x64xf32, #tpu.memory_space<hbm>>, %arg6: memref<1000000x64xf32, #tpu.memory_space<hbm>>, %arg7: memref<16384xf32, #tpu.memory_space<hbm>>, %arg8: memref<2560x128xf32, #tpu.memory_space<hbm>>, %arg9: memref<512xi32, #tpu.memory_space<vmem>>, %arg10: memref<512xi32, #tpu.memory_space<vmem>>, %arg11: memref<80x128xi32, #tpu.memory_space<vmem>>, %arg12: memref<32x64xf32, #tpu.memory_space<vmem>>, %arg13: memref<32x64xf32, #tpu.memory_space<vmem>>, %arg14: memref<640x64xf32, #tpu.memory_space<vmem>>, %arg15: memref<32x64xf32, #tpu.memory_space<vmem>>, %arg16: memref<32x64xf32, #tpu.memory_space<vmem>>, %arg17: memref<640x64xf32, #tpu.memory_space<vmem>>, %arg18: memref<512xf32, #tpu.memory_space<vmem>>, %arg19: memref<80x128xf32, #tpu.memory_space<vmem>>, %arg20: memref<!tpu.dma_semaphore, #tpu.memory_space<semaphore_mem>>, %arg21: memref<!tpu.dma_semaphore, #tpu.memory_space<semaphore_mem>>) attributes {dimension_semantics = [#tpu.dimension_semantics<core_parallel>, #tpu.dimension_semantics<subcore_parallel>], iteration_bounds = array<i64: 2, 16>, scalar_prefetch = 0 : i64, scratch_operands = 13 : i64, tpu.core_type = #tpu.core_type<sc_vector_subcore>, window_params = [{transform_indices = #map}, {transform_indices = #map}, {transform_indices = #map1}, {transform_indices = #map1}, {transform_indices = #map1}, {transform_indices = #map}, {transform_indices = #map1}]} {
    %mul3A = arith.constant 2 : i32
    %mul3A_0 = arith.muli %arg1, %mul3A : i32
    %add3A = arith.addi %mul3A_0, %arg0 : i32
    %mul3A_1 = arith.constant 512 : i32
    %mul3A_2 = arith.muli %add3A, %mul3A_1 : i32
    %iota3A = tpu.iota {dimensions = array<i32: 0>} : vector<16xi32>
    "tpu.region"() ({
      %run_scoped3A = tpu.sem_alloc : memref<!tpu.dma_semaphore, #tpu.memory_space<semaphore_mem>>
      %dma_start3A_72 = tpu.memref_slice %arg2[%mul3A_2] : memref<16384xi32, #tpu.memory_space<hbm>> -> memref<512xi32, #tpu.memory_space<hbm>>
      %dma_start3A_73 = tpu.memref_slice %arg2[%mul3A_2] : memref<16384xi32, #tpu.memory_space<hbm>> -> memref<512xi32, #tpu.memory_space<hbm>>
      tpu.enqueue_dma source(%dma_start3A_73 : memref<512xi32, #tpu.memory_space<hbm>>) target(%arg9 : memref<512xi32, #tpu.memory_space<vmem>>) target_semaphore(%run_scoped3A : memref<!tpu.dma_semaphore, #tpu.memory_space<semaphore_mem>>)
      %dma_wait3A = tpu.memref_slice %arg2[%mul3A_2] : memref<16384xi32, #tpu.memory_space<hbm>> -> memref<512xi32, #tpu.memory_space<hbm>>
      %dma_wait3A_74 = tpu.memref_slice %arg2[%mul3A_2] : memref<16384xi32, #tpu.memory_space<hbm>> -> memref<512xi32, #tpu.memory_space<hbm>>
      tpu.wait_dma2 semaphore(%run_scoped3A : memref<!tpu.dma_semaphore, #tpu.memory_space<semaphore_mem>>) src(%dma_wait3A_74 : memref<512xi32, #tpu.memory_space<hbm>>) dst(%arg9 : memref<512xi32, #tpu.memory_space<vmem>>)
      tpu.yield
    }) : () -> ()
    "tpu.region"() ({
      %run_scoped3A = tpu.sem_alloc : memref<!tpu.dma_semaphore, #tpu.memory_space<semaphore_mem>>
      %dma_start3A_72 = tpu.memref_slice %arg3[%mul3A_2] : memref<16384xi32, #tpu.memory_space<hbm>> -> memref<512xi32, #tpu.memory_space<hbm>>
      %dma_start3A_73 = tpu.memref_slice %arg3[%mul3A_2] : memref<16384xi32, #tpu.memory_space<hbm>> -> memref<512xi32, #tpu.memory_space<hbm>>
      tpu.enqueue_dma source(%dma_start3A_73 : memref<512xi32, #tpu.memory_space<hbm>>) target(%arg10 : memref<512xi32, #tpu.memory_space<vmem>>) target_semaphore(%run_scoped3A : memref<!tpu.dma_semaphore, #tpu.memory_space<semaphore_mem>>)
      %dma_wait3A = tpu.memref_slice %arg3[%mul3A_2] : memref<16384xi32, #tpu.memory_space<hbm>> -> memref<512xi32, #tpu.memory_space<hbm>>
      %dma_wait3A_74 = tpu.memref_slice %arg3[%mul3A_2] : memref<16384xi32, #tpu.memory_space<hbm>> -> memref<512xi32, #tpu.memory_space<hbm>>
      tpu.wait_dma2 semaphore(%run_scoped3A : memref<!tpu.dma_semaphore, #tpu.memory_space<semaphore_mem>>) src(%dma_wait3A_74 : memref<512xi32, #tpu.memory_space<hbm>>) dst(%arg10 : memref<512xi32, #tpu.memory_space<vmem>>)
      tpu.yield
    }) : () -> ()
    %mul3A_3 = arith.constant 80 : i32
    %mul3A_4 = arith.muli %add3A, %mul3A_3 : i32
    %multiple_of3A = tpu.assume_multiple %mul3A_4, 8 : i32
    "tpu.region"() ({
      %run_scoped3A = tpu.sem_alloc : memref<!tpu.dma_semaphore, #tpu.memory_space<semaphore_mem>>
      %dma_start3A_72 = arith.constant 0 : i32
      %dma_start3A_73 = tpu.memref_slice %arg4[%multiple_of3A, %dma_start3A_72] : memref<2560x128xi32, #tpu.memory_space<hbm>> -> memref<80x128xi32, #tpu.memory_space<hbm>>
      %dma_start3A_74 = arith.constant 0 : i32
      %dma_start3A_75 = tpu.memref_slice %arg4[%multiple_of3A, %dma_start3A_74] : memref<2560x128xi32, #tpu.memory_space<hbm>> -> memref<80x128xi32, #tpu.memory_space<hbm>>
      tpu.enqueue_dma source(%dma_start3A_75 : memref<80x128xi32, #tpu.memory_space<hbm>>) target(%arg11 : memref<80x128xi32, #tpu.memory_space<vmem>>) target_semaphore(%run_scoped3A : memref<!tpu.dma_semaphore, #tpu.memory_space<semaphore_mem>>)
      %dma_wait3A = arith.constant 0 : i32
      %dma_wait3A_76 = tpu.memref_slice %arg4[%multiple_of3A, %dma_wait3A] : memref<2560x128xi32, #tpu.memory_space<hbm>> -> memref<80x128xi32, #tpu.memory_space<hbm>>
      %dma_wait3A_77 = arith.constant 0 : i32
      %dma_wait3A_78 = tpu.memref_slice %arg4[%multiple_of3A, %dma_wait3A_77] : memref<2560x128xi32, #tpu.memory_space<hbm>> -> memref<80x128xi32, #tpu.memory_space<hbm>>
      tpu.wait_dma2 semaphore(%run_scoped3A : memref<!tpu.dma_semaphore, #tpu.memory_space<semaphore_mem>>) src(%dma_wait3A_78 : memref<80x128xi32, #tpu.memory_space<hbm>>) dst(%arg11 : memref<80x128xi32, #tpu.memory_space<vmem>>)
      tpu.yield
    }) : () -> ()
    %dma_start3A = arith.constant 0 : i32
    %dma_start3A_5 = tpu.memref_slice %arg9[%dma_start3A] : memref<512xi32, #tpu.memory_space<vmem>> -> memref<32xi32, #tpu.memory_space<vmem>>
    %dma_start3A_6 = arith.constant 0 : i32
    %dma_start3A_7 = arith.constant 0 : i32
    %dma_start3A_8 = tpu.memref_slice %arg5[%dma_start3A_6, %dma_start3A_7] : memref<1000000x64xf32, #tpu.memory_space<hbm>> -> memref<1000000x64xf32, #tpu.memory_space<hbm>>
    tpu.enqueue_indirect_dma source(%dma_start3A_8 : memref<1000000x64xf32, #tpu.memory_space<hbm>>) target(%arg12 : memref<32x64xf32, #tpu.memory_space<vmem>>) offsets(%dma_start3A_5 : memref<32xi32, #tpu.memory_space<vmem>>) semaphore(%arg20 : memref<!tpu.dma_semaphore, #tpu.memory_space<semaphore_mem>>)
    %dma_start3A_9 = arith.constant 0 : i32
    %dma_start3A_10 = tpu.memref_slice %arg10[%dma_start3A_9] : memref<512xi32, #tpu.memory_space<vmem>> -> memref<32xi32, #tpu.memory_space<vmem>>
    %dma_start3A_11 = arith.constant 0 : i32
    %dma_start3A_12 = arith.constant 0 : i32
    %dma_start3A_13 = tpu.memref_slice %arg6[%dma_start3A_11, %dma_start3A_12] : memref<1000000x64xf32, #tpu.memory_space<hbm>> -> memref<1000000x64xf32, #tpu.memory_space<hbm>>
    tpu.enqueue_indirect_dma source(%dma_start3A_13 : memref<1000000x64xf32, #tpu.memory_space<hbm>>) target(%arg13 : memref<32x64xf32, #tpu.memory_space<vmem>>) offsets(%dma_start3A_10 : memref<32xi32, #tpu.memory_space<vmem>>) semaphore(%arg20 : memref<!tpu.dma_semaphore, #tpu.memory_space<semaphore_mem>>)
    %dma_start3A_14 = arith.constant 0 : i32
    %dma_start3A_15 = arith.constant 0 : i32
    %dma_start3A_16 = arith.constant 0 : i32
    %dma_start3A_17 = tpu.memref_slice %arg14[%dma_start3A_15, %dma_start3A_16] : memref<640x64xf32, #tpu.memory_space<vmem>> -> memref<128x64xf32, #tpu.memory_space<vmem>>
    %dma_start3A_18 = arith.constant 0 : i32
    %dma_start3A_19 = tpu.memref_slice %arg11[%dma_start3A_14, %dma_start3A_18] : memref<80x128xi32, #tpu.memory_space<vmem>> -> memref<1x128xi32, #tpu.memory_space<vmem>>
    %dma_start3A_20 = tpu.memref_squeeze %dma_start3A_19 : memref<1x128xi32, #tpu.memory_space<vmem>> -> memref<128xi32, #tpu.memory_space<vmem>>
    %dma_start3A_21 = arith.constant 0 : i32
    %dma_start3A_22 = arith.constant 0 : i32
    %dma_start3A_23 = tpu.memref_slice %arg6[%dma_start3A_21, %dma_start3A_22] : memref<1000000x64xf32, #tpu.memory_space<hbm>> -> memref<1000000x64xf32, #tpu.memory_space<hbm>>
    tpu.enqueue_indirect_dma source(%dma_start3A_23 : memref<1000000x64xf32, #tpu.memory_space<hbm>>) target(%dma_start3A_17 : memref<128x64xf32, #tpu.memory_space<vmem>>) offsets(%dma_start3A_20 : memref<128xi32, #tpu.memory_space<vmem>>) semaphore(%arg20 : memref<!tpu.dma_semaphore, #tpu.memory_space<semaphore_mem>>)
    %dma_start3A_24 = arith.constant 1 : i32
    %dma_start3A_25 = arith.constant 128 : i32
    %dma_start3A_26 = arith.constant 0 : i32
    %dma_start3A_27 = tpu.memref_slice %arg14[%dma_start3A_25, %dma_start3A_26] : memref<640x64xf32, #tpu.memory_space<vmem>> -> memref<128x64xf32, #tpu.memory_space<vmem>>
    %dma_start3A_28 = arith.constant 0 : i32
    %dma_start3A_29 = tpu.memref_slice %arg11[%dma_start3A_24, %dma_start3A_28] : memref<80x128xi32, #tpu.memory_space<vmem>> -> memref<1x128xi32, #tpu.memory_space<vmem>>
    %dma_start3A_30 = tpu.memref_squeeze %dma_start3A_29 : memref<1x128xi32, #tpu.memory_space<vmem>> -> memref<128xi32, #tpu.memory_space<vmem>>
    %dma_start3A_31 = arith.constant 0 : i32
    %dma_start3A_32 = arith.constant 0 : i32
    %dma_start3A_33 = tpu.memref_slice %arg6[%dma_start3A_31, %dma_start3A_32] : memref<1000000x64xf32, #tpu.memory_space<hbm>> -> memref<1000000x64xf32, #tpu.memory_space<hbm>>
    tpu.enqueue_indirect_dma source(%dma_start3A_33 : memref<1000000x64xf32, #tpu.memory_space<hbm>>) target(%dma_start3A_27 : memref<128x64xf32, #tpu.memory_space<vmem>>) offsets(%dma_start3A_30 : memref<128xi32, #tpu.memory_space<vmem>>) semaphore(%arg20 : memref<!tpu.dma_semaphore, #tpu.memory_space<semaphore_mem>>)
    %dma_start3A_34 = arith.constant 2 : i32
    %dma_start3A_35 = arith.constant 256 : i32
    %dma_start3A_36 = arith.constant 0 : i32
    %dma_start3A_37 = tpu.memref_slice %arg14[%dma_start3A_35, %dma_start3A_36] : memref<640x64xf32, #tpu.memory_space<vmem>> -> memref<128x64xf32, #tpu.memory_space<vmem>>
    %dma_start3A_38 = arith.constant 0 : i32
    %dma_start3A_39 = tpu.memref_slice %arg11[%dma_start3A_34, %dma_start3A_38] : memref<80x128xi32, #tpu.memory_space<vmem>> -> memref<1x128xi32, #tpu.memory_space<vmem>>
    %dma_start3A_40 = tpu.memref_squeeze %dma_start3A_39 : memref<1x128xi32, #tpu.memory_space<vmem>> -> memref<128xi32, #tpu.memory_space<vmem>>
    %dma_start3A_41 = arith.constant 0 : i32
    %dma_start3A_42 = arith.constant 0 : i32
    %dma_start3A_43 = tpu.memref_slice %arg6[%dma_start3A_41, %dma_start3A_42] : memref<1000000x64xf32, #tpu.memory_space<hbm>> -> memref<1000000x64xf32, #tpu.memory_space<hbm>>
    tpu.enqueue_indirect_dma source(%dma_start3A_43 : memref<1000000x64xf32, #tpu.memory_space<hbm>>) target(%dma_start3A_37 : memref<128x64xf32, #tpu.memory_space<vmem>>) offsets(%dma_start3A_40 : memref<128xi32, #tpu.memory_space<vmem>>) semaphore(%arg20 : memref<!tpu.dma_semaphore, #tpu.memory_space<semaphore_mem>>)
    %dma_start3A_44 = arith.constant 3 : i32
    %dma_start3A_45 = arith.constant 384 : i32
    %dma_start3A_46 = arith.constant 0 : i32
    %dma_start3A_47 = tpu.memref_slice %arg14[%dma_start3A_45, %dma_start3A_46] : memref<640x64xf32, #tpu.memory_space<vmem>> -> memref<128x64xf32, #tpu.memory_space<vmem>>
    %dma_start3A_48 = arith.constant 0 : i32
    %dma_start3A_49 = tpu.memref_slice %arg11[%dma_start3A_44, %dma_start3A_48] : memref<80x128xi32, #tpu.memory_space<vmem>> -> memref<1x128xi32, #tpu.memory_space<vmem>>
    %dma_start3A_50 = tpu.memref_squeeze %dma_start3A_49 : memref<1x128xi32, #tpu.memory_space<vmem>> -> memref<128xi32, #tpu.memory_space<vmem>>
    %dma_start3A_51 = arith.constant 0 : i32
    %dma_start3A_52 = arith.constant 0 : i32
    %dma_start3A_53 = tpu.memref_slice %arg6[%dma_start3A_51, %dma_start3A_52] : memref<1000000x64xf32, #tpu.memory_space<hbm>> -> memref<1000000x64xf32, #tpu.memory_space<hbm>>
    tpu.enqueue_indirect_dma source(%dma_start3A_53 : memref<1000000x64xf32, #tpu.memory_space<hbm>>) target(%dma_start3A_47 : memref<128x64xf32, #tpu.memory_space<vmem>>) offsets(%dma_start3A_50 : memref<128xi32, #tpu.memory_space<vmem>>) semaphore(%arg20 : memref<!tpu.dma_semaphore, #tpu.memory_space<semaphore_mem>>)
    %dma_start3A_54 = arith.constant 4 : i32
    %dma_start3A_55 = arith.constant 512 : i32
    %dma_start3A_56 = arith.constant 0 : i32
    %dma_start3A_57 = tpu.memref_slice %arg14[%dma_start3A_55, %dma_start3A_56] : memref<640x64xf32, #tpu.memory_space<vmem>> -> memref<128x64xf32, #tpu.memory_space<vmem>>
    %dma_start3A_58 = arith.constant 0 : i32
    %dma_start3A_59 = tpu.memref_slice %arg11[%dma_start3A_54, %dma_start3A_58] : memref<80x128xi32, #tpu.memory_space<vmem>> -> memref<1x128xi32, #tpu.memory_space<vmem>>
    %dma_start3A_60 = tpu.memref_squeeze %dma_start3A_59 : memref<1x128xi32, #tpu.memory_space<vmem>> -> memref<128xi32, #tpu.memory_space<vmem>>
    %dma_start3A_61 = arith.constant 0 : i32
    %dma_start3A_62 = arith.constant 0 : i32
    %dma_start3A_63 = tpu.memref_slice %arg6[%dma_start3A_61, %dma_start3A_62] : memref<1000000x64xf32, #tpu.memory_space<hbm>> -> memref<1000000x64xf32, #tpu.memory_space<hbm>>
    tpu.enqueue_indirect_dma source(%dma_start3A_63 : memref<1000000x64xf32, #tpu.memory_space<hbm>>) target(%dma_start3A_57 : memref<128x64xf32, #tpu.memory_space<vmem>>) offsets(%dma_start3A_60 : memref<128xi32, #tpu.memory_space<vmem>>) semaphore(%arg20 : memref<!tpu.dma_semaphore, #tpu.memory_space<semaphore_mem>>)
    %scan3A = arith.constant 0 : i32
    %scan3A_64 = arith.constant 0 : i32
    %scan3A_65 = arith.constant 8 : i32
    %scan3A_66 = arith.addi %scan3A_64, %scan3A_65 : i32
    %scan3A_67 = arith.constant 1 : i32
    scf.for %scan3A_72 = %scan3A_64 to %scan3A_66 step %scan3A_67  : i32 {
      %mul3A_73 = arith.constant 2 : i32
      %mul3A_74 = arith.muli %mul3A_73, %scan3A_72 : i32
      %mul3A_75 = arith.constant 32 : i32
      %mul3A_76 = arith.muli %mul3A_74, %mul3A_75 : i32
      %mul3A_77 = arith.constant 32 : i32
      %mul3A_78 = arith.muli %mul3A_74, %mul3A_77 : i32
      %mul3A_79 = arith.constant 5 : i32
      %mul3A_80 = arith.muli %mul3A_74, %mul3A_79 : i32
      %add3A_81 = arith.constant 0 : i32
      %add3A_82 = arith.addi %mul3A_80, %add3A_81 : i32
      %mul3A_83 = arith.constant 5 : i32
      %mul3A_84 = arith.muli %mul3A_74, %mul3A_83 : i32
      %add3A_85 = arith.constant 1 : i32
      %add3A_86 = arith.addi %mul3A_84, %add3A_85 : i32
      %mul3A_87 = arith.constant 5 : i32
      %mul3A_88 = arith.muli %mul3A_74, %mul3A_87 : i32
      %add3A_89 = arith.constant 2 : i32
      %add3A_90 = arith.addi %mul3A_88, %add3A_89 : i32
      %mul3A_91 = arith.constant 5 : i32
      %mul3A_92 = arith.muli %mul3A_74, %mul3A_91 : i32
      %add3A_93 = arith.constant 3 : i32
      %add3A_94 = arith.addi %mul3A_92, %add3A_93 : i32
      %mul3A_95 = arith.constant 5 : i32
      %mul3A_96 = arith.muli %mul3A_74, %mul3A_95 : i32
      %add3A_97 = arith.constant 4 : i32
      %add3A_98 = arith.addi %mul3A_96, %add3A_97 : i32
      %dma_wait3A = tpu.memref_slice %arg9[%mul3A_76] : memref<512xi32, #tpu.memory_space<vmem>> -> memref<32xi32, #tpu.memory_space<vmem>>
      %dma_wait3A_99 = arith.constant 0 : i32
      %dma_wait3A_100 = arith.constant 0 : i32
      %dma_wait3A_101 = tpu.memref_slice %arg5[%dma_wait3A_99, %dma_wait3A_100] : memref<1000000x64xf32, #tpu.memory_space<hbm>> -> memref<1000000x64xf32, #tpu.memory_space<hbm>>
      tpu.wait_indirect_dma semaphore(%arg20 : memref<!tpu.dma_semaphore, #tpu.memory_space<semaphore_mem>>) src(%dma_wait3A_101 : memref<1000000x64xf32, #tpu.memory_space<hbm>>) dst(%arg12 : memref<32x64xf32, #tpu.memory_space<vmem>>)
      %dma_wait3A_102 = tpu.memref_slice %arg10[%mul3A_78] : memref<512xi32, #tpu.memory_space<vmem>> -> memref<32xi32, #tpu.memory_space<vmem>>
      %dma_wait3A_103 = arith.constant 0 : i32
      %dma_wait3A_104 = arith.constant 0 : i32
      %dma_wait3A_105 = tpu.memref_slice %arg6[%dma_wait3A_103, %dma_wait3A_104] : memref<1000000x64xf32, #tpu.memory_space<hbm>> -> memref<1000000x64xf32, #tpu.memory_space<hbm>>
      tpu.wait_indirect_dma semaphore(%arg20 : memref<!tpu.dma_semaphore, #tpu.memory_space<semaphore_mem>>) src(%dma_wait3A_105 : memref<1000000x64xf32, #tpu.memory_space<hbm>>) dst(%arg13 : memref<32x64xf32, #tpu.memory_space<vmem>>)
      %dma_wait3A_106 = arith.constant 0 : i32
      %dma_wait3A_107 = arith.constant 0 : i32
      %dma_wait3A_108 = tpu.memref_slice %arg14[%dma_wait3A_106, %dma_wait3A_107] : memref<640x64xf32, #tpu.memory_space<vmem>> -> memref<128x64xf32, #tpu.memory_space<vmem>>
      %dma_wait3A_109 = arith.constant 0 : i32
      %dma_wait3A_110 = tpu.memref_slice %arg11[%add3A_82, %dma_wait3A_109] : memref<80x128xi32, #tpu.memory_space<vmem>> -> memref<1x128xi32, #tpu.memory_space<vmem>>
      %dma_wait3A_111 = tpu.memref_squeeze %dma_wait3A_110 : memref<1x128xi32, #tpu.memory_space<vmem>> -> memref<128xi32, #tpu.memory_space<vmem>>
      %dma_wait3A_112 = arith.constant 0 : i32
      %dma_wait3A_113 = arith.constant 0 : i32
      %dma_wait3A_114 = tpu.memref_slice %arg6[%dma_wait3A_112, %dma_wait3A_113] : memref<1000000x64xf32, #tpu.memory_space<hbm>> -> memref<1000000x64xf32, #tpu.memory_space<hbm>>
      tpu.wait_indirect_dma semaphore(%arg20 : memref<!tpu.dma_semaphore, #tpu.memory_space<semaphore_mem>>) src(%dma_wait3A_114 : memref<1000000x64xf32, #tpu.memory_space<hbm>>) dst(%dma_wait3A_108 : memref<128x64xf32, #tpu.memory_space<vmem>>)
      %dma_wait3A_115 = arith.constant 128 : i32
      %dma_wait3A_116 = arith.constant 0 : i32
      %dma_wait3A_117 = tpu.memref_slice %arg14[%dma_wait3A_115, %dma_wait3A_116] : memref<640x64xf32, #tpu.memory_space<vmem>> -> memref<128x64xf32, #tpu.memory_space<vmem>>
      %dma_wait3A_118 = arith.constant 0 : i32
      %dma_wait3A_119 = tpu.memref_slice %arg11[%add3A_86, %dma_wait3A_118] : memref<80x128xi32, #tpu.memory_space<vmem>> -> memref<1x128xi32, #tpu.memory_space<vmem>>
      %dma_wait3A_120 = tpu.memref_squeeze %dma_wait3A_119 : memref<1x128xi32, #tpu.memory_space<vmem>> -> memref<128xi32, #tpu.memory_space<vmem>>
      %dma_wait3A_121 = arith.constant 0 : i32
      %dma_wait3A_122 = arith.constant 0 : i32
      %dma_wait3A_123 = tpu.memref_slice %arg6[%dma_wait3A_121, %dma_wait3A_122] : memref<1000000x64xf32, #tpu.memory_space<hbm>> -> memref<1000000x64xf32, #tpu.memory_space<hbm>>
      tpu.wait_indirect_dma semaphore(%arg20 : memref<!tpu.dma_semaphore, #tpu.memory_space<semaphore_mem>>) src(%dma_wait3A_123 : memref<1000000x64xf32, #tpu.memory_space<hbm>>) dst(%dma_wait3A_117 : memref<128x64xf32, #tpu.memory_space<vmem>>)
      %dma_wait3A_124 = arith.constant 256 : i32
      %dma_wait3A_125 = arith.constant 0 : i32
      %dma_wait3A_126 = tpu.memref_slice %arg14[%dma_wait3A_124, %dma_wait3A_125] : memref<640x64xf32, #tpu.memory_space<vmem>> -> memref<128x64xf32, #tpu.memory_space<vmem>>
      %dma_wait3A_127 = arith.constant 0 : i32
      %dma_wait3A_128 = tpu.memref_slice %arg11[%add3A_90, %dma_wait3A_127] : memref<80x128xi32, #tpu.memory_space<vmem>> -> memref<1x128xi32, #tpu.memory_space<vmem>>
      %dma_wait3A_129 = tpu.memref_squeeze %dma_wait3A_128 : memref<1x128xi32, #tpu.memory_space<vmem>> -> memref<128xi32, #tpu.memory_space<vmem>>
      %dma_wait3A_130 = arith.constant 0 : i32
      %dma_wait3A_131 = arith.constant 0 : i32
      %dma_wait3A_132 = tpu.memref_slice %arg6[%dma_wait3A_130, %dma_wait3A_131] : memref<1000000x64xf32, #tpu.memory_space<hbm>> -> memref<1000000x64xf32, #tpu.memory_space<hbm>>
      tpu.wait_indirect_dma semaphore(%arg20 : memref<!tpu.dma_semaphore, #tpu.memory_space<semaphore_mem>>) src(%dma_wait3A_132 : memref<1000000x64xf32, #tpu.memory_space<hbm>>) dst(%dma_wait3A_126 : memref<128x64xf32, #tpu.memory_space<vmem>>)
      %dma_wait3A_133 = arith.constant 384 : i32
      %dma_wait3A_134 = arith.constant 0 : i32
      %dma_wait3A_135 = tpu.memref_slice %arg14[%dma_wait3A_133, %dma_wait3A_134] : memref<640x64xf32, #tpu.memory_space<vmem>> -> memref<128x64xf32, #tpu.memory_space<vmem>>
      %dma_wait3A_136 = arith.constant 0 : i32
      %dma_wait3A_137 = tpu.memref_slice %arg11[%add3A_94, %dma_wait3A_136] : memref<80x128xi32, #tpu.memory_space<vmem>> -> memref<1x128xi32, #tpu.memory_space<vmem>>
      %dma_wait3A_138 = tpu.memref_squeeze %dma_wait3A_137 : memref<1x128xi32, #tpu.memory_space<vmem>> -> memref<128xi32, #tpu.memory_space<vmem>>
      %dma_wait3A_139 = arith.constant 0 : i32
      %dma_wait3A_140 = arith.constant 0 : i32
      %dma_wait3A_141 = tpu.memref_slice %arg6[%dma_wait3A_139, %dma_wait3A_140] : memref<1000000x64xf32, #tpu.memory_space<hbm>> -> memref<1000000x64xf32, #tpu.memory_space<hbm>>
      tpu.wait_indirect_dma semaphore(%arg20 : memref<!tpu.dma_semaphore, #tpu.memory_space<semaphore_mem>>) src(%dma_wait3A_141 : memref<1000000x64xf32, #tpu.memory_space<hbm>>) dst(%dma_wait3A_135 : memref<128x64xf32, #tpu.memory_space<vmem>>)
      %dma_wait3A_142 = arith.constant 512 : i32
      %dma_wait3A_143 = arith.constant 0 : i32
      %dma_wait3A_144 = tpu.memref_slice %arg14[%dma_wait3A_142, %dma_wait3A_143] : memref<640x64xf32, #tpu.memory_space<vmem>> -> memref<128x64xf32, #tpu.memory_space<vmem>>
      %dma_wait3A_145 = arith.constant 0 : i32
      %dma_wait3A_146 = tpu.memref_slice %arg11[%add3A_98, %dma_wait3A_145] : memref<80x128xi32, #tpu.memory_space<vmem>> -> memref<1x128xi32, #tpu.memory_space<vmem>>
      %dma_wait3A_147 = tpu.memref_squeeze %dma_wait3A_146 : memref<1x128xi32, #tpu.memory_space<vmem>> -> memref<128xi32, #tpu.memory_space<vmem>>
      %dma_wait3A_148 = arith.constant 0 : i32
      %dma_wait3A_149 = arith.constant 0 : i32
      %dma_wait3A_150 = tpu.memref_slice %arg6[%dma_wait3A_148, %dma_wait3A_149] : memref<1000000x64xf32, #tpu.memory_space<hbm>> -> memref<1000000x64xf32, #tpu.memory_space<hbm>>
      tpu.wait_indirect_dma semaphore(%arg20 : memref<!tpu.dma_semaphore, #tpu.memory_space<semaphore_mem>>) src(%dma_wait3A_150 : memref<1000000x64xf32, #tpu.memory_space<hbm>>) dst(%dma_wait3A_144 : memref<128x64xf32, #tpu.memory_space<vmem>>)
      %add3A_151 = arith.constant 1 : i32
      %add3A_152 = arith.addi %mul3A_74, %add3A_151 : i32
      %mul3A_153 = arith.constant 32 : i32
      %mul3A_154 = arith.muli %add3A_152, %mul3A_153 : i32
      %mul3A_155 = arith.constant 32 : i32
      %mul3A_156 = arith.muli %add3A_152, %mul3A_155 : i32
      %mul3A_157 = arith.constant 5 : i32
      %mul3A_158 = arith.muli %add3A_152, %mul3A_157 : i32
      %add3A_159 = arith.constant 0 : i32
      %add3A_160 = arith.addi %mul3A_158, %add3A_159 : i32
      %mul3A_161 = arith.constant 5 : i32
      %mul3A_162 = arith.muli %add3A_152, %mul3A_161 : i32
      %add3A_163 = arith.constant 1 : i32
      %add3A_164 = arith.addi %mul3A_162, %add3A_163 : i32
      %mul3A_165 = arith.constant 5 : i32
      %mul3A_166 = arith.muli %add3A_152, %mul3A_165 : i32
      %add3A_167 = arith.constant 2 : i32
      %add3A_168 = arith.addi %mul3A_166, %add3A_167 : i32
      %mul3A_169 = arith.constant 5 : i32
      %mul3A_170 = arith.muli %add3A_152, %mul3A_169 : i32
      %add3A_171 = arith.constant 3 : i32
      %add3A_172 = arith.addi %mul3A_170, %add3A_171 : i32
      %mul3A_173 = arith.constant 5 : i32
      %mul3A_174 = arith.muli %add3A_152, %mul3A_173 : i32
      %add3A_175 = arith.constant 4 : i32
      %add3A_176 = arith.addi %mul3A_174, %add3A_175 : i32
      %dma_start3A_177 = tpu.memref_slice %arg9[%mul3A_154] : memref<512xi32, #tpu.memory_space<vmem>> -> memref<32xi32, #tpu.memory_space<vmem>>
      %dma_start3A_178 = arith.constant 0 : i32
      %dma_start3A_179 = arith.constant 0 : i32
      %dma_start3A_180 = tpu.memref_slice %arg5[%dma_start3A_178, %dma_start3A_179] : memref<1000000x64xf32, #tpu.memory_space<hbm>> -> memref<1000000x64xf32, #tpu.memory_space<hbm>>
      tpu.enqueue_indirect_dma source(%dma_start3A_180 : memref<1000000x64xf32, #tpu.memory_space<hbm>>) target(%arg15 : memref<32x64xf32, #tpu.memory_space<vmem>>) offsets(%dma_start3A_177 : memref<32xi32, #tpu.memory_space<vmem>>) semaphore(%arg21 : memref<!tpu.dma_semaphore, #tpu.memory_space<semaphore_mem>>)
      %dma_start3A_181 = tpu.memref_slice %arg10[%mul3A_156] : memref<512xi32, #tpu.memory_space<vmem>> -> memref<32xi32, #tpu.memory_space<vmem>>
      %dma_start3A_182 = arith.constant 0 : i32
      %dma_start3A_183 = arith.constant 0 : i32
      %dma_start3A_184 = tpu.memref_slice %arg6[%dma_start3A_182, %dma_start3A_183] : memref<1000000x64xf32, #tpu.memory_space<hbm>> -> memref<1000000x64xf32, #tpu.memory_space<hbm>>
      tpu.enqueue_indirect_dma source(%dma_start3A_184 : memref<1000000x64xf32, #tpu.memory_space<hbm>>) target(%arg16 : memref<32x64xf32, #tpu.memory_space<vmem>>) offsets(%dma_start3A_181 : memref<32xi32, #tpu.memory_space<vmem>>) semaphore(%arg21 : memref<!tpu.dma_semaphore, #tpu.memory_space<semaphore_mem>>)
      %dma_start3A_185 = arith.constant 0 : i32
      %dma_start3A_186 = arith.constant 0 : i32
      %dma_start3A_187 = tpu.memref_slice %arg17[%dma_start3A_185, %dma_start3A_186] : memref<640x64xf32, #tpu.memory_space<vmem>> -> memref<128x64xf32, #tpu.memory_space<vmem>>
      %dma_start3A_188 = arith.constant 0 : i32
      %dma_start3A_189 = tpu.memref_slice %arg11[%add3A_160, %dma_start3A_188] : memref<80x128xi32, #tpu.memory_space<vmem>> -> memref<1x128xi32, #tpu.memory_space<vmem>>
      %dma_start3A_190 = tpu.memref_squeeze %dma_start3A_189 : memref<1x128xi32, #tpu.memory_space<vmem>> -> memref<128xi32, #tpu.memory_space<vmem>>
      %dma_start3A_191 = arith.constant 0 : i32
      %dma_start3A_192 = arith.constant 0 : i32
      %dma_start3A_193 = tpu.memref_slice %arg6[%dma_start3A_191, %dma_start3A_192] : memref<1000000x64xf32, #tpu.memory_space<hbm>> -> memref<1000000x64xf32, #tpu.memory_space<hbm>>
      tpu.enqueue_indirect_dma source(%dma_start3A_193 : memref<1000000x64xf32, #tpu.memory_space<hbm>>) target(%dma_start3A_187 : memref<128x64xf32, #tpu.memory_space<vmem>>) offsets(%dma_start3A_190 : memref<128xi32, #tpu.memory_space<vmem>>) semaphore(%arg21 : memref<!tpu.dma_semaphore, #tpu.memory_space<semaphore_mem>>)
      %dma_start3A_194 = arith.constant 128 : i32
      %dma_start3A_195 = arith.constant 0 : i32
      %dma_start3A_196 = tpu.memref_slice %arg17[%dma_start3A_194, %dma_start3A_195] : memref<640x64xf32, #tpu.memory_space<vmem>> -> memref<128x64xf32, #tpu.memory_space<vmem>>
      %dma_start3A_197 = arith.constant 0 : i32
      %dma_start3A_198 = tpu.memref_slice %arg11[%add3A_164, %dma_start3A_197] : memref<80x128xi32, #tpu.memory_space<vmem>> -> memref<1x128xi32, #tpu.memory_space<vmem>>
      %dma_start3A_199 = tpu.memref_squeeze %dma_start3A_198 : memref<1x128xi32, #tpu.memory_space<vmem>> -> memref<128xi32, #tpu.memory_space<vmem>>
      %dma_start3A_200 = arith.constant 0 : i32
      %dma_start3A_201 = arith.constant 0 : i32
      %dma_start3A_202 = tpu.memref_slice %arg6[%dma_start3A_200, %dma_start3A_201] : memref<1000000x64xf32, #tpu.memory_space<hbm>> -> memref<1000000x64xf32, #tpu.memory_space<hbm>>
      tpu.enqueue_indirect_dma source(%dma_start3A_202 : memref<1000000x64xf32, #tpu.memory_space<hbm>>) target(%dma_start3A_196 : memref<128x64xf32, #tpu.memory_space<vmem>>) offsets(%dma_start3A_199 : memref<128xi32, #tpu.memory_space<vmem>>) semaphore(%arg21 : memref<!tpu.dma_semaphore, #tpu.memory_space<semaphore_mem>>)
      %dma_start3A_203 = arith.constant 256 : i32
      %dma_start3A_204 = arith.constant 0 : i32
      %dma_start3A_205 = tpu.memref_slice %arg17[%dma_start3A_203, %dma_start3A_204] : memref<640x64xf32, #tpu.memory_space<vmem>> -> memref<128x64xf32, #tpu.memory_space<vmem>>
      %dma_start3A_206 = arith.constant 0 : i32
      %dma_start3A_207 = tpu.memref_slice %arg11[%add3A_168, %dma_start3A_206] : memref<80x128xi32, #tpu.memory_space<vmem>> -> memref<1x128xi32, #tpu.memory_space<vmem>>
      %dma_start3A_208 = tpu.memref_squeeze %dma_start3A_207 : memref<1x128xi32, #tpu.memory_space<vmem>> -> memref<128xi32, #tpu.memory_space<vmem>>
      %dma_start3A_209 = arith.constant 0 : i32
      %dma_start3A_210 = arith.constant 0 : i32
      %dma_start3A_211 = tpu.memref_slice %arg6[%dma_start3A_209, %dma_start3A_210] : memref<1000000x64xf32, #tpu.memory_space<hbm>> -> memref<1000000x64xf32, #tpu.memory_space<hbm>>
      tpu.enqueue_indirect_dma source(%dma_start3A_211 : memref<1000000x64xf32, #tpu.memory_space<hbm>>) target(%dma_start3A_205 : memref<128x64xf32, #tpu.memory_space<vmem>>) offsets(%dma_start3A_208 : memref<128xi32, #tpu.memory_space<vmem>>) semaphore(%arg21 : memref<!tpu.dma_semaphore, #tpu.memory_space<semaphore_mem>>)
      %dma_start3A_212 = arith.constant 384 : i32
      %dma_start3A_213 = arith.constant 0 : i32
      %dma_start3A_214 = tpu.memref_slice %arg17[%dma_start3A_212, %dma_start3A_213] : memref<640x64xf32, #tpu.memory_space<vmem>> -> memref<128x64xf32, #tpu.memory_space<vmem>>
      %dma_start3A_215 = arith.constant 0 : i32
      %dma_start3A_216 = tpu.memref_slice %arg11[%add3A_172, %dma_start3A_215] : memref<80x128xi32, #tpu.memory_space<vmem>> -> memref<1x128xi32, #tpu.memory_space<vmem>>
      %dma_start3A_217 = tpu.memref_squeeze %dma_start3A_216 : memref<1x128xi32, #tpu.memory_space<vmem>> -> memref<128xi32, #tpu.memory_space<vmem>>
      %dma_start3A_218 = arith.constant 0 : i32
      %dma_start3A_219 = arith.constant 0 : i32
      %dma_start3A_220 = tpu.memref_slice %arg6[%dma_start3A_218, %dma_start3A_219] : memref<1000000x64xf32, #tpu.memory_space<hbm>> -> memref<1000000x64xf32, #tpu.memory_space<hbm>>
      tpu.enqueue_indirect_dma source(%dma_start3A_220 : memref<1000000x64xf32, #tpu.memory_space<hbm>>) target(%dma_start3A_214 : memref<128x64xf32, #tpu.memory_space<vmem>>) offsets(%dma_start3A_217 : memref<128xi32, #tpu.memory_space<vmem>>) semaphore(%arg21 : memref<!tpu.dma_semaphore, #tpu.memory_space<semaphore_mem>>)
      %dma_start3A_221 = arith.constant 512 : i32
      %dma_start3A_222 = arith.constant 0 : i32
      %dma_start3A_223 = tpu.memref_slice %arg17[%dma_start3A_221, %dma_start3A_222] : memref<640x64xf32, #tpu.memory_space<vmem>> -> memref<128x64xf32, #tpu.memory_space<vmem>>
      %dma_start3A_224 = arith.constant 0 : i32
      %dma_start3A_225 = tpu.memref_slice %arg11[%add3A_176, %dma_start3A_224] : memref<80x128xi32, #tpu.memory_space<vmem>> -> memref<1x128xi32, #tpu.memory_space<vmem>>
      %dma_start3A_226 = tpu.memref_squeeze %dma_start3A_225 : memref<1x128xi32, #tpu.memory_space<vmem>> -> memref<128xi32, #tpu.memory_space<vmem>>
      %dma_start3A_227 = arith.constant 0 : i32
      %dma_start3A_228 = arith.constant 0 : i32
      %dma_start3A_229 = tpu.memref_slice %arg6[%dma_start3A_227, %dma_start3A_228] : memref<1000000x64xf32, #tpu.memory_space<hbm>> -> memref<1000000x64xf32, #tpu.memory_space<hbm>>
      tpu.enqueue_indirect_dma source(%dma_start3A_229 : memref<1000000x64xf32, #tpu.memory_space<hbm>>) target(%dma_start3A_223 : memref<128x64xf32, #tpu.memory_space<vmem>>) offsets(%dma_start3A_226 : memref<128xi32, #tpu.memory_space<vmem>>) semaphore(%arg21 : memref<!tpu.dma_semaphore, #tpu.memory_space<semaphore_mem>>)
      %scan3A_230 = arith.constant 0 : i32
      %scan3A_231 = arith.constant 0 : i32
      %scan3A_232 = arith.constant 2 : i32
      %scan3A_233 = arith.addi %scan3A_231, %scan3A_232 : i32
      %scan3A_234 = arith.constant 1 : i32
      scf.for %scan3A_325 = %scan3A_231 to %scan3A_233 step %scan3A_234  : i32 {
        %mul3A_326 = arith.constant 16 : i32
        %mul3A_327 = arith.muli %scan3A_325, %mul3A_326 : i32
        %add3A_328 = vector.broadcast %mul3A_327 : i32 to vector<16xi32>
        %add3A_329 = arith.addi %add3A_328, %iota3A : vector<16xi32>
        %broadcast_in_dim3A = arith.constant 0.000000e+00 : f32
        %broadcast_in_dim3A_330 = vector.broadcast %broadcast_in_dim3A : f32 to vector<16xf32>
        %scan3A_331 = arith.constant 0 : i32
        %scan3A_332 = arith.constant 16 : i32
        %scan3A_333 = arith.addi %scan3A_331, %scan3A_332 : i32
        %scan3A_334 = arith.constant 1 : i32
        %scan3A_335:21 = scf.for %scan3A_445 = %scan3A_331 to %scan3A_333 step %scan3A_334 iter_args(%scan3A_446 = %broadcast_in_dim3A_330, %scan3A_447 = %broadcast_in_dim3A_330, %scan3A_448 = %broadcast_in_dim3A_330, %scan3A_449 = %broadcast_in_dim3A_330, %scan3A_450 = %broadcast_in_dim3A_330, %scan3A_451 = %broadcast_in_dim3A_330, %scan3A_452 = %broadcast_in_dim3A_330, %scan3A_453 = %broadcast_in_dim3A_330, %scan3A_454 = %broadcast_in_dim3A_330, %scan3A_455 = %broadcast_in_dim3A_330, %scan3A_456 = %broadcast_in_dim3A_330, %scan3A_457 = %broadcast_in_dim3A_330, %scan3A_458 = %broadcast_in_dim3A_330, %scan3A_459 = %broadcast_in_dim3A_330, %scan3A_460 = %broadcast_in_dim3A_330, %scan3A_461 = %broadcast_in_dim3A_330, %scan3A_462 = %broadcast_in_dim3A_330, %scan3A_463 = %broadcast_in_dim3A_330, %scan3A_464 = %broadcast_in_dim3A_330, %scan3A_465 = %broadcast_in_dim3A_330, %scan3A_466 = %broadcast_in_dim3A_330) -> (vector<16xf32>, vector<16xf32>, vector<16xf32>, vector<16xf32>, vector<16xf32>, vector<16xf32>, vector<16xf32>, vector<16xf32>, vector<16xf32>, vector<16xf32>, vector<16xf32>, vector<16xf32>, vector<16xf32>, vector<16xf32>, vector<16xf32>, vector<16xf32>, vector<16xf32>, vector<16xf32>, vector<16xf32>, vector<16xf32>, vector<16xf32>)  : i32 {
          %mul3A_467 = arith.constant 4 : i32
          %mul3A_468 = arith.muli %scan3A_445, %mul3A_467 : i32
          %add3A_469 = arith.constant 0 : i32
          %add3A_470 = arith.addi %mul3A_468, %add3A_469 : i32
          %add3A_471 = vector.broadcast %add3A_470 : i32 to vector<16xi32>
          %add3A_472 = arith.addi %iota3A, %add3A_471 : vector<16xi32>
          %and3A_473 = arith.constant 63 : i32
          %and3A_474 = vector.broadcast %and3A_473 : i32 to vector<16xi32>
          %and3A_475 = arith.andi %add3A_472, %and3A_474 : vector<16xi32>
          %gather3A = tpu.vector_load_idx %arg12[%add3A_329, %and3A_475] : memref<32x64xf32, #tpu.memory_space<vmem>>[vector<16xi32>, vector<16xi32>], vector<16xf32>,
          %gather3A_476 = tpu.vector_load_idx %arg13[%add3A_329, %and3A_475] : memref<32x64xf32, #tpu.memory_space<vmem>>[vector<16xi32>, vector<16xi32>], vector<16xf32>,
          %mul3A_477 = arith.mulf %gather3A, %gather3A_476 : vector<16xf32>
          %add3A_478 = arith.addf %scan3A_446, %mul3A_477 : vector<16xf32>
          %add3A_479 = arith.constant 0 : i32
          %add3A_480 = vector.broadcast %add3A_479 : i32 to vector<16xi32>
          %add3A_481 = arith.addi %add3A_329, %add3A_480 : vector<16xi32>
          %gather3A_482 = tpu.vector_load_idx %arg14[%add3A_481, %and3A_475] : memref<640x64xf32, #tpu.memory_space<vmem>>[vector<16xi32>, vector<16xi32>], vector<16xf32>,
          %mul3A_483 = arith.mulf %gather3A, %gather3A_482 : vector<16xf32>
          %add3A_484 = arith.addf %scan3A_447, %mul3A_483 : vector<16xf32>
          %add3A_485 = arith.constant 32 : i32
          %add3A_486 = vector.broadcast %add3A_485 : i32 to vector<16xi32>
          %add3A_487 = arith.addi %add3A_329, %add3A_486 : vector<16xi32>
          %gather3A_488 = tpu.vector_load_idx %arg14[%add3A_487, %and3A_475] : memref<640x64xf32, #tpu.memory_space<vmem>>[vector<16xi32>, vector<16xi32>], vector<16xf32>,
          %mul3A_489 = arith.mulf %gather3A, %gather3A_488 : vector<16xf32>
          %add3A_490 = arith.addf %scan3A_448, %mul3A_489 : vector<16xf32>
          %add3A_491 = arith.constant 64 : i32
          %add3A_492 = vector.broadcast %add3A_491 : i32 to vector<16xi32>
          %add3A_493 = arith.addi %add3A_329, %add3A_492 : vector<16xi32>
          %gather3A_494 = tpu.vector_load_idx %arg14[%add3A_493, %and3A_475] : memref<640x64xf32, #tpu.memory_space<vmem>>[vector<16xi32>, vector<16xi32>], vector<16xf32>,
          %mul3A_495 = arith.mulf %gather3A, %gather3A_494 : vector<16xf32>
          %add3A_496 = arith.addf %scan3A_449, %mul3A_495 : vector<16xf32>
          %add3A_497 = arith.constant 96 : i32
          %add3A_498 = vector.broadcast %add3A_497 : i32 to vector<16xi32>
          %add3A_499 = arith.addi %add3A_329, %add3A_498 : vector<16xi32>
          %gather3A_500 = tpu.vector_load_idx %arg14[%add3A_499, %and3A_475] : memref<640x64xf32, #tpu.memory_space<vmem>>[vector<16xi32>, vector<16xi32>], vector<16xf32>,
          %mul3A_501 = arith.mulf %gather3A, %gather3A_500 : vector<16xf32>
          %add3A_502 = arith.addf %scan3A_450, %mul3A_501 : vector<16xf32>
          %add3A_503 = arith.constant 128 : i32
          %add3A_504 = vector.broadcast %add3A_503 : i32 to vector<16xi32>
          %add3A_505 = arith.addi %add3A_329, %add3A_504 : vector<16xi32>
          %gather3A_506 = tpu.vector_load_idx %arg14[%add3A_505, %and3A_475] : memref<640x64xf32, #tpu.memory_space<vmem>>[vector<16xi32>, vector<16xi32>], vector<16xf32>,
          %mul3A_507 = arith.mulf %gather3A, %gather3A_506 : vector<16xf32>
          %add3A_508 = arith.addf %scan3A_451, %mul3A_507 : vector<16xf32>
          %add3A_509 = arith.constant 160 : i32
          %add3A_510 = vector.broadcast %add3A_509 : i32 to vector<16xi32>
          %add3A_511 = arith.addi %add3A_329, %add3A_510 : vector<16xi32>
          %gather3A_512 = tpu.vector_load_idx %arg14[%add3A_511, %and3A_475] : memref<640x64xf32, #tpu.memory_space<vmem>>[vector<16xi32>, vector<16xi32>], vector<16xf32>,
          %mul3A_513 = arith.mulf %gather3A, %gather3A_512 : vector<16xf32>
          %add3A_514 = arith.addf %scan3A_452, %mul3A_513 : vector<16xf32>
          %add3A_515 = arith.constant 192 : i32
          %add3A_516 = vector.broadcast %add3A_515 : i32 to vector<16xi32>
          %add3A_517 = arith.addi %add3A_329, %add3A_516 : vector<16xi32>
          %gather3A_518 = tpu.vector_load_idx %arg14[%add3A_517, %and3A_475] : memref<640x64xf32, #tpu.memory_space<vmem>>[vector<16xi32>, vector<16xi32>], vector<16xf32>,
          %mul3A_519 = arith.mulf %gather3A, %gather3A_518 : vector<16xf32>
          %add3A_520 = arith.addf %scan3A_453, %mul3A_519 : vector<16xf32>
          %add3A_521 = arith.constant 224 : i32
          %add3A_522 = vector.broadcast %add3A_521 : i32 to vector<16xi32>
          %add3A_523 = arith.addi %add3A_329, %add3A_522 : vector<16xi32>
          %gather3A_524 = tpu.vector_load_idx %arg14[%add3A_523, %and3A_475] : memref<640x64xf32, #tpu.memory_space<vmem>>[vector<16xi32>, vector<16xi32>], vector<16xf32>,
          %mul3A_525 = arith.mulf %gather3A, %gather3A_524 : vector<16xf32>
          %add3A_526 = arith.addf %scan3A_454, %mul3A_525 : vector<16xf32>
          %add3A_527 = arith.constant 256 : i32
          %add3A_528 = vector.broadcast %add3A_527 : i32 to vector<16xi32>
          %add3A_529 = arith.addi %add3A_329, %add3A_528 : vector<16xi32>
          %gather3A_530 = tpu.vector_load_idx %arg14[%add3A_529, %and3A_475] : memref<640x64xf32, #tpu.memory_space<vmem>>[vector<16xi32>, vector<16xi32>], vector<16xf32>,
          %mul3A_531 = arith.mulf %gather3A, %gather3A_530 : vector<16xf32>
          %add3A_532 = arith.addf %scan3A_455, %mul3A_531 : vector<16xf32>
          %add3A_533 = arith.constant 288 : i32
          %add3A_534 = vector.broadcast %add3A_533 : i32 to vector<16xi32>
          %add3A_535 = arith.addi %add3A_329, %add3A_534 : vector<16xi32>
          %gather3A_536 = tpu.vector_load_idx %arg14[%add3A_535, %and3A_475] : memref<640x64xf32, #tpu.memory_space<vmem>>[vector<16xi32>, vector<16xi32>], vector<16xf32>,
          %mul3A_537 = arith.mulf %gather3A, %gather3A_536 : vector<16xf32>
          %add3A_538 = arith.addf %scan3A_456, %mul3A_537 : vector<16xf32>
          %add3A_539 = arith.constant 320 : i32
          %add3A_540 = vector.broadcast %add3A_539 : i32 to vector<16xi32>
          %add3A_541 = arith.addi %add3A_329, %add3A_540 : vector<16xi32>
          %gather3A_542 = tpu.vector_load_idx %arg14[%add3A_541, %and3A_475] : memref<640x64xf32, #tpu.memory_space<vmem>>[vector<16xi32>, vector<16xi32>], vector<16xf32>,
          %mul3A_543 = arith.mulf %gather3A, %gather3A_542 : vector<16xf32>
          %add3A_544 = arith.addf %scan3A_457, %mul3A_543 : vector<16xf32>
          %add3A_545 = arith.constant 352 : i32
          %add3A_546 = vector.broadcast %add3A_545 : i32 to vector<16xi32>
          %add3A_547 = arith.addi %add3A_329, %add3A_546 : vector<16xi32>
          %gather3A_548 = tpu.vector_load_idx %arg14[%add3A_547, %and3A_475] : memref<640x64xf32, #tpu.memory_space<vmem>>[vector<16xi32>, vector<16xi32>], vector<16xf32>,
          %mul3A_549 = arith.mulf %gather3A, %gather3A_548 : vector<16xf32>
          %add3A_550 = arith.addf %scan3A_458, %mul3A_549 : vector<16xf32>
          %add3A_551 = arith.constant 384 : i32
          %add3A_552 = vector.broadcast %add3A_551 : i32 to vector<16xi32>
          %add3A_553 = arith.addi %add3A_329, %add3A_552 : vector<16xi32>
          %gather3A_554 = tpu.vector_load_idx %arg14[%add3A_553, %and3A_475] : memref<640x64xf32, #tpu.memory_space<vmem>>[vector<16xi32>, vector<16xi32>], vector<16xf32>,
          %mul3A_555 = arith.mulf %gather3A, %gather3A_554 : vector<16xf32>
          %add3A_556 = arith.addf %scan3A_459, %mul3A_555 : vector<16xf32>
          %add3A_557 = arith.constant 416 : i32
          %add3A_558 = vector.broadcast %add3A_557 : i32 to vector<16xi32>
          %add3A_559 = arith.addi %add3A_329, %add3A_558 : vector<16xi32>
          %gather3A_560 = tpu.vector_load_idx %arg14[%add3A_559, %and3A_475] : memref<640x64xf32, #tpu.memory_space<vmem>>[vector<16xi32>, vector<16xi32>], vector<16xf32>,
          %mul3A_561 = arith.mulf %gather3A, %gather3A_560 : vector<16xf32>
          %add3A_562 = arith.addf %scan3A_460, %mul3A_561 : vector<16xf32>
          %add3A_563 = arith.constant 448 : i32
          %add3A_564 = vector.broadcast %add3A_563 : i32 to vector<16xi32>
          %add3A_565 = arith.addi %add3A_329, %add3A_564 : vector<16xi32>
          %gather3A_566 = tpu.vector_load_idx %arg14[%add3A_565, %and3A_475] : memref<640x64xf32, #tpu.memory_space<vmem>>[vector<16xi32>, vector<16xi32>], vector<16xf32>,
          %mul3A_567 = arith.mulf %gather3A, %gather3A_566 : vector<16xf32>
          %add3A_568 = arith.addf %scan3A_461, %mul3A_567 : vector<16xf32>
          %add3A_569 = arith.constant 480 : i32
          %add3A_570 = vector.broadcast %add3A_569 : i32 to vector<16xi32>
          %add3A_571 = arith.addi %add3A_329, %add3A_570 : vector<16xi32>
          %gather3A_572 = tpu.vector_load_idx %arg14[%add3A_571, %and3A_475] : memref<640x64xf32, #tpu.memory_space<vmem>>[vector<16xi32>, vector<16xi32>], vector<16xf32>,
          %mul3A_573 = arith.mulf %gather3A, %gather3A_572 : vector<16xf32>
          %add3A_574 = arith.addf %scan3A_462, %mul3A_573 : vector<16xf32>
          %add3A_575 = arith.constant 512 : i32
          %add3A_576 = vector.broadcast %add3A_575 : i32 to vector<16xi32>
          %add3A_577 = arith.addi %add3A_329, %add3A_576 : vector<16xi32>
          %gather3A_578 = tpu.vector_load_idx %arg14[%add3A_577, %and3A_475] : memref<640x64xf32, #tpu.memory_space<vmem>>[vector<16xi32>, vector<16xi32>], vector<16xf32>,
          %mul3A_579 = arith.mulf %gather3A, %gather3A_578 : vector<16xf32>
          %add3A_580 = arith.addf %scan3A_463, %mul3A_579 : vector<16xf32>
          %add3A_581 = arith.constant 544 : i32
          %add3A_582 = vector.broadcast %add3A_581 : i32 to vector<16xi32>
          %add3A_583 = arith.addi %add3A_329, %add3A_582 : vector<16xi32>
          %gather3A_584 = tpu.vector_load_idx %arg14[%add3A_583, %and3A_475] : memref<640x64xf32, #tpu.memory_space<vmem>>[vector<16xi32>, vector<16xi32>], vector<16xf32>,
          %mul3A_585 = arith.mulf %gather3A, %gather3A_584 : vector<16xf32>
          %add3A_586 = arith.addf %scan3A_464, %mul3A_585 : vector<16xf32>
          %add3A_587 = arith.constant 576 : i32
          %add3A_588 = vector.broadcast %add3A_587 : i32 to vector<16xi32>
          %add3A_589 = arith.addi %add3A_329, %add3A_588 : vector<16xi32>
          %gather3A_590 = tpu.vector_load_idx %arg14[%add3A_589, %and3A_475] : memref<640x64xf32, #tpu.memory_space<vmem>>[vector<16xi32>, vector<16xi32>], vector<16xf32>,
          %mul3A_591 = arith.mulf %gather3A, %gather3A_590 : vector<16xf32>
          %add3A_592 = arith.addf %scan3A_465, %mul3A_591 : vector<16xf32>
          %add3A_593 = arith.constant 608 : i32
          %add3A_594 = vector.broadcast %add3A_593 : i32 to vector<16xi32>
          %add3A_595 = arith.addi %add3A_329, %add3A_594 : vector<16xi32>
          %gather3A_596 = tpu.vector_load_idx %arg14[%add3A_595, %and3A_475] : memref<640x64xf32, #tpu.memory_space<vmem>>[vector<16xi32>, vector<16xi32>], vector<16xf32>,
          %mul3A_597 = arith.mulf %gather3A, %gather3A_596 : vector<16xf32>
          %add3A_598 = arith.addf %scan3A_466, %mul3A_597 : vector<16xf32>
          %add3A_599 = arith.constant 1 : i32
          %add3A_600 = arith.addi %mul3A_468, %add3A_599 : i32
          %add3A_601 = vector.broadcast %add3A_600 : i32 to vector<16xi32>
          %add3A_602 = arith.addi %iota3A, %add3A_601 : vector<16xi32>
          %and3A_603 = arith.constant 63 : i32
          %and3A_604 = vector.broadcast %and3A_603 : i32 to vector<16xi32>
          %and3A_605 = arith.andi %add3A_602, %and3A_604 : vector<16xi32>
          %gather3A_606 = tpu.vector_load_idx %arg12[%add3A_329, %and3A_605] : memref<32x64xf32, #tpu.memory_space<vmem>>[vector<16xi32>, vector<16xi32>], vector<16xf32>,
          %gather3A_607 = tpu.vector_load_idx %arg13[%add3A_329, %and3A_605] : memref<32x64xf32, #tpu.memory_space<vmem>>[vector<16xi32>, vector<16xi32>], vector<16xf32>,
          %mul3A_608 = arith.mulf %gather3A_606, %gather3A_607 : vector<16xf32>
          %add3A_609 = arith.addf %add3A_478, %mul3A_608 : vector<16xf32>
          %add3A_610 = arith.constant 0 : i32
          %add3A_611 = vector.broadcast %add3A_610 : i32 to vector<16xi32>
          %add3A_612 = arith.addi %add3A_329, %add3A_611 : vector<16xi32>
          %gather3A_613 = tpu.vector_load_idx %arg14[%add3A_612, %and3A_605] : memref<640x64xf32, #tpu.memory_space<vmem>>[vector<16xi32>, vector<16xi32>], vector<16xf32>,
          %mul3A_614 = arith.mulf %gather3A_606, %gather3A_613 : vector<16xf32>
          %add3A_615 = arith.addf %add3A_484, %mul3A_614 : vector<16xf32>
          %add3A_616 = arith.constant 32 : i32
          %add3A_617 = vector.broadcast %add3A_616 : i32 to vector<16xi32>
          %add3A_618 = arith.addi %add3A_329, %add3A_617 : vector<16xi32>
          %gather3A_619 = tpu.vector_load_idx %arg14[%add3A_618, %and3A_605] : memref<640x64xf32, #tpu.memory_space<vmem>>[vector<16xi32>, vector<16xi32>], vector<16xf32>,
          %mul3A_620 = arith.mulf %gather3A_606, %gather3A_619 : vector<16xf32>
          %add3A_621 = arith.addf %add3A_490, %mul3A_620 : vector<16xf32>
          %add3A_622 = arith.constant 64 : i32
          %add3A_623 = vector.broadcast %add3A_622 : i32 to vector<16xi32>
          %add3A_624 = arith.addi %add3A_329, %add3A_623 : vector<16xi32>
          %gather3A_625 = tpu.vector_load_idx %arg14[%add3A_624, %and3A_605] : memref<640x64xf32, #tpu.memory_space<vmem>>[vector<16xi32>, vector<16xi32>], vector<16xf32>,
          %mul3A_626 = arith.mulf %gather3A_606, %gather3A_625 : vector<16xf32>
          %add3A_627 = arith.addf %add3A_496, %mul3A_626 : vector<16xf32>
          %add3A_628 = arith.constant 96 : i32
          %add3A_629 = vector.broadcast %add3A_628 : i32 to vector<16xi32>
          %add3A_630 = arith.addi %add3A_329, %add3A_629 : vector<16xi32>
          %gather3A_631 = tpu.vector_load_idx %arg14[%add3A_630, %and3A_605] : memref<640x64xf32, #tpu.memory_space<vmem>>[vector<16xi32>, vector<16xi32>], vector<16xf32>,
          %mul3A_632 = arith.mulf %gather3A_606, %gather3A_631 : vector<16xf32>
          %add3A_633 = arith.addf %add3A_502, %mul3A_632 : vector<16xf32>
          %add3A_634 = arith.constant 128 : i32
          %add3A_635 = vector.broadcast %add3A_634 : i32 to vector<16xi32>
          %add3A_636 = arith.addi %add3A_329, %add3A_635 : vector<16xi32>
          %gather3A_637 = tpu.vector_load_idx %arg14[%add3A_636, %and3A_605] : memref<640x64xf32, #tpu.memory_space<vmem>>[vector<16xi32>, vector<16xi32>], vector<16xf32>,
          %mul3A_638 = arith.mulf %gather3A_606, %gather3A_637 : vector<16xf32>
          %add3A_639 = arith.addf %add3A_508, %mul3A_638 : vector<16xf32>
          %add3A_640 = arith.constant 160 : i32
          %add3A_641 = vector.broadcast %add3A_640 : i32 to vector<16xi32>
          %add3A_642 = arith.addi %add3A_329, %add3A_641 : vector<16xi32>
          %gather3A_643 = tpu.vector_load_idx %arg14[%add3A_642, %and3A_605] : memref<640x64xf32, #tpu.memory_space<vmem>>[vector<16xi32>, vector<16xi32>], vector<16xf32>,
          %mul3A_644 = arith.mulf %gather3A_606, %gather3A_643 : vector<16xf32>
          %add3A_645 = arith.addf %add3A_514, %mul3A_644 : vector<16xf32>
          %add3A_646 = arith.constant 192 : i32
          %add3A_647 = vector.broadcast %add3A_646 : i32 to vector<16xi32>
          %add3A_648 = arith.addi %add3A_329, %add3A_647 : vector<16xi32>
          %gather3A_649 = tpu.vector_load_idx %arg14[%add3A_648, %and3A_605] : memref<640x64xf32, #tpu.memory_space<vmem>>[vector<16xi32>, vector<16xi32>], vector<16xf32>,
          %mul3A_650 = arith.mulf %gather3A_606, %gather3A_649 : vector<16xf32>
          %add3A_651 = arith.addf %add3A_520, %mul3A_650 : vector<16xf32>
          %add3A_652 = arith.constant 224 : i32
          %add3A_653 = vector.broadcast %add3A_652 : i32 to vector<16xi32>
          %add3A_654 = arith.addi %add3A_329, %add3A_653 : vector<16xi32>
          %gather3A_655 = tpu.vector_load_idx %arg14[%add3A_654, %and3A_605] : memref<640x64xf32, #tpu.memory_space<vmem>>[vector<16xi32>, vector<16xi32>], vector<16xf32>,
          %mul3A_656 = arith.mulf %gather3A_606, %gather3A_655 : vector<16xf32>
          %add3A_657 = arith.addf %add3A_526, %mul3A_656 : vector<16xf32>
          %add3A_658 = arith.constant 256 : i32
          %add3A_659 = vector.broadcast %add3A_658 : i32 to vector<16xi32>
          %add3A_660 = arith.addi %add3A_329, %add3A_659 : vector<16xi32>
          %gather3A_661 = tpu.vector_load_idx %arg14[%add3A_660, %and3A_605] : memref<640x64xf32, #tpu.memory_space<vmem>>[vector<16xi32>, vector<16xi32>], vector<16xf32>,
          %mul3A_662 = arith.mulf %gather3A_606, %gather3A_661 : vector<16xf32>
          %add3A_663 = arith.addf %add3A_532, %mul3A_662 : vector<16xf32>
          %add3A_664 = arith.constant 288 : i32
          %add3A_665 = vector.broadcast %add3A_664 : i32 to vector<16xi32>
          %add3A_666 = arith.addi %add3A_329, %add3A_665 : vector<16xi32>
          %gather3A_667 = tpu.vector_load_idx %arg14[%add3A_666, %and3A_605] : memref<640x64xf32, #tpu.memory_space<vmem>>[vector<16xi32>, vector<16xi32>], vector<16xf32>,
          %mul3A_668 = arith.mulf %gather3A_606, %gather3A_667 : vector<16xf32>
          %add3A_669 = arith.addf %add3A_538, %mul3A_668 : vector<16xf32>
          %add3A_670 = arith.constant 320 : i32
          %add3A_671 = vector.broadcast %add3A_670 : i32 to vector<16xi32>
          %add3A_672 = arith.addi %add3A_329, %add3A_671 : vector<16xi32>
          %gather3A_673 = tpu.vector_load_idx %arg14[%add3A_672, %and3A_605] : memref<640x64xf32, #tpu.memory_space<vmem>>[vector<16xi32>, vector<16xi32>], vector<16xf32>,
          %mul3A_674 = arith.mulf %gather3A_606, %gather3A_673 : vector<16xf32>
          %add3A_675 = arith.addf %add3A_544, %mul3A_674 : vector<16xf32>
          %add3A_676 = arith.constant 352 : i32
          %add3A_677 = vector.broadcast %add3A_676 : i32 to vector<16xi32>
          %add3A_678 = arith.addi %add3A_329, %add3A_677 : vector<16xi32>
          %gather3A_679 = tpu.vector_load_idx %arg14[%add3A_678, %and3A_605] : memref<640x64xf32, #tpu.memory_space<vmem>>[vector<16xi32>, vector<16xi32>], vector<16xf32>,
          %mul3A_680 = arith.mulf %gather3A_606, %gather3A_679 : vector<16xf32>
          %add3A_681 = arith.addf %add3A_550, %mul3A_680 : vector<16xf32>
          %add3A_682 = arith.constant 384 : i32
          %add3A_683 = vector.broadcast %add3A_682 : i32 to vector<16xi32>
          %add3A_684 = arith.addi %add3A_329, %add3A_683 : vector<16xi32>
          %gather3A_685 = tpu.vector_load_idx %arg14[%add3A_684, %and3A_605] : memref<640x64xf32, #tpu.memory_space<vmem>>[vector<16xi32>, vector<16xi32>], vector<16xf32>,
          %mul3A_686 = arith.mulf %gather3A_606, %gather3A_685 : vector<16xf32>
          %add3A_687 = arith.addf %add3A_556, %mul3A_686 : vector<16xf32>
          %add3A_688 = arith.constant 416 : i32
          %add3A_689 = vector.broadcast %add3A_688 : i32 to vector<16xi32>
          %add3A_690 = arith.addi %add3A_329, %add3A_689 : vector<16xi32>
          %gather3A_691 = tpu.vector_load_idx %arg14[%add3A_690, %and3A_605] : memref<640x64xf32, #tpu.memory_space<vmem>>[vector<16xi32>, vector<16xi32>], vector<16xf32>,
          %mul3A_692 = arith.mulf %gather3A_606, %gather3A_691 : vector<16xf32>
          %add3A_693 = arith.addf %add3A_562, %mul3A_692 : vector<16xf32>
          %add3A_694 = arith.constant 448 : i32
          %add3A_695 = vector.broadcast %add3A_694 : i32 to vector<16xi32>
          %add3A_696 = arith.addi %add3A_329, %add3A_695 : vector<16xi32>
          %gather3A_697 = tpu.vector_load_idx %arg14[%add3A_696, %and3A_605] : memref<640x64xf32, #tpu.memory_space<vmem>>[vector<16xi32>, vector<16xi32>], vector<16xf32>,
          %mul3A_698 = arith.mulf %gather3A_606, %gather3A_697 : vector<16xf32>
          %add3A_699 = arith.addf %add3A_568, %mul3A_698 : vector<16xf32>
          %add3A_700 = arith.constant 480 : i32
          %add3A_701 = vector.broadcast %add3A_700 : i32 to vector<16xi32>
          %add3A_702 = arith.addi %add3A_329, %add3A_701 : vector<16xi32>
          %gather3A_703 = tpu.vector_load_idx %arg14[%add3A_702, %and3A_605] : memref<640x64xf32, #tpu.memory_space<vmem>>[vector<16xi32>, vector<16xi32>], vector<16xf32>,
          %mul3A_704 = arith.mulf %gather3A_606, %gather3A_703 : vector<16xf32>
          %add3A_705 = arith.addf %add3A_574, %mul3A_704 : vector<16xf32>
          %add3A_706 = arith.constant 512 : i32
          %add3A_707 = vector.broadcast %add3A_706 : i32 to vector<16xi32>
          %add3A_708 = arith.addi %add3A_329, %add3A_707 : vector<16xi32>
          %gather3A_709 = tpu.vector_load_idx %arg14[%add3A_708, %and3A_605] : memref<640x64xf32, #tpu.memory_space<vmem>>[vector<16xi32>, vector<16xi32>], vector<16xf32>,
          %mul3A_710 = arith.mulf %gather3A_606, %gather3A_709 : vector<16xf32>
          %add3A_711 = arith.addf %add3A_580, %mul3A_710 : vector<16xf32>
          %add3A_712 = arith.constant 544 : i32
          %add3A_713 = vector.broadcast %add3A_712 : i32 to vector<16xi32>
          %add3A_714 = arith.addi %add3A_329, %add3A_713 : vector<16xi32>
          %gather3A_715 = tpu.vector_load_idx %arg14[%add3A_714, %and3A_605] : memref<640x64xf32, #tpu.memory_space<vmem>>[vector<16xi32>, vector<16xi32>], vector<16xf32>,
          %mul3A_716 = arith.mulf %gather3A_606, %gather3A_715 : vector<16xf32>
          %add3A_717 = arith.addf %add3A_586, %mul3A_716 : vector<16xf32>
          %add3A_718 = arith.constant 576 : i32
          %add3A_719 = vector.broadcast %add3A_718 : i32 to vector<16xi32>
          %add3A_720 = arith.addi %add3A_329, %add3A_719 : vector<16xi32>
          %gather3A_721 = tpu.vector_load_idx %arg14[%add3A_720, %and3A_605] : memref<640x64xf32, #tpu.memory_space<vmem>>[vector<16xi32>, vector<16xi32>], vector<16xf32>,
          %mul3A_722 = arith.mulf %gather3A_606, %gather3A_721 : vector<16xf32>
          %add3A_723 = arith.addf %add3A_592, %mul3A_722 : vector<16xf32>
          %add3A_724 = arith.constant 608 : i32
          %add3A_725 = vector.broadcast %add3A_724 : i32 to vector<16xi32>
          %add3A_726 = arith.addi %add3A_329, %add3A_725 : vector<16xi32>
          %gather3A_727 = tpu.vector_load_idx %arg14[%add3A_726, %and3A_605] : memref<640x64xf32, #tpu.memory_space<vmem>>[vector<16xi32>, vector<16xi32>], vector<16xf32>,
          %mul3A_728 = arith.mulf %gather3A_606, %gather3A_727 : vector<16xf32>
          %add3A_729 = arith.addf %add3A_598, %mul3A_728 : vector<16xf32>
          %add3A_730 = arith.constant 2 : i32
          %add3A_731 = arith.addi %mul3A_468, %add3A_730 : i32
          %add3A_732 = vector.broadcast %add3A_731 : i32 to vector<16xi32>
          %add3A_733 = arith.addi %iota3A, %add3A_732 : vector<16xi32>
          %and3A_734 = arith.constant 63 : i32
          %and3A_735 = vector.broadcast %and3A_734 : i32 to vector<16xi32>
          %and3A_736 = arith.andi %add3A_733, %and3A_735 : vector<16xi32>
          %gather3A_737 = tpu.vector_load_idx %arg12[%add3A_329, %and3A_736] : memref<32x64xf32, #tpu.memory_space<vmem>>[vector<16xi32>, vector<16xi32>], vector<16xf32>,
          %gather3A_738 = tpu.vector_load_idx %arg13[%add3A_329, %and3A_736] : memref<32x64xf32, #tpu.memory_space<vmem>>[vector<16xi32>, vector<16xi32>], vector<16xf32>,
          %mul3A_739 = arith.mulf %gather3A_737, %gather3A_738 : vector<16xf32>
          %add3A_740 = arith.addf %add3A_609, %mul3A_739 : vector<16xf32>
          %add3A_741 = arith.constant 0 : i32
          %add3A_742 = vector.broadcast %add3A_741 : i32 to vector<16xi32>
          %add3A_743 = arith.addi %add3A_329, %add3A_742 : vector<16xi32>
          %gather3A_744 = tpu.vector_load_idx %arg14[%add3A_743, %and3A_736] : memref<640x64xf32, #tpu.memory_space<vmem>>[vector<16xi32>, vector<16xi32>], vector<16xf32>,
          %mul3A_745 = arith.mulf %gather3A_737, %gather3A_744 : vector<16xf32>
          %add3A_746 = arith.addf %add3A_615, %mul3A_745 : vector<16xf32>
          %add3A_747 = arith.constant 32 : i32
          %add3A_748 = vector.broadcast %add3A_747 : i32 to vector<16xi32>
          %add3A_749 = arith.addi %add3A_329, %add3A_748 : vector<16xi32>
          %gather3A_750 = tpu.vector_load_idx %arg14[%add3A_749, %and3A_736] : memref<640x64xf32, #tpu.memory_space<vmem>>[vector<16xi32>, vector<16xi32>], vector<16xf32>,
          %mul3A_751 = arith.mulf %gather3A_737, %gather3A_750 : vector<16xf32>
          %add3A_752 = arith.addf %add3A_621, %mul3A_751 : vector<16xf32>
          %add3A_753 = arith.constant 64 : i32
          %add3A_754 = vector.broadcast %add3A_753 : i32 to vector<16xi32>
          %add3A_755 = arith.addi %add3A_329, %add3A_754 : vector<16xi32>
          %gather3A_756 = tpu.vector_load_idx %arg14[%add3A_755, %and3A_736] : memref<640x64xf32, #tpu.memory_space<vmem>>[vector<16xi32>, vector<16xi32>], vector<16xf32>,
          %mul3A_757 = arith.mulf %gather3A_737, %gather3A_756 : vector<16xf32>
          %add3A_758 = arith.addf %add3A_627, %mul3A_757 : vector<16xf32>
          %add3A_759 = arith.constant 96 : i32
          %add3A_760 = vector.broadcast %add3A_759 : i32 to vector<16xi32>
          %add3A_761 = arith.addi %add3A_329, %add3A_760 : vector<16xi32>
          %gather3A_762 = tpu.vector_load_idx %arg14[%add3A_761, %and3A_736] : memref<640x64xf32, #tpu.memory_space<vmem>>[vector<16xi32>, vector<16xi32>], vector<16xf32>,
          %mul3A_763 = arith.mulf %gather3A_737, %gather3A_762 : vector<16xf32>
          %add3A_764 = arith.addf %add3A_633, %mul3A_763 : vector<16xf32>
          %add3A_765 = arith.constant 128 : i32
          %add3A_766 = vector.broadcast %add3A_765 : i32 to vector<16xi32>
          %add3A_767 = arith.addi %add3A_329, %add3A_766 : vector<16xi32>
          %gather3A_768 = tpu.vector_load_idx %arg14[%add3A_767, %and3A_736] : memref<640x64xf32, #tpu.memory_space<vmem>>[vector<16xi32>, vector<16xi32>], vector<16xf32>,
          %mul3A_769 = arith.mulf %gather3A_737, %gather3A_768 : vector<16xf32>
          %add3A_770 = arith.addf %add3A_639, %mul3A_769 : vector<16xf32>
          %add3A_771 = arith.constant 160 : i32
          %add3A_772 = vector.broadcast %add3A_771 : i32 to vector<16xi32>
          %add3A_773 = arith.addi %add3A_329, %add3A_772 : vector<16xi32>
          %gather3A_774 = tpu.vector_load_idx %arg14[%add3A_773, %and3A_736] : memref<640x64xf32, #tpu.memory_space<vmem>>[vector<16xi32>, vector<16xi32>], vector<16xf32>,
          %mul3A_775 = arith.mulf %gather3A_737, %gather3A_774 : vector<16xf32>
          %add3A_776 = arith.addf %add3A_645, %mul3A_775 : vector<16xf32>
          %add3A_777 = arith.constant 192 : i32
          %add3A_778 = vector.broadcast %add3A_777 : i32 to vector<16xi32>
          %add3A_779 = arith.addi %add3A_329, %add3A_778 : vector<16xi32>
          %gather3A_780 = tpu.vector_load_idx %arg14[%add3A_779, %and3A_736] : memref<640x64xf32, #tpu.memory_space<vmem>>[vector<16xi32>, vector<16xi32>], vector<16xf32>,
          %mul3A_781 = arith.mulf %gather3A_737, %gather3A_780 : vector<16xf32>
          %add3A_782 = arith.addf %add3A_651, %mul3A_781 : vector<16xf32>
          %add3A_783 = arith.constant 224 : i32
          %add3A_784 = vector.broadcast %add3A_783 : i32 to vector<16xi32>
          %add3A_785 = arith.addi %add3A_329, %add3A_784 : vector<16xi32>
          %gather3A_786 = tpu.vector_load_idx %arg14[%add3A_785, %and3A_736] : memref<640x64xf32, #tpu.memory_space<vmem>>[vector<16xi32>, vector<16xi32>], vector<16xf32>,
          %mul3A_787 = arith.mulf %gather3A_737, %gather3A_786 : vector<16xf32>
          %add3A_788 = arith.addf %add3A_657, %mul3A_787 : vector<16xf32>
          %add3A_789 = arith.constant 256 : i32
          %add3A_790 = vector.broadcast %add3A_789 : i32 to vector<16xi32>
          %add3A_791 = arith.addi %add3A_329, %add3A_790 : vector<16xi32>
          %gather3A_792 = tpu.vector_load_idx %arg14[%add3A_791, %and3A_736] : memref<640x64xf32, #tpu.memory_space<vmem>>[vector<16xi32>, vector<16xi32>], vector<16xf32>,
          %mul3A_793 = arith.mulf %gather3A_737, %gather3A_792 : vector<16xf32>
          %add3A_794 = arith.addf %add3A_663, %mul3A_793 : vector<16xf32>
          %add3A_795 = arith.constant 288 : i32
          %add3A_796 = vector.broadcast %add3A_795 : i32 to vector<16xi32>
          %add3A_797 = arith.addi %add3A_329, %add3A_796 : vector<16xi32>
          %gather3A_798 = tpu.vector_load_idx %arg14[%add3A_797, %and3A_736] : memref<640x64xf32, #tpu.memory_space<vmem>>[vector<16xi32>, vector<16xi32>], vector<16xf32>,
          %mul3A_799 = arith.mulf %gather3A_737, %gather3A_798 : vector<16xf32>
          %add3A_800 = arith.addf %add3A_669, %mul3A_799 : vector<16xf32>
          %add3A_801 = arith.constant 320 : i32
          %add3A_802 = vector.broadcast %add3A_801 : i32 to vector<16xi32>
          %add3A_803 = arith.addi %add3A_329, %add3A_802 : vector<16xi32>
          %gather3A_804 = tpu.vector_load_idx %arg14[%add3A_803, %and3A_736] : memref<640x64xf32, #tpu.memory_space<vmem>>[vector<16xi32>, vector<16xi32>], vector<16xf32>,
          %mul3A_805 = arith.mulf %gather3A_737, %gather3A_804 : vector<16xf32>
          %add3A_806 = arith.addf %add3A_675, %mul3A_805 : vector<16xf32>
          %add3A_807 = arith.constant 352 : i32
          %add3A_808 = vector.broadcast %add3A_807 : i32 to vector<16xi32>
          %add3A_809 = arith.addi %add3A_329, %add3A_808 : vector<16xi32>
          %gather3A_810 = tpu.vector_load_idx %arg14[%add3A_809, %and3A_736] : memref<640x64xf32, #tpu.memory_space<vmem>>[vector<16xi32>, vector<16xi32>], vector<16xf32>,
          %mul3A_811 = arith.mulf %gather3A_737, %gather3A_810 : vector<16xf32>
          %add3A_812 = arith.addf %add3A_681, %mul3A_811 : vector<16xf32>
          %add3A_813 = arith.constant 384 : i32
          %add3A_814 = vector.broadcast %add3A_813 : i32 to vector<16xi32>
          %add3A_815 = arith.addi %add3A_329, %add3A_814 : vector<16xi32>
          %gather3A_816 = tpu.vector_load_idx %arg14[%add3A_815, %and3A_736] : memref<640x64xf32, #tpu.memory_space<vmem>>[vector<16xi32>, vector<16xi32>], vector<16xf32>,
          %mul3A_817 = arith.mulf %gather3A_737, %gather3A_816 : vector<16xf32>
          %add3A_818 = arith.addf %add3A_687, %mul3A_817 : vector<16xf32>
          %add3A_819 = arith.constant 416 : i32
          %add3A_820 = vector.broadcast %add3A_819 : i32 to vector<16xi32>
          %add3A_821 = arith.addi %add3A_329, %add3A_820 : vector<16xi32>
          %gather3A_822 = tpu.vector_load_idx %arg14[%add3A_821, %and3A_736] : memref<640x64xf32, #tpu.memory_space<vmem>>[vector<16xi32>, vector<16xi32>], vector<16xf32>,
          %mul3A_823 = arith.mulf %gather3A_737, %gather3A_822 : vector<16xf32>
          %add3A_824 = arith.addf %add3A_693, %mul3A_823 : vector<16xf32>
          %add3A_825 = arith.constant 448 : i32
          %add3A_826 = vector.broadcast %add3A_825 : i32 to vector<16xi32>
          %add3A_827 = arith.addi %add3A_329, %add3A_826 : vector<16xi32>
          %gather3A_828 = tpu.vector_load_idx %arg14[%add3A_827, %and3A_736] : memref<640x64xf32, #tpu.memory_space<vmem>>[vector<16xi32>, vector<16xi32>], vector<16xf32>,
          %mul3A_829 = arith.mulf %gather3A_737, %gather3A_828 : vector<16xf32>
          %add3A_830 = arith.addf %add3A_699, %mul3A_829 : vector<16xf32>
          %add3A_831 = arith.constant 480 : i32
          %add3A_832 = vector.broadcast %add3A_831 : i32 to vector<16xi32>
          %add3A_833 = arith.addi %add3A_329, %add3A_832 : vector<16xi32>
          %gather3A_834 = tpu.vector_load_idx %arg14[%add3A_833, %and3A_736] : memref<640x64xf32, #tpu.memory_space<vmem>>[vector<16xi32>, vector<16xi32>], vector<16xf32>,
          %mul3A_835 = arith.mulf %gather3A_737, %gather3A_834 : vector<16xf32>
          %add3A_836 = arith.addf %add3A_705, %mul3A_835 : vector<16xf32>
          %add3A_837 = arith.constant 512 : i32
          %add3A_838 = vector.broadcast %add3A_837 : i32 to vector<16xi32>
          %add3A_839 = arith.addi %add3A_329, %add3A_838 : vector<16xi32>
          %gather3A_840 = tpu.vector_load_idx %arg14[%add3A_839, %and3A_736] : memref<640x64xf32, #tpu.memory_space<vmem>>[vector<16xi32>, vector<16xi32>], vector<16xf32>,
          %mul3A_841 = arith.mulf %gather3A_737, %gather3A_840 : vector<16xf32>
          %add3A_842 = arith.addf %add3A_711, %mul3A_841 : vector<16xf32>
          %add3A_843 = arith.constant 544 : i32
          %add3A_844 = vector.broadcast %add3A_843 : i32 to vector<16xi32>
          %add3A_845 = arith.addi %add3A_329, %add3A_844 : vector<16xi32>
          %gather3A_846 = tpu.vector_load_idx %arg14[%add3A_845, %and3A_736] : memref<640x64xf32, #tpu.memory_space<vmem>>[vector<16xi32>, vector<16xi32>], vector<16xf32>,
          %mul3A_847 = arith.mulf %gather3A_737, %gather3A_846 : vector<16xf32>
          %add3A_848 = arith.addf %add3A_717, %mul3A_847 : vector<16xf32>
          %add3A_849 = arith.constant 576 : i32
          %add3A_850 = vector.broadcast %add3A_849 : i32 to vector<16xi32>
          %add3A_851 = arith.addi %add3A_329, %add3A_850 : vector<16xi32>
          %gather3A_852 = tpu.vector_load_idx %arg14[%add3A_851, %and3A_736] : memref<640x64xf32, #tpu.memory_space<vmem>>[vector<16xi32>, vector<16xi32>], vector<16xf32>,
          %mul3A_853 = arith.mulf %gather3A_737, %gather3A_852 : vector<16xf32>
          %add3A_854 = arith.addf %add3A_723, %mul3A_853 : vector<16xf32>
          %add3A_855 = arith.constant 608 : i32
          %add3A_856 = vector.broadcast %add3A_855 : i32 to vector<16xi32>
          %add3A_857 = arith.addi %add3A_329, %add3A_856 : vector<16xi32>
          %gather3A_858 = tpu.vector_load_idx %arg14[%add3A_857, %and3A_736] : memref<640x64xf32, #tpu.memory_space<vmem>>[vector<16xi32>, vector<16xi32>], vector<16xf32>,
          %mul3A_859 = arith.mulf %gather3A_737, %gather3A_858 : vector<16xf32>
          %add3A_860 = arith.addf %add3A_729, %mul3A_859 : vector<16xf32>
          %add3A_861 = arith.constant 3 : i32
          %add3A_862 = arith.addi %mul3A_468, %add3A_861 : i32
          %add3A_863 = vector.broadcast %add3A_862 : i32 to vector<16xi32>
          %add3A_864 = arith.addi %iota3A, %add3A_863 : vector<16xi32>
          %and3A_865 = arith.constant 63 : i32
          %and3A_866 = vector.broadcast %and3A_865 : i32 to vector<16xi32>
          %and3A_867 = arith.andi %add3A_864, %and3A_866 : vector<16xi32>
          %gather3A_868 = tpu.vector_load_idx %arg12[%add3A_329, %and3A_867] : memref<32x64xf32, #tpu.memory_space<vmem>>[vector<16xi32>, vector<16xi32>], vector<16xf32>,
          %gather3A_869 = tpu.vector_load_idx %arg13[%add3A_329, %and3A_867] : memref<32x64xf32, #tpu.memory_space<vmem>>[vector<16xi32>, vector<16xi32>], vector<16xf32>,
          %mul3A_870 = arith.mulf %gather3A_868, %gather3A_869 : vector<16xf32>
          %add3A_871 = arith.addf %add3A_740, %mul3A_870 : vector<16xf32>
          %add3A_872 = arith.constant 0 : i32
          %add3A_873 = vector.broadcast %add3A_872 : i32 to vector<16xi32>
          %add3A_874 = arith.addi %add3A_329, %add3A_873 : vector<16xi32>
          %gather3A_875 = tpu.vector_load_idx %arg14[%add3A_874, %and3A_867] : memref<640x64xf32, #tpu.memory_space<vmem>>[vector<16xi32>, vector<16xi32>], vector<16xf32>,
          %mul3A_876 = arith.mulf %gather3A_868, %gather3A_875 : vector<16xf32>
          %add3A_877 = arith.addf %add3A_746, %mul3A_876 : vector<16xf32>
          %add3A_878 = arith.constant 32 : i32
          %add3A_879 = vector.broadcast %add3A_878 : i32 to vector<16xi32>
          %add3A_880 = arith.addi %add3A_329, %add3A_879 : vector<16xi32>
          %gather3A_881 = tpu.vector_load_idx %arg14[%add3A_880, %and3A_867] : memref<640x64xf32, #tpu.memory_space<vmem>>[vector<16xi32>, vector<16xi32>], vector<16xf32>,
          %mul3A_882 = arith.mulf %gather3A_868, %gather3A_881 : vector<16xf32>
          %add3A_883 = arith.addf %add3A_752, %mul3A_882 : vector<16xf32>
          %add3A_884 = arith.constant 64 : i32
          %add3A_885 = vector.broadcast %add3A_884 : i32 to vector<16xi32>
          %add3A_886 = arith.addi %add3A_329, %add3A_885 : vector<16xi32>
          %gather3A_887 = tpu.vector_load_idx %arg14[%add3A_886, %and3A_867] : memref<640x64xf32, #tpu.memory_space<vmem>>[vector<16xi32>, vector<16xi32>], vector<16xf32>,
          %mul3A_888 = arith.mulf %gather3A_868, %gather3A_887 : vector<16xf32>
          %add3A_889 = arith.addf %add3A_758, %mul3A_888 : vector<16xf32>
          %add3A_890 = arith.constant 96 : i32
          %add3A_891 = vector.broadcast %add3A_890 : i32 to vector<16xi32>
          %add3A_892 = arith.addi %add3A_329, %add3A_891 : vector<16xi32>
          %gather3A_893 = tpu.vector_load_idx %arg14[%add3A_892, %and3A_867] : memref<640x64xf32, #tpu.memory_space<vmem>>[vector<16xi32>, vector<16xi32>], vector<16xf32>,
          %mul3A_894 = arith.mulf %gather3A_868, %gather3A_893 : vector<16xf32>
          %add3A_895 = arith.addf %add3A_764, %mul3A_894 : vector<16xf32>
          %add3A_896 = arith.constant 128 : i32
          %add3A_897 = vector.broadcast %add3A_896 : i32 to vector<16xi32>
          %add3A_898 = arith.addi %add3A_329, %add3A_897 : vector<16xi32>
          %gather3A_899 = tpu.vector_load_idx %arg14[%add3A_898, %and3A_867] : memref<640x64xf32, #tpu.memory_space<vmem>>[vector<16xi32>, vector<16xi32>], vector<16xf32>,
          %mul3A_900 = arith.mulf %gather3A_868, %gather3A_899 : vector<16xf32>
          %add3A_901 = arith.addf %add3A_770, %mul3A_900 : vector<16xf32>
          %add3A_902 = arith.constant 160 : i32
          %add3A_903 = vector.broadcast %add3A_902 : i32 to vector<16xi32>
          %add3A_904 = arith.addi %add3A_329, %add3A_903 : vector<16xi32>
          %gather3A_905 = tpu.vector_load_idx %arg14[%add3A_904, %and3A_867] : memref<640x64xf32, #tpu.memory_space<vmem>>[vector<16xi32>, vector<16xi32>], vector<16xf32>,
          %mul3A_906 = arith.mulf %gather3A_868, %gather3A_905 : vector<16xf32>
          %add3A_907 = arith.addf %add3A_776, %mul3A_906 : vector<16xf32>
          %add3A_908 = arith.constant 192 : i32
          %add3A_909 = vector.broadcast %add3A_908 : i32 to vector<16xi32>
          %add3A_910 = arith.addi %add3A_329, %add3A_909 : vector<16xi32>
          %gather3A_911 = tpu.vector_load_idx %arg14[%add3A_910, %and3A_867] : memref<640x64xf32, #tpu.memory_space<vmem>>[vector<16xi32>, vector<16xi32>], vector<16xf32>,
          %mul3A_912 = arith.mulf %gather3A_868, %gather3A_911 : vector<16xf32>
          %add3A_913 = arith.addf %add3A_782, %mul3A_912 : vector<16xf32>
          %add3A_914 = arith.constant 224 : i32
          %add3A_915 = vector.broadcast %add3A_914 : i32 to vector<16xi32>
          %add3A_916 = arith.addi %add3A_329, %add3A_915 : vector<16xi32>
          %gather3A_917 = tpu.vector_load_idx %arg14[%add3A_916, %and3A_867] : memref<640x64xf32, #tpu.memory_space<vmem>>[vector<16xi32>, vector<16xi32>], vector<16xf32>,
          %mul3A_918 = arith.mulf %gather3A_868, %gather3A_917 : vector<16xf32>
          %add3A_919 = arith.addf %add3A_788, %mul3A_918 : vector<16xf32>
          %add3A_920 = arith.constant 256 : i32
          %add3A_921 = vector.broadcast %add3A_920 : i32 to vector<16xi32>
          %add3A_922 = arith.addi %add3A_329, %add3A_921 : vector<16xi32>
          %gather3A_923 = tpu.vector_load_idx %arg14[%add3A_922, %and3A_867] : memref<640x64xf32, #tpu.memory_space<vmem>>[vector<16xi32>, vector<16xi32>], vector<16xf32>,
          %mul3A_924 = arith.mulf %gather3A_868, %gather3A_923 : vector<16xf32>
          %add3A_925 = arith.addf %add3A_794, %mul3A_924 : vector<16xf32>
          %add3A_926 = arith.constant 288 : i32
          %add3A_927 = vector.broadcast %add3A_926 : i32 to vector<16xi32>
          %add3A_928 = arith.addi %add3A_329, %add3A_927 : vector<16xi32>
          %gather3A_929 = tpu.vector_load_idx %arg14[%add3A_928, %and3A_867] : memref<640x64xf32, #tpu.memory_space<vmem>>[vector<16xi32>, vector<16xi32>], vector<16xf32>,
          %mul3A_930 = arith.mulf %gather3A_868, %gather3A_929 : vector<16xf32>
          %add3A_931 = arith.addf %add3A_800, %mul3A_930 : vector<16xf32>
          %add3A_932 = arith.constant 320 : i32
          %add3A_933 = vector.broadcast %add3A_932 : i32 to vector<16xi32>
          %add3A_934 = arith.addi %add3A_329, %add3A_933 : vector<16xi32>
          %gather3A_935 = tpu.vector_load_idx %arg14[%add3A_934, %and3A_867] : memref<640x64xf32, #tpu.memory_space<vmem>>[vector<16xi32>, vector<16xi32>], vector<16xf32>,
          %mul3A_936 = arith.mulf %gather3A_868, %gather3A_935 : vector<16xf32>
          %add3A_937 = arith.addf %add3A_806, %mul3A_936 : vector<16xf32>
          %add3A_938 = arith.constant 352 : i32
          %add3A_939 = vector.broadcast %add3A_938 : i32 to vector<16xi32>
          %add3A_940 = arith.addi %add3A_329, %add3A_939 : vector<16xi32>
          %gather3A_941 = tpu.vector_load_idx %arg14[%add3A_940, %and3A_867] : memref<640x64xf32, #tpu.memory_space<vmem>>[vector<16xi32>, vector<16xi32>], vector<16xf32>,
          %mul3A_942 = arith.mulf %gather3A_868, %gather3A_941 : vector<16xf32>
          %add3A_943 = arith.addf %add3A_812, %mul3A_942 : vector<16xf32>
          %add3A_944 = arith.constant 384 : i32
          %add3A_945 = vector.broadcast %add3A_944 : i32 to vector<16xi32>
          %add3A_946 = arith.addi %add3A_329, %add3A_945 : vector<16xi32>
          %gather3A_947 = tpu.vector_load_idx %arg14[%add3A_946, %and3A_867] : memref<640x64xf32, #tpu.memory_space<vmem>>[vector<16xi32>, vector<16xi32>], vector<16xf32>,
          %mul3A_948 = arith.mulf %gather3A_868, %gather3A_947 : vector<16xf32>
          %add3A_949 = arith.addf %add3A_818, %mul3A_948 : vector<16xf32>
          %add3A_950 = arith.constant 416 : i32
          %add3A_951 = vector.broadcast %add3A_950 : i32 to vector<16xi32>
          %add3A_952 = arith.addi %add3A_329, %add3A_951 : vector<16xi32>
          %gather3A_953 = tpu.vector_load_idx %arg14[%add3A_952, %and3A_867] : memref<640x64xf32, #tpu.memory_space<vmem>>[vector<16xi32>, vector<16xi32>], vector<16xf32>,
          %mul3A_954 = arith.mulf %gather3A_868, %gather3A_953 : vector<16xf32>
          %add3A_955 = arith.addf %add3A_824, %mul3A_954 : vector<16xf32>
          %add3A_956 = arith.constant 448 : i32
          %add3A_957 = vector.broadcast %add3A_956 : i32 to vector<16xi32>
          %add3A_958 = arith.addi %add3A_329, %add3A_957 : vector<16xi32>
          %gather3A_959 = tpu.vector_load_idx %arg14[%add3A_958, %and3A_867] : memref<640x64xf32, #tpu.memory_space<vmem>>[vector<16xi32>, vector<16xi32>], vector<16xf32>,
          %mul3A_960 = arith.mulf %gather3A_868, %gather3A_959 : vector<16xf32>
          %add3A_961 = arith.addf %add3A_830, %mul3A_960 : vector<16xf32>
          %add3A_962 = arith.constant 480 : i32
          %add3A_963 = vector.broadcast %add3A_962 : i32 to vector<16xi32>
          %add3A_964 = arith.addi %add3A_329, %add3A_963 : vector<16xi32>
          %gather3A_965 = tpu.vector_load_idx %arg14[%add3A_964, %and3A_867] : memref<640x64xf32, #tpu.memory_space<vmem>>[vector<16xi32>, vector<16xi32>], vector<16xf32>,
          %mul3A_966 = arith.mulf %gather3A_868, %gather3A_965 : vector<16xf32>
          %add3A_967 = arith.addf %add3A_836, %mul3A_966 : vector<16xf32>
          %add3A_968 = arith.constant 512 : i32
          %add3A_969 = vector.broadcast %add3A_968 : i32 to vector<16xi32>
          %add3A_970 = arith.addi %add3A_329, %add3A_969 : vector<16xi32>
          %gather3A_971 = tpu.vector_load_idx %arg14[%add3A_970, %and3A_867] : memref<640x64xf32, #tpu.memory_space<vmem>>[vector<16xi32>, vector<16xi32>], vector<16xf32>,
          %mul3A_972 = arith.mulf %gather3A_868, %gather3A_971 : vector<16xf32>
          %add3A_973 = arith.addf %add3A_842, %mul3A_972 : vector<16xf32>
          %add3A_974 = arith.constant 544 : i32
          %add3A_975 = vector.broadcast %add3A_974 : i32 to vector<16xi32>
          %add3A_976 = arith.addi %add3A_329, %add3A_975 : vector<16xi32>
          %gather3A_977 = tpu.vector_load_idx %arg14[%add3A_976, %and3A_867] : memref<640x64xf32, #tpu.memory_space<vmem>>[vector<16xi32>, vector<16xi32>], vector<16xf32>,
          %mul3A_978 = arith.mulf %gather3A_868, %gather3A_977 : vector<16xf32>
          %add3A_979 = arith.addf %add3A_848, %mul3A_978 : vector<16xf32>
          %add3A_980 = arith.constant 576 : i32
          %add3A_981 = vector.broadcast %add3A_980 : i32 to vector<16xi32>
          %add3A_982 = arith.addi %add3A_329, %add3A_981 : vector<16xi32>
          %gather3A_983 = tpu.vector_load_idx %arg14[%add3A_982, %and3A_867] : memref<640x64xf32, #tpu.memory_space<vmem>>[vector<16xi32>, vector<16xi32>], vector<16xf32>,
          %mul3A_984 = arith.mulf %gather3A_868, %gather3A_983 : vector<16xf32>
          %add3A_985 = arith.addf %add3A_854, %mul3A_984 : vector<16xf32>
          %add3A_986 = arith.constant 608 : i32
          %add3A_987 = vector.broadcast %add3A_986 : i32 to vector<16xi32>
          %add3A_988 = arith.addi %add3A_329, %add3A_987 : vector<16xi32>
          %gather3A_989 = tpu.vector_load_idx %arg14[%add3A_988, %and3A_867] : memref<640x64xf32, #tpu.memory_space<vmem>>[vector<16xi32>, vector<16xi32>], vector<16xf32>,
          %mul3A_990 = arith.mulf %gather3A_868, %gather3A_989 : vector<16xf32>
          %add3A_991 = arith.addf %add3A_860, %mul3A_990 : vector<16xf32>
          scf.yield %add3A_871, %add3A_877, %add3A_883, %add3A_889, %add3A_895, %add3A_901, %add3A_907, %add3A_913, %add3A_919, %add3A_925, %add3A_931, %add3A_937, %add3A_943, %add3A_949, %add3A_955, %add3A_961, %add3A_967, %add3A_973, %add3A_979, %add3A_985, %add3A_991 : vector<16xf32>, vector<16xf32>, vector<16xf32>, vector<16xf32>, vector<16xf32>, vector<16xf32>, vector<16xf32>, vector<16xf32>, vector<16xf32>, vector<16xf32>, vector<16xf32>, vector<16xf32>, vector<16xf32>, vector<16xf32>, vector<16xf32>, vector<16xf32>, vector<16xf32>, vector<16xf32>, vector<16xf32>, vector<16xf32>, vector<16xf32>
        }
        %scan3A_336 = arith.constant 16 : i32
        %mul3A_337 = arith.constant 32 : i32
        %mul3A_338 = arith.muli %mul3A_74, %mul3A_337 : i32
        %mul3A_339 = arith.constant 16 : i32
        %mul3A_340 = arith.muli %scan3A_325, %mul3A_339 : i32
        %add3A_341 = arith.addi %mul3A_338, %mul3A_340 : i32
        %shift_right_arithmetic3A = arith.constant 7 : i32
        %shift_right_arithmetic3A_342 = arith.shrsi %add3A_341, %shift_right_arithmetic3A : i32
        %and3A = arith.constant 127 : i32
        %and3A_343 = arith.andi %add3A_341, %and3A : i32
        %swap3A = arith.index_cast %add3A_341 : i32 to index
        %swap3A_344 = tpu.vector_load %arg18[%swap3A] {strides = array<i32>} : memref<512xf32, #tpu.memory_space<vmem>>, vector<16xf32>,
        tpu.vector_store %arg18[%swap3A], %scan3A_335#0 {strides = array<i32>} : memref<512xf32, #tpu.memory_space<vmem>>, vector<16xf32>,
        %add3A_345 = arith.constant 0 : i32
        %add3A_346 = arith.addi %add3A_345, %shift_right_arithmetic3A_342 : i32
        %swap3A_347 = arith.index_cast %add3A_346 : i32 to index
        %swap3A_348 = arith.index_cast %and3A_343 : i32 to index
        %swap3A_349 = tpu.vector_load %arg19[%swap3A_347, %swap3A_348] {strides = array<i32>} : memref<80x128xf32, #tpu.memory_space<vmem>>, vector<16xf32>,
        tpu.vector_store %arg19[%swap3A_347, %swap3A_348], %scan3A_335#1 {strides = array<i32>} : memref<80x128xf32, #tpu.memory_space<vmem>>, vector<16xf32>,
        %add3A_350 = arith.constant 4 : i32
        %add3A_351 = arith.addi %add3A_350, %shift_right_arithmetic3A_342 : i32
        %swap3A_352 = arith.index_cast %add3A_351 : i32 to index
        %swap3A_353 = arith.index_cast %and3A_343 : i32 to index
        %swap3A_354 = tpu.vector_load %arg19[%swap3A_352, %swap3A_353] {strides = array<i32>} : memref<80x128xf32, #tpu.memory_space<vmem>>, vector<16xf32>,
        tpu.vector_store %arg19[%swap3A_352, %swap3A_353], %scan3A_335#2 {strides = array<i32>} : memref<80x128xf32, #tpu.memory_space<vmem>>, vector<16xf32>,
        %add3A_355 = arith.constant 8 : i32
        %add3A_356 = arith.addi %add3A_355, %shift_right_arithmetic3A_342 : i32
        %swap3A_357 = arith.index_cast %add3A_356 : i32 to index
        %swap3A_358 = arith.index_cast %and3A_343 : i32 to index
        %swap3A_359 = tpu.vector_load %arg19[%swap3A_357, %swap3A_358] {strides = array<i32>} : memref<80x128xf32, #tpu.memory_space<vmem>>, vector<16xf32>,
        tpu.vector_store %arg19[%swap3A_357, %swap3A_358], %scan3A_335#3 {strides = array<i32>} : memref<80x128xf32, #tpu.memory_space<vmem>>, vector<16xf32>,
        %add3A_360 = arith.constant 12 : i32
        %add3A_361 = arith.addi %add3A_360, %shift_right_arithmetic3A_342 : i32
        %swap3A_362 = arith.index_cast %add3A_361 : i32 to index
        %swap3A_363 = arith.index_cast %and3A_343 : i32 to index
        %swap3A_364 = tpu.vector_load %arg19[%swap3A_362, %swap3A_363] {strides = array<i32>} : memref<80x128xf32, #tpu.memory_space<vmem>>, vector<16xf32>,
        tpu.vector_store %arg19[%swap3A_362, %swap3A_363], %scan3A_335#4 {strides = array<i32>} : memref<80x128xf32, #tpu.memory_space<vmem>>, vector<16xf32>,
        %add3A_365 = arith.constant 16 : i32
        %add3A_366 = arith.addi %add3A_365, %shift_right_arithmetic3A_342 : i32
        %swap3A_367 = arith.index_cast %add3A_366 : i32 to index
        %swap3A_368 = arith.index_cast %and3A_343 : i32 to index
        %swap3A_369 = tpu.vector_load %arg19[%swap3A_367, %swap3A_368] {strides = array<i32>} : memref<80x128xf32, #tpu.memory_space<vmem>>, vector<16xf32>,
        tpu.vector_store %arg19[%swap3A_367, %swap3A_368], %scan3A_335#5 {strides = array<i32>} : memref<80x128xf32, #tpu.memory_space<vmem>>, vector<16xf32>,
        %add3A_370 = arith.constant 20 : i32
        %add3A_371 = arith.addi %add3A_370, %shift_right_arithmetic3A_342 : i32
        %swap3A_372 = arith.index_cast %add3A_371 : i32 to index
        %swap3A_373 = arith.index_cast %and3A_343 : i32 to index
        %swap3A_374 = tpu.vector_load %arg19[%swap3A_372, %swap3A_373] {strides = array<i32>} : memref<80x128xf32, #tpu.memory_space<vmem>>, vector<16xf32>,
        tpu.vector_store %arg19[%swap3A_372, %swap3A_373], %scan3A_335#6 {strides = array<i32>} : memref<80x128xf32, #tpu.memory_space<vmem>>, vector<16xf32>,
        %add3A_375 = arith.constant 24 : i32
        %add3A_376 = arith.addi %add3A_375, %shift_right_arithmetic3A_342 : i32
        %swap3A_377 = arith.index_cast %add3A_376 : i32 to index
        %swap3A_378 = arith.index_cast %and3A_343 : i32 to index
        %swap3A_379 = tpu.vector_load %arg19[%swap3A_377, %swap3A_378] {strides = array<i32>} : memref<80x128xf32, #tpu.memory_space<vmem>>, vector<16xf32>,
        tpu.vector_store %arg19[%swap3A_377, %swap3A_378], %scan3A_335#7 {strides = array<i32>} : memref<80x128xf32, #tpu.memory_space<vmem>>, vector<16xf32>,
        %add3A_380 = arith.constant 28 : i32
        %add3A_381 = arith.addi %add3A_380, %shift_right_arithmetic3A_342 : i32
        %swap3A_382 = arith.index_cast %add3A_381 : i32 to index
        %swap3A_383 = arith.index_cast %and3A_343 : i32 to index
        %swap3A_384 = tpu.vector_load %arg19[%swap3A_382, %swap3A_383] {strides = array<i32>} : memref<80x128xf32, #tpu.memory_space<vmem>>, vector<16xf32>,
        tpu.vector_store %arg19[%swap3A_382, %swap3A_383], %scan3A_335#8 {strides = array<i32>} : memref<80x128xf32, #tpu.memory_space<vmem>>, vector<16xf32>,
        %add3A_385 = arith.constant 32 : i32
        %add3A_386 = arith.addi %add3A_385, %shift_right_arithmetic3A_342 : i32
        %swap3A_387 = arith.index_cast %add3A_386 : i32 to index
        %swap3A_388 = arith.index_cast %and3A_343 : i32 to index
        %swap3A_389 = tpu.vector_load %arg19[%swap3A_387, %swap3A_388] {strides = array<i32>} : memref<80x128xf32, #tpu.memory_space<vmem>>, vector<16xf32>,
        tpu.vector_store %arg19[%swap3A_387, %swap3A_388], %scan3A_335#9 {strides = array<i32>} : memref<80x128xf32, #tpu.memory_space<vmem>>, vector<16xf32>,
        %add3A_390 = arith.constant 36 : i32
        %add3A_391 = arith.addi %add3A_390, %shift_right_arithmetic3A_342 : i32
        %swap3A_392 = arith.index_cast %add3A_391 : i32 to index
        %swap3A_393 = arith.index_cast %and3A_343 : i32 to index
        %swap3A_394 = tpu.vector_load %arg19[%swap3A_392, %swap3A_393] {strides = array<i32>} : memref<80x128xf32, #tpu.memory_space<vmem>>, vector<16xf32>,
        tpu.vector_store %arg19[%swap3A_392, %swap3A_393], %scan3A_335#10 {strides = array<i32>} : memref<80x128xf32, #tpu.memory_space<vmem>>, vector<16xf32>,
        %add3A_395 = arith.constant 40 : i32
        %add3A_396 = arith.addi %add3A_395, %shift_right_arithmetic3A_342 : i32
        %swap3A_397 = arith.index_cast %add3A_396 : i32 to index
        %swap3A_398 = arith.index_cast %and3A_343 : i32 to index
        %swap3A_399 = tpu.vector_load %arg19[%swap3A_397, %swap3A_398] {strides = array<i32>} : memref<80x128xf32, #tpu.memory_space<vmem>>, vector<16xf32>,
        tpu.vector_store %arg19[%swap3A_397, %swap3A_398], %scan3A_335#11 {strides = array<i32>} : memref<80x128xf32, #tpu.memory_space<vmem>>, vector<16xf32>,
        %add3A_400 = arith.constant 44 : i32
        %add3A_401 = arith.addi %add3A_400, %shift_right_arithmetic3A_342 : i32
        %swap3A_402 = arith.index_cast %add3A_401 : i32 to index
        %swap3A_403 = arith.index_cast %and3A_343 : i32 to index
        %swap3A_404 = tpu.vector_load %arg19[%swap3A_402, %swap3A_403] {strides = array<i32>} : memref<80x128xf32, #tpu.memory_space<vmem>>, vector<16xf32>,
        tpu.vector_store %arg19[%swap3A_402, %swap3A_403], %scan3A_335#12 {strides = array<i32>} : memref<80x128xf32, #tpu.memory_space<vmem>>, vector<16xf32>,
        %add3A_405 = arith.constant 48 : i32
        %add3A_406 = arith.addi %add3A_405, %shift_right_arithmetic3A_342 : i32
        %swap3A_407 = arith.index_cast %add3A_406 : i32 to index
        %swap3A_408 = arith.index_cast %and3A_343 : i32 to index
        %swap3A_409 = tpu.vector_load %arg19[%swap3A_407, %swap3A_408] {strides = array<i32>} : memref<80x128xf32, #tpu.memory_space<vmem>>, vector<16xf32>,
        tpu.vector_store %arg19[%swap3A_407, %swap3A_408], %scan3A_335#13 {strides = array<i32>} : memref<80x128xf32, #tpu.memory_space<vmem>>, vector<16xf32>,
        %add3A_410 = arith.constant 52 : i32
        %add3A_411 = arith.addi %add3A_410, %shift_right_arithmetic3A_342 : i32
        %swap3A_412 = arith.index_cast %add3A_411 : i32 to index
        %swap3A_413 = arith.index_cast %and3A_343 : i32 to index
        %swap3A_414 = tpu.vector_load %arg19[%swap3A_412, %swap3A_413] {strides = array<i32>} : memref<80x128xf32, #tpu.memory_space<vmem>>, vector<16xf32>,
        tpu.vector_store %arg19[%swap3A_412, %swap3A_413], %scan3A_335#14 {strides = array<i32>} : memref<80x128xf32, #tpu.memory_space<vmem>>, vector<16xf32>,
        %add3A_415 = arith.constant 56 : i32
        %add3A_416 = arith.addi %add3A_415, %shift_right_arithmetic3A_342 : i32
        %swap3A_417 = arith.index_cast %add3A_416 : i32 to index
        %swap3A_418 = arith.index_cast %and3A_343 : i32 to index
        %swap3A_419 = tpu.vector_load %arg19[%swap3A_417, %swap3A_418] {strides = array<i32>} : memref<80x128xf32, #tpu.memory_space<vmem>>, vector<16xf32>,
        tpu.vector_store %arg19[%swap3A_417, %swap3A_418], %scan3A_335#15 {strides = array<i32>} : memref<80x128xf32, #tpu.memory_space<vmem>>, vector<16xf32>,
        %add3A_420 = arith.constant 60 : i32
        %add3A_421 = arith.addi %add3A_420, %shift_right_arithmetic3A_342 : i32
        %swap3A_422 = arith.index_cast %add3A_421 : i32 to index
        %swap3A_423 = arith.index_cast %and3A_343 : i32 to index
        %swap3A_424 = tpu.vector_load %arg19[%swap3A_422, %swap3A_423] {strides = array<i32>} : memref<80x128xf32, #tpu.memory_space<vmem>>, vector<16xf32>,
        tpu.vector_store %arg19[%swap3A_422, %swap3A_423], %scan3A_335#16 {strides = array<i32>} : memref<80x128xf32, #tpu.memory_space<vmem>>, vector<16xf32>,
        %add3A_425 = arith.constant 64 : i32
        %add3A_426 = arith.addi %add3A_425, %shift_right_arithmetic3A_342 : i32
        %swap3A_427 = arith.index_cast %add3A_426 : i32 to index
        %swap3A_428 = arith.index_cast %and3A_343 : i32 to index
        %swap3A_429 = tpu.vector_load %arg19[%swap3A_427, %swap3A_428] {strides = array<i32>} : memref<80x128xf32, #tpu.memory_space<vmem>>, vector<16xf32>,
        tpu.vector_store %arg19[%swap3A_427, %swap3A_428], %scan3A_335#17 {strides = array<i32>} : memref<80x128xf32, #tpu.memory_space<vmem>>, vector<16xf32>,
        %add3A_430 = arith.constant 68 : i32
        %add3A_431 = arith.addi %add3A_430, %shift_right_arithmetic3A_342 : i32
        %swap3A_432 = arith.index_cast %add3A_431 : i32 to index
        %swap3A_433 = arith.index_cast %and3A_343 : i32 to index
        %swap3A_434 = tpu.vector_load %arg19[%swap3A_432, %swap3A_433] {strides = array<i32>} : memref<80x128xf32, #tpu.memory_space<vmem>>, vector<16xf32>,
        tpu.vector_store %arg19[%swap3A_432, %swap3A_433], %scan3A_335#18 {strides = array<i32>} : memref<80x128xf32, #tpu.memory_space<vmem>>, vector<16xf32>,
        %add3A_435 = arith.constant 72 : i32
        %add3A_436 = arith.addi %add3A_435, %shift_right_arithmetic3A_342 : i32
        %swap3A_437 = arith.index_cast %add3A_436 : i32 to index
        %swap3A_438 = arith.index_cast %and3A_343 : i32 to index
        %swap3A_439 = tpu.vector_load %arg19[%swap3A_437, %swap3A_438] {strides = array<i32>} : memref<80x128xf32, #tpu.memory_space<vmem>>, vector<16xf32>,
        tpu.vector_store %arg19[%swap3A_437, %swap3A_438], %scan3A_335#19 {strides = array<i32>} : memref<80x128xf32, #tpu.memory_space<vmem>>, vector<16xf32>,
        %add3A_440 = arith.constant 76 : i32
        %add3A_441 = arith.addi %add3A_440, %shift_right_arithmetic3A_342 : i32
        %swap3A_442 = arith.index_cast %add3A_441 : i32 to index
        %swap3A_443 = arith.index_cast %and3A_343 : i32 to index
        %swap3A_444 = tpu.vector_load %arg19[%swap3A_442, %swap3A_443] {strides = array<i32>} : memref<80x128xf32, #tpu.memory_space<vmem>>, vector<16xf32>,
        tpu.vector_store %arg19[%swap3A_442, %swap3A_443], %scan3A_335#20 {strides = array<i32>} : memref<80x128xf32, #tpu.memory_space<vmem>>, vector<16xf32>,
      }
      %scan3A_235 = arith.constant 2 : i32
      %add3A_236 = arith.constant 1 : i32
      %add3A_237 = arith.addi %mul3A_74, %add3A_236 : i32
      %mul3A_238 = arith.constant 32 : i32
      %mul3A_239 = arith.muli %add3A_237, %mul3A_238 : i32
      %mul3A_240 = arith.constant 32 : i32
      %mul3A_241 = arith.muli %add3A_237, %mul3A_240 : i32
      %mul3A_242 = arith.constant 5 : i32
      %mul3A_243 = arith.muli %add3A_237, %mul3A_242 : i32
      %add3A_244 = arith.constant 0 : i32
      %add3A_245 = arith.addi %mul3A_243, %add3A_244 : i32
      %mul3A_246 = arith.constant 5 : i32
      %mul3A_247 = arith.muli %add3A_237, %mul3A_246 : i32
      %add3A_248 = arith.constant 1 : i32
      %add3A_249 = arith.addi %mul3A_247, %add3A_248 : i32
      %mul3A_250 = arith.constant 5 : i32
      %mul3A_251 = arith.muli %add3A_237, %mul3A_250 : i32
      %add3A_252 = arith.constant 2 : i32
      %add3A_253 = arith.addi %mul3A_251, %add3A_252 : i32
      %mul3A_254 = arith.constant 5 : i32
      %mul3A_255 = arith.muli %add3A_237, %mul3A_254 : i32
      %add3A_256 = arith.constant 3 : i32
      %add3A_257 = arith.addi %mul3A_255, %add3A_256 : i32
      %mul3A_258 = arith.constant 5 : i32
      %mul3A_259 = arith.muli %add3A_237, %mul3A_258 : i32
      %add3A_260 = arith.constant 4 : i32
      %add3A_261 = arith.addi %mul3A_259, %add3A_260 : i32
      %dma_wait3A_262 = tpu.memref_slice %arg9[%mul3A_239] : memref<512xi32, #tpu.memory_space<vmem>> -> memref<32xi32, #tpu.memory_space<vmem>>
      %dma_wait3A_263 = arith.constant 0 : i32
      %dma_wait3A_264 = arith.constant 0 : i32
      %dma_wait3A_265 = tpu.memref_slice %arg5[%dma_wait3A_263, %dma_wait3A_264] : memref<1000000x64xf32, #tpu.memory_space<hbm>> -> memref<1000000x64xf32, #tpu.memory_space<hbm>>
      tpu.wait_indirect_dma semaphore(%arg21 : memref<!tpu.dma_semaphore, #tpu.memory_space<semaphore_mem>>) src(%dma_wait3A_265 : memref<1000000x64xf32, #tpu.memory_space<hbm>>) dst(%arg15 : memref<32x64xf32, #tpu.memory_space<vmem>>)
      %dma_wait3A_266 = tpu.memref_slice %arg10[%mul3A_241] : memref<512xi32, #tpu.memory_space<vmem>> -> memref<32xi32, #tpu.memory_space<vmem>>
      %dma_wait3A_267 = arith.constant 0 : i32
      %dma_wait3A_268 = arith.constant 0 : i32
      %dma_wait3A_269 = tpu.memref_slice %arg6[%dma_wait3A_267, %dma_wait3A_268] : memref<1000000x64xf32, #tpu.memory_space<hbm>> -> memref<1000000x64xf32, #tpu.memory_space<hbm>>
      tpu.wait_indirect_dma semaphore(%arg21 : memref<!tpu.dma_semaphore, #tpu.memory_space<semaphore_mem>>) src(%dma_wait3A_269 : memref<1000000x64xf32, #tpu.memory_space<hbm>>) dst(%arg16 : memref<32x64xf32, #tpu.memory_space<vmem>>)
      %dma_wait3A_270 = arith.constant 0 : i32
      %dma_wait3A_271 = arith.constant 0 : i32
      %dma_wait3A_272 = tpu.memref_slice %arg17[%dma_wait3A_270, %dma_wait3A_271] : memref<640x64xf32, #tpu.memory_space<vmem>> -> memref<128x64xf32, #tpu.memory_space<vmem>>
      %dma_wait3A_273 = arith.constant 0 : i32
      %dma_wait3A_274 = tpu.memref_slice %arg11[%add3A_245, %dma_wait3A_273] : memref<80x128xi32, #tpu.memory_space<vmem>> -> memref<1x128xi32, #tpu.memory_space<vmem>>
      %dma_wait3A_275 = tpu.memref_squeeze %dma_wait3A_274 : memref<1x128xi32, #tpu.memory_space<vmem>> -> memref<128xi32, #tpu.memory_space<vmem>>
      %dma_wait3A_276 = arith.constant 0 : i32
      %dma_wait3A_277 = arith.constant 0 : i32
      %dma_wait3A_278 = tpu.memref_slice %arg6[%dma_wait3A_276, %dma_wait3A_277] : memref<1000000x64xf32, #tpu.memory_space<hbm>> -> memref<1000000x64xf32, #tpu.memory_space<hbm>>
      tpu.wait_indirect_dma semaphore(%arg21 : memref<!tpu.dma_semaphore, #tpu.memory_space<semaphore_mem>>) src(%dma_wait3A_278 : memref<1000000x64xf32, #tpu.memory_space<hbm>>) dst(%dma_wait3A_272 : memref<128x64xf32, #tpu.memory_space<vmem>>)
      %dma_wait3A_279 = arith.constant 128 : i32
      %dma_wait3A_280 = arith.constant 0 : i32
      %dma_wait3A_281 = tpu.memref_slice %arg17[%dma_wait3A_279, %dma_wait3A_280] : memref<640x64xf32, #tpu.memory_space<vmem>> -> memref<128x64xf32, #tpu.memory_space<vmem>>
      %dma_wait3A_282 = arith.constant 0 : i32
      %dma_wait3A_283 = tpu.memref_slice %arg11[%add3A_249, %dma_wait3A_282] : memref<80x128xi32, #tpu.memory_space<vmem>> -> memref<1x128xi32, #tpu.memory_space<vmem>>
      %dma_wait3A_284 = tpu.memref_squeeze %dma_wait3A_283 : memref<1x128xi32, #tpu.memory_space<vmem>> -> memref<128xi32, #tpu.memory_space<vmem>>
      %dma_wait3A_285 = arith.constant 0 : i32
      %dma_wait3A_286 = arith.constant 0 : i32
      %dma_wait3A_287 = tpu.memref_slice %arg6[%dma_wait3A_285, %dma_wait3A_286] : memref<1000000x64xf32, #tpu.memory_space<hbm>> -> memref<1000000x64xf32, #tpu.memory_space<hbm>>
      tpu.wait_indirect_dma semaphore(%arg21 : memref<!tpu.dma_semaphore, #tpu.memory_space<semaphore_mem>>) src(%dma_wait3A_287 : memref<1000000x64xf32, #tpu.memory_space<hbm>>) dst(%dma_wait3A_281 : memref<128x64xf32, #tpu.memory_space<vmem>>)
      %dma_wait3A_288 = arith.constant 256 : i32
      %dma_wait3A_289 = arith.constant 0 : i32
      %dma_wait3A_290 = tpu.memref_slice %arg17[%dma_wait3A_288, %dma_wait3A_289] : memref<640x64xf32, #tpu.memory_space<vmem>> -> memref<128x64xf32, #tpu.memory_space<vmem>>
      %dma_wait3A_291 = arith.constant 0 : i32
      %dma_wait3A_292 = tpu.memref_slice %arg11[%add3A_253, %dma_wait3A_291] : memref<80x128xi32, #tpu.memory_space<vmem>> -> memref<1x128xi32, #tpu.memory_space<vmem>>
      %dma_wait3A_293 = tpu.memref_squeeze %dma_wait3A_292 : memref<1x128xi32, #tpu.memory_space<vmem>> -> memref<128xi32, #tpu.memory_space<vmem>>
      %dma_wait3A_294 = arith.constant 0 : i32
      %dma_wait3A_295 = arith.constant 0 : i32
      %dma_wait3A_296 = tpu.memref_slice %arg6[%dma_wait3A_294, %dma_wait3A_295] : memref<1000000x64xf32, #tpu.memory_space<hbm>> -> memref<1000000x64xf32, #tpu.memory_space<hbm>>
      tpu.wait_indirect_dma semaphore(%arg21 : memref<!tpu.dma_semaphore, #tpu.memory_space<semaphore_mem>>) src(%dma_wait3A_296 : memref<1000000x64xf32, #tpu.memory_space<hbm>>) dst(%dma_wait3A_290 : memref<128x64xf32, #tpu.memory_space<vmem>>)
      %dma_wait3A_297 = arith.constant 384 : i32
      %dma_wait3A_298 = arith.constant 0 : i32
      %dma_wait3A_299 = tpu.memref_slice %arg17[%dma_wait3A_297, %dma_wait3A_298] : memref<640x64xf32, #tpu.memory_space<vmem>> -> memref<128x64xf32, #tpu.memory_space<vmem>>
      %dma_wait3A_300 = arith.constant 0 : i32
      %dma_wait3A_301 = tpu.memref_slice %arg11[%add3A_257, %dma_wait3A_300] : memref<80x128xi32, #tpu.memory_space<vmem>> -> memref<1x128xi32, #tpu.memory_space<vmem>>
      %dma_wait3A_302 = tpu.memref_squeeze %dma_wait3A_301 : memref<1x128xi32, #tpu.memory_space<vmem>> -> memref<128xi32, #tpu.memory_space<vmem>>
      %dma_wait3A_303 = arith.constant 0 : i32
      %dma_wait3A_304 = arith.constant 0 : i32
      %dma_wait3A_305 = tpu.memref_slice %arg6[%dma_wait3A_303, %dma_wait3A_304] : memref<1000000x64xf32, #tpu.memory_space<hbm>> -> memref<1000000x64xf32, #tpu.memory_space<hbm>>
      tpu.wait_indirect_dma semaphore(%arg21 : memref<!tpu.dma_semaphore, #tpu.memory_space<semaphore_mem>>) src(%dma_wait3A_305 : memref<1000000x64xf32, #tpu.memory_space<hbm>>) dst(%dma_wait3A_299 : memref<128x64xf32, #tpu.memory_space<vmem>>)
      %dma_wait3A_306 = arith.constant 512 : i32
      %dma_wait3A_307 = arith.constant 0 : i32
      %dma_wait3A_308 = tpu.memref_slice %arg17[%dma_wait3A_306, %dma_wait3A_307] : memref<640x64xf32, #tpu.memory_space<vmem>> -> memref<128x64xf32, #tpu.memory_space<vmem>>
      %dma_wait3A_309 = arith.constant 0 : i32
      %dma_wait3A_310 = tpu.memref_slice %arg11[%add3A_261, %dma_wait3A_309] : memref<80x128xi32, #tpu.memory_space<vmem>> -> memref<1x128xi32, #tpu.memory_space<vmem>>
      %dma_wait3A_311 = tpu.memref_squeeze %dma_wait3A_310 : memref<1x128xi32, #tpu.memory_space<vmem>> -> memref<128xi32, #tpu.memory_space<vmem>>
      %dma_wait3A_312 = arith.constant 0 : i32
      %dma_wait3A_313 = arith.constant 0 : i32
      %dma_wait3A_314 = tpu.memref_slice %arg6[%dma_wait3A_312, %dma_wait3A_313] : memref<1000000x64xf32, #tpu.memory_space<hbm>> -> memref<1000000x64xf32, #tpu.memory_space<hbm>>
      tpu.wait_indirect_dma semaphore(%arg21 : memref<!tpu.dma_semaphore, #tpu.memory_space<semaphore_mem>>) src(%dma_wait3A_314 : memref<1000000x64xf32, #tpu.memory_space<hbm>>) dst(%dma_wait3A_308 : memref<128x64xf32, #tpu.memory_space<vmem>>)
      %lt3A = arith.constant 7 : i32
      %lt3A_315 = arith.cmpi slt, %scan3A_72, %lt3A : i32
      %convert_element_type3A = arith.extui %lt3A_315 : i1 to i32
      %cond3A = arith.constant 0 : i32
      %cond3A_316 = arith.cmpi ne, %convert_element_type3A, %cond3A : i32
      scf.if %cond3A_316 {
        %add3A_325 = arith.constant 2 : i32
        %add3A_326 = arith.addi %mul3A_74, %add3A_325 : i32
        %mul3A_327 = arith.constant 32 : i32
        %mul3A_328 = arith.muli %add3A_326, %mul3A_327 : i32
        %mul3A_329 = arith.constant 32 : i32
        %mul3A_330 = arith.muli %add3A_326, %mul3A_329 : i32
        %mul3A_331 = arith.constant 5 : i32
        %mul3A_332 = arith.muli %add3A_326, %mul3A_331 : i32
        %add3A_333 = arith.constant 0 : i32
        %add3A_334 = arith.addi %mul3A_332, %add3A_333 : i32
        %mul3A_335 = arith.constant 5 : i32
        %mul3A_336 = arith.muli %add3A_326, %mul3A_335 : i32
        %add3A_337 = arith.constant 1 : i32
        %add3A_338 = arith.addi %mul3A_336, %add3A_337 : i32
        %mul3A_339 = arith.constant 5 : i32
        %mul3A_340 = arith.muli %add3A_326, %mul3A_339 : i32
        %add3A_341 = arith.constant 2 : i32
        %add3A_342 = arith.addi %mul3A_340, %add3A_341 : i32
        %mul3A_343 = arith.constant 5 : i32
        %mul3A_344 = arith.muli %add3A_326, %mul3A_343 : i32
        %add3A_345 = arith.constant 3 : i32
        %add3A_346 = arith.addi %mul3A_344, %add3A_345 : i32
        %mul3A_347 = arith.constant 5 : i32
        %mul3A_348 = arith.muli %add3A_326, %mul3A_347 : i32
        %add3A_349 = arith.constant 4 : i32
        %add3A_350 = arith.addi %mul3A_348, %add3A_349 : i32
        %dma_start3A_351 = tpu.memref_slice %arg9[%mul3A_328] : memref<512xi32, #tpu.memory_space<vmem>> -> memref<32xi32, #tpu.memory_space<vmem>>
        %dma_start3A_352 = arith.constant 0 : i32
        %dma_start3A_353 = arith.constant 0 : i32
        %dma_start3A_354 = tpu.memref_slice %arg5[%dma_start3A_352, %dma_start3A_353] : memref<1000000x64xf32, #tpu.memory_space<hbm>> -> memref<1000000x64xf32, #tpu.memory_space<hbm>>
        tpu.enqueue_indirect_dma source(%dma_start3A_354 : memref<1000000x64xf32, #tpu.memory_space<hbm>>) target(%arg12 : memref<32x64xf32, #tpu.memory_space<vmem>>) offsets(%dma_start3A_351 : memref<32xi32, #tpu.memory_space<vmem>>) semaphore(%arg20 : memref<!tpu.dma_semaphore, #tpu.memory_space<semaphore_mem>>)
        %dma_start3A_355 = tpu.memref_slice %arg10[%mul3A_330] : memref<512xi32, #tpu.memory_space<vmem>> -> memref<32xi32, #tpu.memory_space<vmem>>
        %dma_start3A_356 = arith.constant 0 : i32
        %dma_start3A_357 = arith.constant 0 : i32
        %dma_start3A_358 = tpu.memref_slice %arg6[%dma_start3A_356, %dma_start3A_357] : memref<1000000x64xf32, #tpu.memory_space<hbm>> -> memref<1000000x64xf32, #tpu.memory_space<hbm>>
        tpu.enqueue_indirect_dma source(%dma_start3A_358 : memref<1000000x64xf32, #tpu.memory_space<hbm>>) target(%arg13 : memref<32x64xf32, #tpu.memory_space<vmem>>) offsets(%dma_start3A_355 : memref<32xi32, #tpu.memory_space<vmem>>) semaphore(%arg20 : memref<!tpu.dma_semaphore, #tpu.memory_space<semaphore_mem>>)
        %dma_start3A_359 = arith.constant 0 : i32
        %dma_start3A_360 = arith.constant 0 : i32
        %dma_start3A_361 = tpu.memref_slice %arg14[%dma_start3A_359, %dma_start3A_360] : memref<640x64xf32, #tpu.memory_space<vmem>> -> memref<128x64xf32, #tpu.memory_space<vmem>>
        %dma_start3A_362 = arith.constant 0 : i32
        %dma_start3A_363 = tpu.memref_slice %arg11[%add3A_334, %dma_start3A_362] : memref<80x128xi32, #tpu.memory_space<vmem>> -> memref<1x128xi32, #tpu.memory_space<vmem>>
        %dma_start3A_364 = tpu.memref_squeeze %dma_start3A_363 : memref<1x128xi32, #tpu.memory_space<vmem>> -> memref<128xi32, #tpu.memory_space<vmem>>
        %dma_start3A_365 = arith.constant 0 : i32
        %dma_start3A_366 = arith.constant 0 : i32
        %dma_start3A_367 = tpu.memref_slice %arg6[%dma_start3A_365, %dma_start3A_366] : memref<1000000x64xf32, #tpu.memory_space<hbm>> -> memref<1000000x64xf32, #tpu.memory_space<hbm>>
        tpu.enqueue_indirect_dma source(%dma_start3A_367 : memref<1000000x64xf32, #tpu.memory_space<hbm>>) target(%dma_start3A_361 : memref<128x64xf32, #tpu.memory_space<vmem>>) offsets(%dma_start3A_364 : memref<128xi32, #tpu.memory_space<vmem>>) semaphore(%arg20 : memref<!tpu.dma_semaphore, #tpu.memory_space<semaphore_mem>>)
        %dma_start3A_368 = arith.constant 128 : i32
        %dma_start3A_369 = arith.constant 0 : i32
        %dma_start3A_370 = tpu.memref_slice %arg14[%dma_start3A_368, %dma_start3A_369] : memref<640x64xf32, #tpu.memory_space<vmem>> -> memref<128x64xf32, #tpu.memory_space<vmem>>
        %dma_start3A_371 = arith.constant 0 : i32
        %dma_start3A_372 = tpu.memref_slice %arg11[%add3A_338, %dma_start3A_371] : memref<80x128xi32, #tpu.memory_space<vmem>> -> memref<1x128xi32, #tpu.memory_space<vmem>>
        %dma_start3A_373 = tpu.memref_squeeze %dma_start3A_372 : memref<1x128xi32, #tpu.memory_space<vmem>> -> memref<128xi32, #tpu.memory_space<vmem>>
        %dma_start3A_374 = arith.constant 0 : i32
        %dma_start3A_375 = arith.constant 0 : i32
        %dma_start3A_376 = tpu.memref_slice %arg6[%dma_start3A_374, %dma_start3A_375] : memref<1000000x64xf32, #tpu.memory_space<hbm>> -> memref<1000000x64xf32, #tpu.memory_space<hbm>>
        tpu.enqueue_indirect_dma source(%dma_start3A_376 : memref<1000000x64xf32, #tpu.memory_space<hbm>>) target(%dma_start3A_370 : memref<128x64xf32, #tpu.memory_space<vmem>>) offsets(%dma_start3A_373 : memref<128xi32, #tpu.memory_space<vmem>>) semaphore(%arg20 : memref<!tpu.dma_semaphore, #tpu.memory_space<semaphore_mem>>)
        %dma_start3A_377 = arith.constant 256 : i32
        %dma_start3A_378 = arith.constant 0 : i32
        %dma_start3A_379 = tpu.memref_slice %arg14[%dma_start3A_377, %dma_start3A_378] : memref<640x64xf32, #tpu.memory_space<vmem>> -> memref<128x64xf32, #tpu.memory_space<vmem>>
        %dma_start3A_380 = arith.constant 0 : i32
        %dma_start3A_381 = tpu.memref_slice %arg11[%add3A_342, %dma_start3A_380] : memref<80x128xi32, #tpu.memory_space<vmem>> -> memref<1x128xi32, #tpu.memory_space<vmem>>
        %dma_start3A_382 = tpu.memref_squeeze %dma_start3A_381 : memref<1x128xi32, #tpu.memory_space<vmem>> -> memref<128xi32, #tpu.memory_space<vmem>>
        %dma_start3A_383 = arith.constant 0 : i32
        %dma_start3A_384 = arith.constant 0 : i32
        %dma_start3A_385 = tpu.memref_slice %arg6[%dma_start3A_383, %dma_start3A_384] : memref<1000000x64xf32, #tpu.memory_space<hbm>> -> memref<1000000x64xf32, #tpu.memory_space<hbm>>
        tpu.enqueue_indirect_dma source(%dma_start3A_385 : memref<1000000x64xf32, #tpu.memory_space<hbm>>) target(%dma_start3A_379 : memref<128x64xf32, #tpu.memory_space<vmem>>) offsets(%dma_start3A_382 : memref<128xi32, #tpu.memory_space<vmem>>) semaphore(%arg20 : memref<!tpu.dma_semaphore, #tpu.memory_space<semaphore_mem>>)
        %dma_start3A_386 = arith.constant 384 : i32
        %dma_start3A_387 = arith.constant 0 : i32
        %dma_start3A_388 = tpu.memref_slice %arg14[%dma_start3A_386, %dma_start3A_387] : memref<640x64xf32, #tpu.memory_space<vmem>> -> memref<128x64xf32, #tpu.memory_space<vmem>>
        %dma_start3A_389 = arith.constant 0 : i32
        %dma_start3A_390 = tpu.memref_slice %arg11[%add3A_346, %dma_start3A_389] : memref<80x128xi32, #tpu.memory_space<vmem>> -> memref<1x128xi32, #tpu.memory_space<vmem>>
        %dma_start3A_391 = tpu.memref_squeeze %dma_start3A_390 : memref<1x128xi32, #tpu.memory_space<vmem>> -> memref<128xi32, #tpu.memory_space<vmem>>
        %dma_start3A_392 = arith.constant 0 : i32
        %dma_start3A_393 = arith.constant 0 : i32
        %dma_start3A_394 = tpu.memref_slice %arg6[%dma_start3A_392, %dma_start3A_393] : memref<1000000x64xf32, #tpu.memory_space<hbm>> -> memref<1000000x64xf32, #tpu.memory_space<hbm>>
        tpu.enqueue_indirect_dma source(%dma_start3A_394 : memref<1000000x64xf32, #tpu.memory_space<hbm>>) target(%dma_start3A_388 : memref<128x64xf32, #tpu.memory_space<vmem>>) offsets(%dma_start3A_391 : memref<128xi32, #tpu.memory_space<vmem>>) semaphore(%arg20 : memref<!tpu.dma_semaphore, #tpu.memory_space<semaphore_mem>>)
        %dma_start3A_395 = arith.constant 512 : i32
        %dma_start3A_396 = arith.constant 0 : i32
        %dma_start3A_397 = tpu.memref_slice %arg14[%dma_start3A_395, %dma_start3A_396] : memref<640x64xf32, #tpu.memory_space<vmem>> -> memref<128x64xf32, #tpu.memory_space<vmem>>
        %dma_start3A_398 = arith.constant 0 : i32
        %dma_start3A_399 = tpu.memref_slice %arg11[%add3A_350, %dma_start3A_398] : memref<80x128xi32, #tpu.memory_space<vmem>> -> memref<1x128xi32, #tpu.memory_space<vmem>>
        %dma_start3A_400 = tpu.memref_squeeze %dma_start3A_399 : memref<1x128xi32, #tpu.memory_space<vmem>> -> memref<128xi32, #tpu.memory_space<vmem>>
        %dma_start3A_401 = arith.constant 0 : i32
        %dma_start3A_402 = arith.constant 0 : i32
        %dma_start3A_403 = tpu.memref_slice %arg6[%dma_start3A_401, %dma_start3A_402] : memref<1000000x64xf32, #tpu.memory_space<hbm>> -> memref<1000000x64xf32, #tpu.memory_space<hbm>>
        tpu.enqueue_indirect_dma source(%dma_start3A_403 : memref<1000000x64xf32, #tpu.memory_space<hbm>>) target(%dma_start3A_397 : memref<128x64xf32, #tpu.memory_space<vmem>>) offsets(%dma_start3A_400 : memref<128xi32, #tpu.memory_space<vmem>>) semaphore(%arg20 : memref<!tpu.dma_semaphore, #tpu.memory_space<semaphore_mem>>)
      } else {
      }
      %add3A_317 = arith.constant 1 : i32
      %add3A_318 = arith.addi %mul3A_74, %add3A_317 : i32
      %scan3A_319 = arith.constant 0 : i32
      %scan3A_320 = arith.constant 0 : i32
      %scan3A_321 = arith.constant 2 : i32
      %scan3A_322 = arith.addi %scan3A_320, %scan3A_321 : i32
      %scan3A_323 = arith.constant 1 : i32
      scf.for %scan3A_325 = %scan3A_320 to %scan3A_322 step %scan3A_323  : i32 {
        %mul3A_326 = arith.constant 16 : i32
        %mul3A_327 = arith.muli %scan3A_325, %mul3A_326 : i32
        %add3A_328 = vector.broadcast %mul3A_327 : i32 to vector<16xi32>
        %add3A_329 = arith.addi %add3A_328, %iota3A : vector<16xi32>
        %broadcast_in_dim3A = arith.constant 0.000000e+00 : f32
        %broadcast_in_dim3A_330 = vector.broadcast %broadcast_in_dim3A : f32 to vector<16xf32>
        %scan3A_331 = arith.constant 0 : i32
        %scan3A_332 = arith.constant 16 : i32
        %scan3A_333 = arith.addi %scan3A_331, %scan3A_332 : i32
        %scan3A_334 = arith.constant 1 : i32
        %scan3A_335:21 = scf.for %scan3A_445 = %scan3A_331 to %scan3A_333 step %scan3A_334 iter_args(%scan3A_446 = %broadcast_in_dim3A_330, %scan3A_447 = %broadcast_in_dim3A_330, %scan3A_448 = %broadcast_in_dim3A_330, %scan3A_449 = %broadcast_in_dim3A_330, %scan3A_450 = %broadcast_in_dim3A_330, %scan3A_451 = %broadcast_in_dim3A_330, %scan3A_452 = %broadcast_in_dim3A_330, %scan3A_453 = %broadcast_in_dim3A_330, %scan3A_454 = %broadcast_in_dim3A_330, %scan3A_455 = %broadcast_in_dim3A_330, %scan3A_456 = %broadcast_in_dim3A_330, %scan3A_457 = %broadcast_in_dim3A_330, %scan3A_458 = %broadcast_in_dim3A_330, %scan3A_459 = %broadcast_in_dim3A_330, %scan3A_460 = %broadcast_in_dim3A_330, %scan3A_461 = %broadcast_in_dim3A_330, %scan3A_462 = %broadcast_in_dim3A_330, %scan3A_463 = %broadcast_in_dim3A_330, %scan3A_464 = %broadcast_in_dim3A_330, %scan3A_465 = %broadcast_in_dim3A_330, %scan3A_466 = %broadcast_in_dim3A_330) -> (vector<16xf32>, vector<16xf32>, vector<16xf32>, vector<16xf32>, vector<16xf32>, vector<16xf32>, vector<16xf32>, vector<16xf32>, vector<16xf32>, vector<16xf32>, vector<16xf32>, vector<16xf32>, vector<16xf32>, vector<16xf32>, vector<16xf32>, vector<16xf32>, vector<16xf32>, vector<16xf32>, vector<16xf32>, vector<16xf32>, vector<16xf32>)  : i32 {
          %mul3A_467 = arith.constant 4 : i32
          %mul3A_468 = arith.muli %scan3A_445, %mul3A_467 : i32
          %add3A_469 = arith.constant 0 : i32
          %add3A_470 = arith.addi %mul3A_468, %add3A_469 : i32
          %add3A_471 = vector.broadcast %add3A_470 : i32 to vector<16xi32>
          %add3A_472 = arith.addi %iota3A, %add3A_471 : vector<16xi32>
          %and3A_473 = arith.constant 63 : i32
          %and3A_474 = vector.broadcast %and3A_473 : i32 to vector<16xi32>
          %and3A_475 = arith.andi %add3A_472, %and3A_474 : vector<16xi32>
          %gather3A = tpu.vector_load_idx %arg15[%add3A_329, %and3A_475] : memref<32x64xf32, #tpu.memory_space<vmem>>[vector<16xi32>, vector<16xi32>], vector<16xf32>,
          %gather3A_476 = tpu.vector_load_idx %arg16[%add3A_329, %and3A_475] : memref<32x64xf32, #tpu.memory_space<vmem>>[vector<16xi32>, vector<16xi32>], vector<16xf32>,
          %mul3A_477 = arith.mulf %gather3A, %gather3A_476 : vector<16xf32>
          %add3A_478 = arith.addf %scan3A_446, %mul3A_477 : vector<16xf32>
          %add3A_479 = arith.constant 0 : i32
          %add3A_480 = vector.broadcast %add3A_479 : i32 to vector<16xi32>
          %add3A_481 = arith.addi %add3A_329, %add3A_480 : vector<16xi32>
          %gather3A_482 = tpu.vector_load_idx %arg17[%add3A_481, %and3A_475] : memref<640x64xf32, #tpu.memory_space<vmem>>[vector<16xi32>, vector<16xi32>], vector<16xf32>,
          %mul3A_483 = arith.mulf %gather3A, %gather3A_482 : vector<16xf32>
          %add3A_484 = arith.addf %scan3A_447, %mul3A_483 : vector<16xf32>
          %add3A_485 = arith.constant 32 : i32
          %add3A_486 = vector.broadcast %add3A_485 : i32 to vector<16xi32>
          %add3A_487 = arith.addi %add3A_329, %add3A_486 : vector<16xi32>
          %gather3A_488 = tpu.vector_load_idx %arg17[%add3A_487, %and3A_475] : memref<640x64xf32, #tpu.memory_space<vmem>>[vector<16xi32>, vector<16xi32>], vector<16xf32>,
          %mul3A_489 = arith.mulf %gather3A, %gather3A_488 : vector<16xf32>
          %add3A_490 = arith.addf %scan3A_448, %mul3A_489 : vector<16xf32>
          %add3A_491 = arith.constant 64 : i32
          %add3A_492 = vector.broadcast %add3A_491 : i32 to vector<16xi32>
          %add3A_493 = arith.addi %add3A_329, %add3A_492 : vector<16xi32>
          %gather3A_494 = tpu.vector_load_idx %arg17[%add3A_493, %and3A_475] : memref<640x64xf32, #tpu.memory_space<vmem>>[vector<16xi32>, vector<16xi32>], vector<16xf32>,
          %mul3A_495 = arith.mulf %gather3A, %gather3A_494 : vector<16xf32>
          %add3A_496 = arith.addf %scan3A_449, %mul3A_495 : vector<16xf32>
          %add3A_497 = arith.constant 96 : i32
          %add3A_498 = vector.broadcast %add3A_497 : i32 to vector<16xi32>
          %add3A_499 = arith.addi %add3A_329, %add3A_498 : vector<16xi32>
          %gather3A_500 = tpu.vector_load_idx %arg17[%add3A_499, %and3A_475] : memref<640x64xf32, #tpu.memory_space<vmem>>[vector<16xi32>, vector<16xi32>], vector<16xf32>,
          %mul3A_501 = arith.mulf %gather3A, %gather3A_500 : vector<16xf32>
          %add3A_502 = arith.addf %scan3A_450, %mul3A_501 : vector<16xf32>
          %add3A_503 = arith.constant 128 : i32
          %add3A_504 = vector.broadcast %add3A_503 : i32 to vector<16xi32>
          %add3A_505 = arith.addi %add3A_329, %add3A_504 : vector<16xi32>
          %gather3A_506 = tpu.vector_load_idx %arg17[%add3A_505, %and3A_475] : memref<640x64xf32, #tpu.memory_space<vmem>>[vector<16xi32>, vector<16xi32>], vector<16xf32>,
          %mul3A_507 = arith.mulf %gather3A, %gather3A_506 : vector<16xf32>
          %add3A_508 = arith.addf %scan3A_451, %mul3A_507 : vector<16xf32>
          %add3A_509 = arith.constant 160 : i32
          %add3A_510 = vector.broadcast %add3A_509 : i32 to vector<16xi32>
          %add3A_511 = arith.addi %add3A_329, %add3A_510 : vector<16xi32>
          %gather3A_512 = tpu.vector_load_idx %arg17[%add3A_511, %and3A_475] : memref<640x64xf32, #tpu.memory_space<vmem>>[vector<16xi32>, vector<16xi32>], vector<16xf32>,
          %mul3A_513 = arith.mulf %gather3A, %gather3A_512 : vector<16xf32>
          %add3A_514 = arith.addf %scan3A_452, %mul3A_513 : vector<16xf32>
          %add3A_515 = arith.constant 192 : i32
          %add3A_516 = vector.broadcast %add3A_515 : i32 to vector<16xi32>
          %add3A_517 = arith.addi %add3A_329, %add3A_516 : vector<16xi32>
          %gather3A_518 = tpu.vector_load_idx %arg17[%add3A_517, %and3A_475] : memref<640x64xf32, #tpu.memory_space<vmem>>[vector<16xi32>, vector<16xi32>], vector<16xf32>,
          %mul3A_519 = arith.mulf %gather3A, %gather3A_518 : vector<16xf32>
          %add3A_520 = arith.addf %scan3A_453, %mul3A_519 : vector<16xf32>
          %add3A_521 = arith.constant 224 : i32
          %add3A_522 = vector.broadcast %add3A_521 : i32 to vector<16xi32>
          %add3A_523 = arith.addi %add3A_329, %add3A_522 : vector<16xi32>
          %gather3A_524 = tpu.vector_load_idx %arg17[%add3A_523, %and3A_475] : memref<640x64xf32, #tpu.memory_space<vmem>>[vector<16xi32>, vector<16xi32>], vector<16xf32>,
          %mul3A_525 = arith.mulf %gather3A, %gather3A_524 : vector<16xf32>
          %add3A_526 = arith.addf %scan3A_454, %mul3A_525 : vector<16xf32>
          %add3A_527 = arith.constant 256 : i32
          %add3A_528 = vector.broadcast %add3A_527 : i32 to vector<16xi32>
          %add3A_529 = arith.addi %add3A_329, %add3A_528 : vector<16xi32>
          %gather3A_530 = tpu.vector_load_idx %arg17[%add3A_529, %and3A_475] : memref<640x64xf32, #tpu.memory_space<vmem>>[vector<16xi32>, vector<16xi32>], vector<16xf32>,
          %mul3A_531 = arith.mulf %gather3A, %gather3A_530 : vector<16xf32>
          %add3A_532 = arith.addf %scan3A_455, %mul3A_531 : vector<16xf32>
          %add3A_533 = arith.constant 288 : i32
          %add3A_534 = vector.broadcast %add3A_533 : i32 to vector<16xi32>
          %add3A_535 = arith.addi %add3A_329, %add3A_534 : vector<16xi32>
          %gather3A_536 = tpu.vector_load_idx %arg17[%add3A_535, %and3A_475] : memref<640x64xf32, #tpu.memory_space<vmem>>[vector<16xi32>, vector<16xi32>], vector<16xf32>,
          %mul3A_537 = arith.mulf %gather3A, %gather3A_536 : vector<16xf32>
          %add3A_538 = arith.addf %scan3A_456, %mul3A_537 : vector<16xf32>
          %add3A_539 = arith.constant 320 : i32
          %add3A_540 = vector.broadcast %add3A_539 : i32 to vector<16xi32>
          %add3A_541 = arith.addi %add3A_329, %add3A_540 : vector<16xi32>
          %gather3A_542 = tpu.vector_load_idx %arg17[%add3A_541, %and3A_475] : memref<640x64xf32, #tpu.memory_space<vmem>>[vector<16xi32>, vector<16xi32>], vector<16xf32>,
          %mul3A_543 = arith.mulf %gather3A, %gather3A_542 : vector<16xf32>
          %add3A_544 = arith.addf %scan3A_457, %mul3A_543 : vector<16xf32>
          %add3A_545 = arith.constant 352 : i32
          %add3A_546 = vector.broadcast %add3A_545 : i32 to vector<16xi32>
          %add3A_547 = arith.addi %add3A_329, %add3A_546 : vector<16xi32>
          %gather3A_548 = tpu.vector_load_idx %arg17[%add3A_547, %and3A_475] : memref<640x64xf32, #tpu.memory_space<vmem>>[vector<16xi32>, vector<16xi32>], vector<16xf32>,
          %mul3A_549 = arith.mulf %gather3A, %gather3A_548 : vector<16xf32>
          %add3A_550 = arith.addf %scan3A_458, %mul3A_549 : vector<16xf32>
          %add3A_551 = arith.constant 384 : i32
          %add3A_552 = vector.broadcast %add3A_551 : i32 to vector<16xi32>
          %add3A_553 = arith.addi %add3A_329, %add3A_552 : vector<16xi32>
          %gather3A_554 = tpu.vector_load_idx %arg17[%add3A_553, %and3A_475] : memref<640x64xf32, #tpu.memory_space<vmem>>[vector<16xi32>, vector<16xi32>], vector<16xf32>,
          %mul3A_555 = arith.mulf %gather3A, %gather3A_554 : vector<16xf32>
          %add3A_556 = arith.addf %scan3A_459, %mul3A_555 : vector<16xf32>
          %add3A_557 = arith.constant 416 : i32
          %add3A_558 = vector.broadcast %add3A_557 : i32 to vector<16xi32>
          %add3A_559 = arith.addi %add3A_329, %add3A_558 : vector<16xi32>
          %gather3A_560 = tpu.vector_load_idx %arg17[%add3A_559, %and3A_475] : memref<640x64xf32, #tpu.memory_space<vmem>>[vector<16xi32>, vector<16xi32>], vector<16xf32>,
          %mul3A_561 = arith.mulf %gather3A, %gather3A_560 : vector<16xf32>
          %add3A_562 = arith.addf %scan3A_460, %mul3A_561 : vector<16xf32>
          %add3A_563 = arith.constant 448 : i32
          %add3A_564 = vector.broadcast %add3A_563 : i32 to vector<16xi32>
          %add3A_565 = arith.addi %add3A_329, %add3A_564 : vector<16xi32>
          %gather3A_566 = tpu.vector_load_idx %arg17[%add3A_565, %and3A_475] : memref<640x64xf32, #tpu.memory_space<vmem>>[vector<16xi32>, vector<16xi32>], vector<16xf32>,
          %mul3A_567 = arith.mulf %gather3A, %gather3A_566 : vector<16xf32>
          %add3A_568 = arith.addf %scan3A_461, %mul3A_567 : vector<16xf32>
          %add3A_569 = arith.constant 480 : i32
          %add3A_570 = vector.broadcast %add3A_569 : i32 to vector<16xi32>
          %add3A_571 = arith.addi %add3A_329, %add3A_570 : vector<16xi32>
          %gather3A_572 = tpu.vector_load_idx %arg17[%add3A_571, %and3A_475] : memref<640x64xf32, #tpu.memory_space<vmem>>[vector<16xi32>, vector<16xi32>], vector<16xf32>,
          %mul3A_573 = arith.mulf %gather3A, %gather3A_572 : vector<16xf32>
          %add3A_574 = arith.addf %scan3A_462, %mul3A_573 : vector<16xf32>
          %add3A_575 = arith.constant 512 : i32
          %add3A_576 = vector.broadcast %add3A_575 : i32 to vector<16xi32>
          %add3A_577 = arith.addi %add3A_329, %add3A_576 : vector<16xi32>
          %gather3A_578 = tpu.vector_load_idx %arg17[%add3A_577, %and3A_475] : memref<640x64xf32, #tpu.memory_space<vmem>>[vector<16xi32>, vector<16xi32>], vector<16xf32>,
          %mul3A_579 = arith.mulf %gather3A, %gather3A_578 : vector<16xf32>
          %add3A_580 = arith.addf %scan3A_463, %mul3A_579 : vector<16xf32>
          %add3A_581 = arith.constant 544 : i32
          %add3A_582 = vector.broadcast %add3A_581 : i32 to vector<16xi32>
          %add3A_583 = arith.addi %add3A_329, %add3A_582 : vector<16xi32>
          %gather3A_584 = tpu.vector_load_idx %arg17[%add3A_583, %and3A_475] : memref<640x64xf32, #tpu.memory_space<vmem>>[vector<16xi32>, vector<16xi32>], vector<16xf32>,
          %mul3A_585 = arith.mulf %gather3A, %gather3A_584 : vector<16xf32>
          %add3A_586 = arith.addf %scan3A_464, %mul3A_585 : vector<16xf32>
          %add3A_587 = arith.constant 576 : i32
          %add3A_588 = vector.broadcast %add3A_587 : i32 to vector<16xi32>
          %add3A_589 = arith.addi %add3A_329, %add3A_588 : vector<16xi32>
          %gather3A_590 = tpu.vector_load_idx %arg17[%add3A_589, %and3A_475] : memref<640x64xf32, #tpu.memory_space<vmem>>[vector<16xi32>, vector<16xi32>], vector<16xf32>,
          %mul3A_591 = arith.mulf %gather3A, %gather3A_590 : vector<16xf32>
          %add3A_592 = arith.addf %scan3A_465, %mul3A_591 : vector<16xf32>
          %add3A_593 = arith.constant 608 : i32
          %add3A_594 = vector.broadcast %add3A_593 : i32 to vector<16xi32>
          %add3A_595 = arith.addi %add3A_329, %add3A_594 : vector<16xi32>
          %gather3A_596 = tpu.vector_load_idx %arg17[%add3A_595, %and3A_475] : memref<640x64xf32, #tpu.memory_space<vmem>>[vector<16xi32>, vector<16xi32>], vector<16xf32>,
          %mul3A_597 = arith.mulf %gather3A, %gather3A_596 : vector<16xf32>
          %add3A_598 = arith.addf %scan3A_466, %mul3A_597 : vector<16xf32>
          %add3A_599 = arith.constant 1 : i32
          %add3A_600 = arith.addi %mul3A_468, %add3A_599 : i32
          %add3A_601 = vector.broadcast %add3A_600 : i32 to vector<16xi32>
          %add3A_602 = arith.addi %iota3A, %add3A_601 : vector<16xi32>
          %and3A_603 = arith.constant 63 : i32
          %and3A_604 = vector.broadcast %and3A_603 : i32 to vector<16xi32>
          %and3A_605 = arith.andi %add3A_602, %and3A_604 : vector<16xi32>
          %gather3A_606 = tpu.vector_load_idx %arg15[%add3A_329, %and3A_605] : memref<32x64xf32, #tpu.memory_space<vmem>>[vector<16xi32>, vector<16xi32>], vector<16xf32>,
          %gather3A_607 = tpu.vector_load_idx %arg16[%add3A_329, %and3A_605] : memref<32x64xf32, #tpu.memory_space<vmem>>[vector<16xi32>, vector<16xi32>], vector<16xf32>,
          %mul3A_608 = arith.mulf %gather3A_606, %gather3A_607 : vector<16xf32>
          %add3A_609 = arith.addf %add3A_478, %mul3A_608 : vector<16xf32>
          %add3A_610 = arith.constant 0 : i32
          %add3A_611 = vector.broadcast %add3A_610 : i32 to vector<16xi32>
          %add3A_612 = arith.addi %add3A_329, %add3A_611 : vector<16xi32>
          %gather3A_613 = tpu.vector_load_idx %arg17[%add3A_612, %and3A_605] : memref<640x64xf32, #tpu.memory_space<vmem>>[vector<16xi32>, vector<16xi32>], vector<16xf32>,
          %mul3A_614 = arith.mulf %gather3A_606, %gather3A_613 : vector<16xf32>
          %add3A_615 = arith.addf %add3A_484, %mul3A_614 : vector<16xf32>
          %add3A_616 = arith.constant 32 : i32
          %add3A_617 = vector.broadcast %add3A_616 : i32 to vector<16xi32>
          %add3A_618 = arith.addi %add3A_329, %add3A_617 : vector<16xi32>
          %gather3A_619 = tpu.vector_load_idx %arg17[%add3A_618, %and3A_605] : memref<640x64xf32, #tpu.memory_space<vmem>>[vector<16xi32>, vector<16xi32>], vector<16xf32>,
          %mul3A_620 = arith.mulf %gather3A_606, %gather3A_619 : vector<16xf32>
          %add3A_621 = arith.addf %add3A_490, %mul3A_620 : vector<16xf32>
          %add3A_622 = arith.constant 64 : i32
          %add3A_623 = vector.broadcast %add3A_622 : i32 to vector<16xi32>
          %add3A_624 = arith.addi %add3A_329, %add3A_623 : vector<16xi32>
          %gather3A_625 = tpu.vector_load_idx %arg17[%add3A_624, %and3A_605] : memref<640x64xf32, #tpu.memory_space<vmem>>[vector<16xi32>, vector<16xi32>], vector<16xf32>,
          %mul3A_626 = arith.mulf %gather3A_606, %gather3A_625 : vector<16xf32>
          %add3A_627 = arith.addf %add3A_496, %mul3A_626 : vector<16xf32>
          %add3A_628 = arith.constant 96 : i32
          %add3A_629 = vector.broadcast %add3A_628 : i32 to vector<16xi32>
          %add3A_630 = arith.addi %add3A_329, %add3A_629 : vector<16xi32>
          %gather3A_631 = tpu.vector_load_idx %arg17[%add3A_630, %and3A_605] : memref<640x64xf32, #tpu.memory_space<vmem>>[vector<16xi32>, vector<16xi32>], vector<16xf32>,
          %mul3A_632 = arith.mulf %gather3A_606, %gather3A_631 : vector<16xf32>
          %add3A_633 = arith.addf %add3A_502, %mul3A_632 : vector<16xf32>
          %add3A_634 = arith.constant 128 : i32
          %add3A_635 = vector.broadcast %add3A_634 : i32 to vector<16xi32>
          %add3A_636 = arith.addi %add3A_329, %add3A_635 : vector<16xi32>
          %gather3A_637 = tpu.vector_load_idx %arg17[%add3A_636, %and3A_605] : memref<640x64xf32, #tpu.memory_space<vmem>>[vector<16xi32>, vector<16xi32>], vector<16xf32>,
          %mul3A_638 = arith.mulf %gather3A_606, %gather3A_637 : vector<16xf32>
          %add3A_639 = arith.addf %add3A_508, %mul3A_638 : vector<16xf32>
          %add3A_640 = arith.constant 160 : i32
          %add3A_641 = vector.broadcast %add3A_640 : i32 to vector<16xi32>
          %add3A_642 = arith.addi %add3A_329, %add3A_641 : vector<16xi32>
          %gather3A_643 = tpu.vector_load_idx %arg17[%add3A_642, %and3A_605] : memref<640x64xf32, #tpu.memory_space<vmem>>[vector<16xi32>, vector<16xi32>], vector<16xf32>,
          %mul3A_644 = arith.mulf %gather3A_606, %gather3A_643 : vector<16xf32>
          %add3A_645 = arith.addf %add3A_514, %mul3A_644 : vector<16xf32>
          %add3A_646 = arith.constant 192 : i32
          %add3A_647 = vector.broadcast %add3A_646 : i32 to vector<16xi32>
          %add3A_648 = arith.addi %add3A_329, %add3A_647 : vector<16xi32>
          %gather3A_649 = tpu.vector_load_idx %arg17[%add3A_648, %and3A_605] : memref<640x64xf32, #tpu.memory_space<vmem>>[vector<16xi32>, vector<16xi32>], vector<16xf32>,
          %mul3A_650 = arith.mulf %gather3A_606, %gather3A_649 : vector<16xf32>
          %add3A_651 = arith.addf %add3A_520, %mul3A_650 : vector<16xf32>
          %add3A_652 = arith.constant 224 : i32
          %add3A_653 = vector.broadcast %add3A_652 : i32 to vector<16xi32>
          %add3A_654 = arith.addi %add3A_329, %add3A_653 : vector<16xi32>
          %gather3A_655 = tpu.vector_load_idx %arg17[%add3A_654, %and3A_605] : memref<640x64xf32, #tpu.memory_space<vmem>>[vector<16xi32>, vector<16xi32>], vector<16xf32>,
          %mul3A_656 = arith.mulf %gather3A_606, %gather3A_655 : vector<16xf32>
          %add3A_657 = arith.addf %add3A_526, %mul3A_656 : vector<16xf32>
          %add3A_658 = arith.constant 256 : i32
          %add3A_659 = vector.broadcast %add3A_658 : i32 to vector<16xi32>
          %add3A_660 = arith.addi %add3A_329, %add3A_659 : vector<16xi32>
          %gather3A_661 = tpu.vector_load_idx %arg17[%add3A_660, %and3A_605] : memref<640x64xf32, #tpu.memory_space<vmem>>[vector<16xi32>, vector<16xi32>], vector<16xf32>,
          %mul3A_662 = arith.mulf %gather3A_606, %gather3A_661 : vector<16xf32>
          %add3A_663 = arith.addf %add3A_532, %mul3A_662 : vector<16xf32>
          %add3A_664 = arith.constant 288 : i32
          %add3A_665 = vector.broadcast %add3A_664 : i32 to vector<16xi32>
          %add3A_666 = arith.addi %add3A_329, %add3A_665 : vector<16xi32>
          %gather3A_667 = tpu.vector_load_idx %arg17[%add3A_666, %and3A_605] : memref<640x64xf32, #tpu.memory_space<vmem>>[vector<16xi32>, vector<16xi32>], vector<16xf32>,
          %mul3A_668 = arith.mulf %gather3A_606, %gather3A_667 : vector<16xf32>
          %add3A_669 = arith.addf %add3A_538, %mul3A_668 : vector<16xf32>
          %add3A_670 = arith.constant 320 : i32
          %add3A_671 = vector.broadcast %add3A_670 : i32 to vector<16xi32>
          %add3A_672 = arith.addi %add3A_329, %add3A_671 : vector<16xi32>
          %gather3A_673 = tpu.vector_load_idx %arg17[%add3A_672, %and3A_605] : memref<640x64xf32, #tpu.memory_space<vmem>>[vector<16xi32>, vector<16xi32>], vector<16xf32>,
          %mul3A_674 = arith.mulf %gather3A_606, %gather3A_673 : vector<16xf32>
          %add3A_675 = arith.addf %add3A_544, %mul3A_674 : vector<16xf32>
          %add3A_676 = arith.constant 352 : i32
          %add3A_677 = vector.broadcast %add3A_676 : i32 to vector<16xi32>
          %add3A_678 = arith.addi %add3A_329, %add3A_677 : vector<16xi32>
          %gather3A_679 = tpu.vector_load_idx %arg17[%add3A_678, %and3A_605] : memref<640x64xf32, #tpu.memory_space<vmem>>[vector<16xi32>, vector<16xi32>], vector<16xf32>,
          %mul3A_680 = arith.mulf %gather3A_606, %gather3A_679 : vector<16xf32>
          %add3A_681 = arith.addf %add3A_550, %mul3A_680 : vector<16xf32>
          %add3A_682 = arith.constant 384 : i32
          %add3A_683 = vector.broadcast %add3A_682 : i32 to vector<16xi32>
          %add3A_684 = arith.addi %add3A_329, %add3A_683 : vector<16xi32>
          %gather3A_685 = tpu.vector_load_idx %arg17[%add3A_684, %and3A_605] : memref<640x64xf32, #tpu.memory_space<vmem>>[vector<16xi32>, vector<16xi32>], vector<16xf32>,
          %mul3A_686 = arith.mulf %gather3A_606, %gather3A_685 : vector<16xf32>
          %add3A_687 = arith.addf %add3A_556, %mul3A_686 : vector<16xf32>
          %add3A_688 = arith.constant 416 : i32
          %add3A_689 = vector.broadcast %add3A_688 : i32 to vector<16xi32>
          %add3A_690 = arith.addi %add3A_329, %add3A_689 : vector<16xi32>
          %gather3A_691 = tpu.vector_load_idx %arg17[%add3A_690, %and3A_605] : memref<640x64xf32, #tpu.memory_space<vmem>>[vector<16xi32>, vector<16xi32>], vector<16xf32>,
          %mul3A_692 = arith.mulf %gather3A_606, %gather3A_691 : vector<16xf32>
          %add3A_693 = arith.addf %add3A_562, %mul3A_692 : vector<16xf32>
          %add3A_694 = arith.constant 448 : i32
          %add3A_695 = vector.broadcast %add3A_694 : i32 to vector<16xi32>
          %add3A_696 = arith.addi %add3A_329, %add3A_695 : vector<16xi32>
          %gather3A_697 = tpu.vector_load_idx %arg17[%add3A_696, %and3A_605] : memref<640x64xf32, #tpu.memory_space<vmem>>[vector<16xi32>, vector<16xi32>], vector<16xf32>,
          %mul3A_698 = arith.mulf %gather3A_606, %gather3A_697 : vector<16xf32>
          %add3A_699 = arith.addf %add3A_568, %mul3A_698 : vector<16xf32>
          %add3A_700 = arith.constant 480 : i32
          %add3A_701 = vector.broadcast %add3A_700 : i32 to vector<16xi32>
          %add3A_702 = arith.addi %add3A_329, %add3A_701 : vector<16xi32>
          %gather3A_703 = tpu.vector_load_idx %arg17[%add3A_702, %and3A_605] : memref<640x64xf32, #tpu.memory_space<vmem>>[vector<16xi32>, vector<16xi32>], vector<16xf32>,
          %mul3A_704 = arith.mulf %gather3A_606, %gather3A_703 : vector<16xf32>
          %add3A_705 = arith.addf %add3A_574, %mul3A_704 : vector<16xf32>
          %add3A_706 = arith.constant 512 : i32
          %add3A_707 = vector.broadcast %add3A_706 : i32 to vector<16xi32>
          %add3A_708 = arith.addi %add3A_329, %add3A_707 : vector<16xi32>
          %gather3A_709 = tpu.vector_load_idx %arg17[%add3A_708, %and3A_605] : memref<640x64xf32, #tpu.memory_space<vmem>>[vector<16xi32>, vector<16xi32>], vector<16xf32>,
          %mul3A_710 = arith.mulf %gather3A_606, %gather3A_709 : vector<16xf32>
          %add3A_711 = arith.addf %add3A_580, %mul3A_710 : vector<16xf32>
          %add3A_712 = arith.constant 544 : i32
          %add3A_713 = vector.broadcast %add3A_712 : i32 to vector<16xi32>
          %add3A_714 = arith.addi %add3A_329, %add3A_713 : vector<16xi32>
          %gather3A_715 = tpu.vector_load_idx %arg17[%add3A_714, %and3A_605] : memref<640x64xf32, #tpu.memory_space<vmem>>[vector<16xi32>, vector<16xi32>], vector<16xf32>,
          %mul3A_716 = arith.mulf %gather3A_606, %gather3A_715 : vector<16xf32>
          %add3A_717 = arith.addf %add3A_586, %mul3A_716 : vector<16xf32>
          %add3A_718 = arith.constant 576 : i32
          %add3A_719 = vector.broadcast %add3A_718 : i32 to vector<16xi32>
          %add3A_720 = arith.addi %add3A_329, %add3A_719 : vector<16xi32>
          %gather3A_721 = tpu.vector_load_idx %arg17[%add3A_720, %and3A_605] : memref<640x64xf32, #tpu.memory_space<vmem>>[vector<16xi32>, vector<16xi32>], vector<16xf32>,
          %mul3A_722 = arith.mulf %gather3A_606, %gather3A_721 : vector<16xf32>
          %add3A_723 = arith.addf %add3A_592, %mul3A_722 : vector<16xf32>
          %add3A_724 = arith.constant 608 : i32
          %add3A_725 = vector.broadcast %add3A_724 : i32 to vector<16xi32>
          %add3A_726 = arith.addi %add3A_329, %add3A_725 : vector<16xi32>
          %gather3A_727 = tpu.vector_load_idx %arg17[%add3A_726, %and3A_605] : memref<640x64xf32, #tpu.memory_space<vmem>>[vector<16xi32>, vector<16xi32>], vector<16xf32>,
          %mul3A_728 = arith.mulf %gather3A_606, %gather3A_727 : vector<16xf32>
          %add3A_729 = arith.addf %add3A_598, %mul3A_728 : vector<16xf32>
          %add3A_730 = arith.constant 2 : i32
          %add3A_731 = arith.addi %mul3A_468, %add3A_730 : i32
          %add3A_732 = vector.broadcast %add3A_731 : i32 to vector<16xi32>
          %add3A_733 = arith.addi %iota3A, %add3A_732 : vector<16xi32>
          %and3A_734 = arith.constant 63 : i32
          %and3A_735 = vector.broadcast %and3A_734 : i32 to vector<16xi32>
          %and3A_736 = arith.andi %add3A_733, %and3A_735 : vector<16xi32>
          %gather3A_737 = tpu.vector_load_idx %arg15[%add3A_329, %and3A_736] : memref<32x64xf32, #tpu.memory_space<vmem>>[vector<16xi32>, vector<16xi32>], vector<16xf32>,
          %gather3A_738 = tpu.vector_load_idx %arg16[%add3A_329, %and3A_736] : memref<32x64xf32, #tpu.memory_space<vmem>>[vector<16xi32>, vector<16xi32>], vector<16xf32>,
          %mul3A_739 = arith.mulf %gather3A_737, %gather3A_738 : vector<16xf32>
          %add3A_740 = arith.addf %add3A_609, %mul3A_739 : vector<16xf32>
          %add3A_741 = arith.constant 0 : i32
          %add3A_742 = vector.broadcast %add3A_741 : i32 to vector<16xi32>
          %add3A_743 = arith.addi %add3A_329, %add3A_742 : vector<16xi32>
          %gather3A_744 = tpu.vector_load_idx %arg17[%add3A_743, %and3A_736] : memref<640x64xf32, #tpu.memory_space<vmem>>[vector<16xi32>, vector<16xi32>], vector<16xf32>,
          %mul3A_745 = arith.mulf %gather3A_737, %gather3A_744 : vector<16xf32>
          %add3A_746 = arith.addf %add3A_615, %mul3A_745 : vector<16xf32>
          %add3A_747 = arith.constant 32 : i32
          %add3A_748 = vector.broadcast %add3A_747 : i32 to vector<16xi32>
          %add3A_749 = arith.addi %add3A_329, %add3A_748 : vector<16xi32>
          %gather3A_750 = tpu.vector_load_idx %arg17[%add3A_749, %and3A_736] : memref<640x64xf32, #tpu.memory_space<vmem>>[vector<16xi32>, vector<16xi32>], vector<16xf32>,
          %mul3A_751 = arith.mulf %gather3A_737, %gather3A_750 : vector<16xf32>
          %add3A_752 = arith.addf %add3A_621, %mul3A_751 : vector<16xf32>
          %add3A_753 = arith.constant 64 : i32
          %add3A_754 = vector.broadcast %add3A_753 : i32 to vector<16xi32>
          %add3A_755 = arith.addi %add3A_329, %add3A_754 : vector<16xi32>
          %gather3A_756 = tpu.vector_load_idx %arg17[%add3A_755, %and3A_736] : memref<640x64xf32, #tpu.memory_space<vmem>>[vector<16xi32>, vector<16xi32>], vector<16xf32>,
          %mul3A_757 = arith.mulf %gather3A_737, %gather3A_756 : vector<16xf32>
          %add3A_758 = arith.addf %add3A_627, %mul3A_757 : vector<16xf32>
          %add3A_759 = arith.constant 96 : i32
          %add3A_760 = vector.broadcast %add3A_759 : i32 to vector<16xi32>
          %add3A_761 = arith.addi %add3A_329, %add3A_760 : vector<16xi32>
          %gather3A_762 = tpu.vector_load_idx %arg17[%add3A_761, %and3A_736] : memref<640x64xf32, #tpu.memory_space<vmem>>[vector<16xi32>, vector<16xi32>], vector<16xf32>,
          %mul3A_763 = arith.mulf %gather3A_737, %gather3A_762 : vector<16xf32>
          %add3A_764 = arith.addf %add3A_633, %mul3A_763 : vector<16xf32>
          %add3A_765 = arith.constant 128 : i32
          %add3A_766 = vector.broadcast %add3A_765 : i32 to vector<16xi32>
          %add3A_767 = arith.addi %add3A_329, %add3A_766 : vector<16xi32>
          %gather3A_768 = tpu.vector_load_idx %arg17[%add3A_767, %and3A_736] : memref<640x64xf32, #tpu.memory_space<vmem>>[vector<16xi32>, vector<16xi32>], vector<16xf32>,
          %mul3A_769 = arith.mulf %gather3A_737, %gather3A_768 : vector<16xf32>
          %add3A_770 = arith.addf %add3A_639, %mul3A_769 : vector<16xf32>
          %add3A_771 = arith.constant 160 : i32
          %add3A_772 = vector.broadcast %add3A_771 : i32 to vector<16xi32>
          %add3A_773 = arith.addi %add3A_329, %add3A_772 : vector<16xi32>
          %gather3A_774 = tpu.vector_load_idx %arg17[%add3A_773, %and3A_736] : memref<640x64xf32, #tpu.memory_space<vmem>>[vector<16xi32>, vector<16xi32>], vector<16xf32>,
          %mul3A_775 = arith.mulf %gather3A_737, %gather3A_774 : vector<16xf32>
          %add3A_776 = arith.addf %add3A_645, %mul3A_775 : vector<16xf32>
          %add3A_777 = arith.constant 192 : i32
          %add3A_778 = vector.broadcast %add3A_777 : i32 to vector<16xi32>
          %add3A_779 = arith.addi %add3A_329, %add3A_778 : vector<16xi32>
          %gather3A_780 = tpu.vector_load_idx %arg17[%add3A_779, %and3A_736] : memref<640x64xf32, #tpu.memory_space<vmem>>[vector<16xi32>, vector<16xi32>], vector<16xf32>,
          %mul3A_781 = arith.mulf %gather3A_737, %gather3A_780 : vector<16xf32>
          %add3A_782 = arith.addf %add3A_651, %mul3A_781 : vector<16xf32>
          %add3A_783 = arith.constant 224 : i32
          %add3A_784 = vector.broadcast %add3A_783 : i32 to vector<16xi32>
          %add3A_785 = arith.addi %add3A_329, %add3A_784 : vector<16xi32>
          %gather3A_786 = tpu.vector_load_idx %arg17[%add3A_785, %and3A_736] : memref<640x64xf32, #tpu.memory_space<vmem>>[vector<16xi32>, vector<16xi32>], vector<16xf32>,
          %mul3A_787 = arith.mulf %gather3A_737, %gather3A_786 : vector<16xf32>
          %add3A_788 = arith.addf %add3A_657, %mul3A_787 : vector<16xf32>
          %add3A_789 = arith.constant 256 : i32
          %add3A_790 = vector.broadcast %add3A_789 : i32 to vector<16xi32>
          %add3A_791 = arith.addi %add3A_329, %add3A_790 : vector<16xi32>
          %gather3A_792 = tpu.vector_load_idx %arg17[%add3A_791, %and3A_736] : memref<640x64xf32, #tpu.memory_space<vmem>>[vector<16xi32>, vector<16xi32>], vector<16xf32>,
          %mul3A_793 = arith.mulf %gather3A_737, %gather3A_792 : vector<16xf32>
          %add3A_794 = arith.addf %add3A_663, %mul3A_793 : vector<16xf32>
          %add3A_795 = arith.constant 288 : i32
          %add3A_796 = vector.broadcast %add3A_795 : i32 to vector<16xi32>
          %add3A_797 = arith.addi %add3A_329, %add3A_796 : vector<16xi32>
          %gather3A_798 = tpu.vector_load_idx %arg17[%add3A_797, %and3A_736] : memref<640x64xf32, #tpu.memory_space<vmem>>[vector<16xi32>, vector<16xi32>], vector<16xf32>,
          %mul3A_799 = arith.mulf %gather3A_737, %gather3A_798 : vector<16xf32>
          %add3A_800 = arith.addf %add3A_669, %mul3A_799 : vector<16xf32>
          %add3A_801 = arith.constant 320 : i32
          %add3A_802 = vector.broadcast %add3A_801 : i32 to vector<16xi32>
          %add3A_803 = arith.addi %add3A_329, %add3A_802 : vector<16xi32>
          %gather3A_804 = tpu.vector_load_idx %arg17[%add3A_803, %and3A_736] : memref<640x64xf32, #tpu.memory_space<vmem>>[vector<16xi32>, vector<16xi32>], vector<16xf32>,
          %mul3A_805 = arith.mulf %gather3A_737, %gather3A_804 : vector<16xf32>
          %add3A_806 = arith.addf %add3A_675, %mul3A_805 : vector<16xf32>
          %add3A_807 = arith.constant 352 : i32
          %add3A_808 = vector.broadcast %add3A_807 : i32 to vector<16xi32>
          %add3A_809 = arith.addi %add3A_329, %add3A_808 : vector<16xi32>
          %gather3A_810 = tpu.vector_load_idx %arg17[%add3A_809, %and3A_736] : memref<640x64xf32, #tpu.memory_space<vmem>>[vector<16xi32>, vector<16xi32>], vector<16xf32>,
          %mul3A_811 = arith.mulf %gather3A_737, %gather3A_810 : vector<16xf32>
          %add3A_812 = arith.addf %add3A_681, %mul3A_811 : vector<16xf32>
          %add3A_813 = arith.constant 384 : i32
          %add3A_814 = vector.broadcast %add3A_813 : i32 to vector<16xi32>
          %add3A_815 = arith.addi %add3A_329, %add3A_814 : vector<16xi32>
          %gather3A_816 = tpu.vector_load_idx %arg17[%add3A_815, %and3A_736] : memref<640x64xf32, #tpu.memory_space<vmem>>[vector<16xi32>, vector<16xi32>], vector<16xf32>,
          %mul3A_817 = arith.mulf %gather3A_737, %gather3A_816 : vector<16xf32>
          %add3A_818 = arith.addf %add3A_687, %mul3A_817 : vector<16xf32>
          %add3A_819 = arith.constant 416 : i32
          %add3A_820 = vector.broadcast %add3A_819 : i32 to vector<16xi32>
          %add3A_821 = arith.addi %add3A_329, %add3A_820 : vector<16xi32>
          %gather3A_822 = tpu.vector_load_idx %arg17[%add3A_821, %and3A_736] : memref<640x64xf32, #tpu.memory_space<vmem>>[vector<16xi32>, vector<16xi32>], vector<16xf32>,
          %mul3A_823 = arith.mulf %gather3A_737, %gather3A_822 : vector<16xf32>
          %add3A_824 = arith.addf %add3A_693, %mul3A_823 : vector<16xf32>
          %add3A_825 = arith.constant 448 : i32
          %add3A_826 = vector.broadcast %add3A_825 : i32 to vector<16xi32>
          %add3A_827 = arith.addi %add3A_329, %add3A_826 : vector<16xi32>
          %gather3A_828 = tpu.vector_load_idx %arg17[%add3A_827, %and3A_736] : memref<640x64xf32, #tpu.memory_space<vmem>>[vector<16xi32>, vector<16xi32>], vector<16xf32>,
          %mul3A_829 = arith.mulf %gather3A_737, %gather3A_828 : vector<16xf32>
          %add3A_830 = arith.addf %add3A_699, %mul3A_829 : vector<16xf32>
          %add3A_831 = arith.constant 480 : i32
          %add3A_832 = vector.broadcast %add3A_831 : i32 to vector<16xi32>
          %add3A_833 = arith.addi %add3A_329, %add3A_832 : vector<16xi32>
          %gather3A_834 = tpu.vector_load_idx %arg17[%add3A_833, %and3A_736] : memref<640x64xf32, #tpu.memory_space<vmem>>[vector<16xi32>, vector<16xi32>], vector<16xf32>,
          %mul3A_835 = arith.mulf %gather3A_737, %gather3A_834 : vector<16xf32>
          %add3A_836 = arith.addf %add3A_705, %mul3A_835 : vector<16xf32>
          %add3A_837 = arith.constant 512 : i32
          %add3A_838 = vector.broadcast %add3A_837 : i32 to vector<16xi32>
          %add3A_839 = arith.addi %add3A_329, %add3A_838 : vector<16xi32>
          %gather3A_840 = tpu.vector_load_idx %arg17[%add3A_839, %and3A_736] : memref<640x64xf32, #tpu.memory_space<vmem>>[vector<16xi32>, vector<16xi32>], vector<16xf32>,
          %mul3A_841 = arith.mulf %gather3A_737, %gather3A_840 : vector<16xf32>
          %add3A_842 = arith.addf %add3A_711, %mul3A_841 : vector<16xf32>
          %add3A_843 = arith.constant 544 : i32
          %add3A_844 = vector.broadcast %add3A_843 : i32 to vector<16xi32>
          %add3A_845 = arith.addi %add3A_329, %add3A_844 : vector<16xi32>
          %gather3A_846 = tpu.vector_load_idx %arg17[%add3A_845, %and3A_736] : memref<640x64xf32, #tpu.memory_space<vmem>>[vector<16xi32>, vector<16xi32>], vector<16xf32>,
          %mul3A_847 = arith.mulf %gather3A_737, %gather3A_846 : vector<16xf32>
          %add3A_848 = arith.addf %add3A_717, %mul3A_847 : vector<16xf32>
          %add3A_849 = arith.constant 576 : i32
          %add3A_850 = vector.broadcast %add3A_849 : i32 to vector<16xi32>
          %add3A_851 = arith.addi %add3A_329, %add3A_850 : vector<16xi32>
          %gather3A_852 = tpu.vector_load_idx %arg17[%add3A_851, %and3A_736] : memref<640x64xf32, #tpu.memory_space<vmem>>[vector<16xi32>, vector<16xi32>], vector<16xf32>,
          %mul3A_853 = arith.mulf %gather3A_737, %gather3A_852 : vector<16xf32>
          %add3A_854 = arith.addf %add3A_723, %mul3A_853 : vector<16xf32>
          %add3A_855 = arith.constant 608 : i32
          %add3A_856 = vector.broadcast %add3A_855 : i32 to vector<16xi32>
          %add3A_857 = arith.addi %add3A_329, %add3A_856 : vector<16xi32>
          %gather3A_858 = tpu.vector_load_idx %arg17[%add3A_857, %and3A_736] : memref<640x64xf32, #tpu.memory_space<vmem>>[vector<16xi32>, vector<16xi32>], vector<16xf32>,
          %mul3A_859 = arith.mulf %gather3A_737, %gather3A_858 : vector<16xf32>
          %add3A_860 = arith.addf %add3A_729, %mul3A_859 : vector<16xf32>
          %add3A_861 = arith.constant 3 : i32
          %add3A_862 = arith.addi %mul3A_468, %add3A_861 : i32
          %add3A_863 = vector.broadcast %add3A_862 : i32 to vector<16xi32>
          %add3A_864 = arith.addi %iota3A, %add3A_863 : vector<16xi32>
          %and3A_865 = arith.constant 63 : i32
          %and3A_866 = vector.broadcast %and3A_865 : i32 to vector<16xi32>
          %and3A_867 = arith.andi %add3A_864, %and3A_866 : vector<16xi32>
          %gather3A_868 = tpu.vector_load_idx %arg15[%add3A_329, %and3A_867] : memref<32x64xf32, #tpu.memory_space<vmem>>[vector<16xi32>, vector<16xi32>], vector<16xf32>,
          %gather3A_869 = tpu.vector_load_idx %arg16[%add3A_329, %and3A_867] : memref<32x64xf32, #tpu.memory_space<vmem>>[vector<16xi32>, vector<16xi32>], vector<16xf32>,
          %mul3A_870 = arith.mulf %gather3A_868, %gather3A_869 : vector<16xf32>
          %add3A_871 = arith.addf %add3A_740, %mul3A_870 : vector<16xf32>
          %add3A_872 = arith.constant 0 : i32
          %add3A_873 = vector.broadcast %add3A_872 : i32 to vector<16xi32>
          %add3A_874 = arith.addi %add3A_329, %add3A_873 : vector<16xi32>
          %gather3A_875 = tpu.vector_load_idx %arg17[%add3A_874, %and3A_867] : memref<640x64xf32, #tpu.memory_space<vmem>>[vector<16xi32>, vector<16xi32>], vector<16xf32>,
          %mul3A_876 = arith.mulf %gather3A_868, %gather3A_875 : vector<16xf32>
          %add3A_877 = arith.addf %add3A_746, %mul3A_876 : vector<16xf32>
          %add3A_878 = arith.constant 32 : i32
          %add3A_879 = vector.broadcast %add3A_878 : i32 to vector<16xi32>
          %add3A_880 = arith.addi %add3A_329, %add3A_879 : vector<16xi32>
          %gather3A_881 = tpu.vector_load_idx %arg17[%add3A_880, %and3A_867] : memref<640x64xf32, #tpu.memory_space<vmem>>[vector<16xi32>, vector<16xi32>], vector<16xf32>,
          %mul3A_882 = arith.mulf %gather3A_868, %gather3A_881 : vector<16xf32>
          %add3A_883 = arith.addf %add3A_752, %mul3A_882 : vector<16xf32>
          %add3A_884 = arith.constant 64 : i32
          %add3A_885 = vector.broadcast %add3A_884 : i32 to vector<16xi32>
          %add3A_886 = arith.addi %add3A_329, %add3A_885 : vector<16xi32>
          %gather3A_887 = tpu.vector_load_idx %arg17[%add3A_886, %and3A_867] : memref<640x64xf32, #tpu.memory_space<vmem>>[vector<16xi32>, vector<16xi32>], vector<16xf32>,
          %mul3A_888 = arith.mulf %gather3A_868, %gather3A_887 : vector<16xf32>
          %add3A_889 = arith.addf %add3A_758, %mul3A_888 : vector<16xf32>
          %add3A_890 = arith.constant 96 : i32
          %add3A_891 = vector.broadcast %add3A_890 : i32 to vector<16xi32>
          %add3A_892 = arith.addi %add3A_329, %add3A_891 : vector<16xi32>
          %gather3A_893 = tpu.vector_load_idx %arg17[%add3A_892, %and3A_867] : memref<640x64xf32, #tpu.memory_space<vmem>>[vector<16xi32>, vector<16xi32>], vector<16xf32>,
          %mul3A_894 = arith.mulf %gather3A_868, %gather3A_893 : vector<16xf32>
          %add3A_895 = arith.addf %add3A_764, %mul3A_894 : vector<16xf32>
          %add3A_896 = arith.constant 128 : i32
          %add3A_897 = vector.broadcast %add3A_896 : i32 to vector<16xi32>
          %add3A_898 = arith.addi %add3A_329, %add3A_897 : vector<16xi32>
          %gather3A_899 = tpu.vector_load_idx %arg17[%add3A_898, %and3A_867] : memref<640x64xf32, #tpu.memory_space<vmem>>[vector<16xi32>, vector<16xi32>], vector<16xf32>,
          %mul3A_900 = arith.mulf %gather3A_868, %gather3A_899 : vector<16xf32>
          %add3A_901 = arith.addf %add3A_770, %mul3A_900 : vector<16xf32>
          %add3A_902 = arith.constant 160 : i32
          %add3A_903 = vector.broadcast %add3A_902 : i32 to vector<16xi32>
          %add3A_904 = arith.addi %add3A_329, %add3A_903 : vector<16xi32>
          %gather3A_905 = tpu.vector_load_idx %arg17[%add3A_904, %and3A_867] : memref<640x64xf32, #tpu.memory_space<vmem>>[vector<16xi32>, vector<16xi32>], vector<16xf32>,
          %mul3A_906 = arith.mulf %gather3A_868, %gather3A_905 : vector<16xf32>
          %add3A_907 = arith.addf %add3A_776, %mul3A_906 : vector<16xf32>
          %add3A_908 = arith.constant 192 : i32
          %add3A_909 = vector.broadcast %add3A_908 : i32 to vector<16xi32>
          %add3A_910 = arith.addi %add3A_329, %add3A_909 : vector<16xi32>
          %gather3A_911 = tpu.vector_load_idx %arg17[%add3A_910, %and3A_867] : memref<640x64xf32, #tpu.memory_space<vmem>>[vector<16xi32>, vector<16xi32>], vector<16xf32>,
          %mul3A_912 = arith.mulf %gather3A_868, %gather3A_911 : vector<16xf32>
          %add3A_913 = arith.addf %add3A_782, %mul3A_912 : vector<16xf32>
          %add3A_914 = arith.constant 224 : i32
          %add3A_915 = vector.broadcast %add3A_914 : i32 to vector<16xi32>
          %add3A_916 = arith.addi %add3A_329, %add3A_915 : vector<16xi32>
          %gather3A_917 = tpu.vector_load_idx %arg17[%add3A_916, %and3A_867] : memref<640x64xf32, #tpu.memory_space<vmem>>[vector<16xi32>, vector<16xi32>], vector<16xf32>,
          %mul3A_918 = arith.mulf %gather3A_868, %gather3A_917 : vector<16xf32>
          %add3A_919 = arith.addf %add3A_788, %mul3A_918 : vector<16xf32>
          %add3A_920 = arith.constant 256 : i32
          %add3A_921 = vector.broadcast %add3A_920 : i32 to vector<16xi32>
          %add3A_922 = arith.addi %add3A_329, %add3A_921 : vector<16xi32>
          %gather3A_923 = tpu.vector_load_idx %arg17[%add3A_922, %and3A_867] : memref<640x64xf32, #tpu.memory_space<vmem>>[vector<16xi32>, vector<16xi32>], vector<16xf32>,
          %mul3A_924 = arith.mulf %gather3A_868, %gather3A_923 : vector<16xf32>
          %add3A_925 = arith.addf %add3A_794, %mul3A_924 : vector<16xf32>
          %add3A_926 = arith.constant 288 : i32
          %add3A_927 = vector.broadcast %add3A_926 : i32 to vector<16xi32>
          %add3A_928 = arith.addi %add3A_329, %add3A_927 : vector<16xi32>
          %gather3A_929 = tpu.vector_load_idx %arg17[%add3A_928, %and3A_867] : memref<640x64xf32, #tpu.memory_space<vmem>>[vector<16xi32>, vector<16xi32>], vector<16xf32>,
          %mul3A_930 = arith.mulf %gather3A_868, %gather3A_929 : vector<16xf32>
          %add3A_931 = arith.addf %add3A_800, %mul3A_930 : vector<16xf32>
          %add3A_932 = arith.constant 320 : i32
          %add3A_933 = vector.broadcast %add3A_932 : i32 to vector<16xi32>
          %add3A_934 = arith.addi %add3A_329, %add3A_933 : vector<16xi32>
          %gather3A_935 = tpu.vector_load_idx %arg17[%add3A_934, %and3A_867] : memref<640x64xf32, #tpu.memory_space<vmem>>[vector<16xi32>, vector<16xi32>], vector<16xf32>,
          %mul3A_936 = arith.mulf %gather3A_868, %gather3A_935 : vector<16xf32>
          %add3A_937 = arith.addf %add3A_806, %mul3A_936 : vector<16xf32>
          %add3A_938 = arith.constant 352 : i32
          %add3A_939 = vector.broadcast %add3A_938 : i32 to vector<16xi32>
          %add3A_940 = arith.addi %add3A_329, %add3A_939 : vector<16xi32>
          %gather3A_941 = tpu.vector_load_idx %arg17[%add3A_940, %and3A_867] : memref<640x64xf32, #tpu.memory_space<vmem>>[vector<16xi32>, vector<16xi32>], vector<16xf32>,
          %mul3A_942 = arith.mulf %gather3A_868, %gather3A_941 : vector<16xf32>
          %add3A_943 = arith.addf %add3A_812, %mul3A_942 : vector<16xf32>
          %add3A_944 = arith.constant 384 : i32
          %add3A_945 = vector.broadcast %add3A_944 : i32 to vector<16xi32>
          %add3A_946 = arith.addi %add3A_329, %add3A_945 : vector<16xi32>
          %gather3A_947 = tpu.vector_load_idx %arg17[%add3A_946, %and3A_867] : memref<640x64xf32, #tpu.memory_space<vmem>>[vector<16xi32>, vector<16xi32>], vector<16xf32>,
          %mul3A_948 = arith.mulf %gather3A_868, %gather3A_947 : vector<16xf32>
          %add3A_949 = arith.addf %add3A_818, %mul3A_948 : vector<16xf32>
          %add3A_950 = arith.constant 416 : i32
          %add3A_951 = vector.broadcast %add3A_950 : i32 to vector<16xi32>
          %add3A_952 = arith.addi %add3A_329, %add3A_951 : vector<16xi32>
          %gather3A_953 = tpu.vector_load_idx %arg17[%add3A_952, %and3A_867] : memref<640x64xf32, #tpu.memory_space<vmem>>[vector<16xi32>, vector<16xi32>], vector<16xf32>,
          %mul3A_954 = arith.mulf %gather3A_868, %gather3A_953 : vector<16xf32>
          %add3A_955 = arith.addf %add3A_824, %mul3A_954 : vector<16xf32>
          %add3A_956 = arith.constant 448 : i32
          %add3A_957 = vector.broadcast %add3A_956 : i32 to vector<16xi32>
          %add3A_958 = arith.addi %add3A_329, %add3A_957 : vector<16xi32>
          %gather3A_959 = tpu.vector_load_idx %arg17[%add3A_958, %and3A_867] : memref<640x64xf32, #tpu.memory_space<vmem>>[vector<16xi32>, vector<16xi32>], vector<16xf32>,
          %mul3A_960 = arith.mulf %gather3A_868, %gather3A_959 : vector<16xf32>
          %add3A_961 = arith.addf %add3A_830, %mul3A_960 : vector<16xf32>
          %add3A_962 = arith.constant 480 : i32
          %add3A_963 = vector.broadcast %add3A_962 : i32 to vector<16xi32>
          %add3A_964 = arith.addi %add3A_329, %add3A_963 : vector<16xi32>
          %gather3A_965 = tpu.vector_load_idx %arg17[%add3A_964, %and3A_867] : memref<640x64xf32, #tpu.memory_space<vmem>>[vector<16xi32>, vector<16xi32>], vector<16xf32>,
          %mul3A_966 = arith.mulf %gather3A_868, %gather3A_965 : vector<16xf32>
          %add3A_967 = arith.addf %add3A_836, %mul3A_966 : vector<16xf32>
          %add3A_968 = arith.constant 512 : i32
          %add3A_969 = vector.broadcast %add3A_968 : i32 to vector<16xi32>
          %add3A_970 = arith.addi %add3A_329, %add3A_969 : vector<16xi32>
          %gather3A_971 = tpu.vector_load_idx %arg17[%add3A_970, %and3A_867] : memref<640x64xf32, #tpu.memory_space<vmem>>[vector<16xi32>, vector<16xi32>], vector<16xf32>,
          %mul3A_972 = arith.mulf %gather3A_868, %gather3A_971 : vector<16xf32>
          %add3A_973 = arith.addf %add3A_842, %mul3A_972 : vector<16xf32>
          %add3A_974 = arith.constant 544 : i32
          %add3A_975 = vector.broadcast %add3A_974 : i32 to vector<16xi32>
          %add3A_976 = arith.addi %add3A_329, %add3A_975 : vector<16xi32>
          %gather3A_977 = tpu.vector_load_idx %arg17[%add3A_976, %and3A_867] : memref<640x64xf32, #tpu.memory_space<vmem>>[vector<16xi32>, vector<16xi32>], vector<16xf32>,
          %mul3A_978 = arith.mulf %gather3A_868, %gather3A_977 : vector<16xf32>
          %add3A_979 = arith.addf %add3A_848, %mul3A_978 : vector<16xf32>
          %add3A_980 = arith.constant 576 : i32
          %add3A_981 = vector.broadcast %add3A_980 : i32 to vector<16xi32>
          %add3A_982 = arith.addi %add3A_329, %add3A_981 : vector<16xi32>
          %gather3A_983 = tpu.vector_load_idx %arg17[%add3A_982, %and3A_867] : memref<640x64xf32, #tpu.memory_space<vmem>>[vector<16xi32>, vector<16xi32>], vector<16xf32>,
          %mul3A_984 = arith.mulf %gather3A_868, %gather3A_983 : vector<16xf32>
          %add3A_985 = arith.addf %add3A_854, %mul3A_984 : vector<16xf32>
          %add3A_986 = arith.constant 608 : i32
          %add3A_987 = vector.broadcast %add3A_986 : i32 to vector<16xi32>
          %add3A_988 = arith.addi %add3A_329, %add3A_987 : vector<16xi32>
          %gather3A_989 = tpu.vector_load_idx %arg17[%add3A_988, %and3A_867] : memref<640x64xf32, #tpu.memory_space<vmem>>[vector<16xi32>, vector<16xi32>], vector<16xf32>,
          %mul3A_990 = arith.mulf %gather3A_868, %gather3A_989 : vector<16xf32>
          %add3A_991 = arith.addf %add3A_860, %mul3A_990 : vector<16xf32>
          scf.yield %add3A_871, %add3A_877, %add3A_883, %add3A_889, %add3A_895, %add3A_901, %add3A_907, %add3A_913, %add3A_919, %add3A_925, %add3A_931, %add3A_937, %add3A_943, %add3A_949, %add3A_955, %add3A_961, %add3A_967, %add3A_973, %add3A_979, %add3A_985, %add3A_991 : vector<16xf32>, vector<16xf32>, vector<16xf32>, vector<16xf32>, vector<16xf32>, vector<16xf32>, vector<16xf32>, vector<16xf32>, vector<16xf32>, vector<16xf32>, vector<16xf32>, vector<16xf32>, vector<16xf32>, vector<16xf32>, vector<16xf32>, vector<16xf32>, vector<16xf32>, vector<16xf32>, vector<16xf32>, vector<16xf32>, vector<16xf32>
        }
        %scan3A_336 = arith.constant 16 : i32
        %mul3A_337 = arith.constant 32 : i32
        %mul3A_338 = arith.muli %add3A_318, %mul3A_337 : i32
        %mul3A_339 = arith.constant 16 : i32
        %mul3A_340 = arith.muli %scan3A_325, %mul3A_339 : i32
        %add3A_341 = arith.addi %mul3A_338, %mul3A_340 : i32
        %shift_right_arithmetic3A = arith.constant 7 : i32
        %shift_right_arithmetic3A_342 = arith.shrsi %add3A_341, %shift_right_arithmetic3A : i32
        %and3A = arith.constant 127 : i32
        %and3A_343 = arith.andi %add3A_341, %and3A : i32
        %swap3A = arith.index_cast %add3A_341 : i32 to index
        %swap3A_344 = tpu.vector_load %arg18[%swap3A] {strides = array<i32>} : memref<512xf32, #tpu.memory_space<vmem>>, vector<16xf32>,
        tpu.vector_store %arg18[%swap3A], %scan3A_335#0 {strides = array<i32>} : memref<512xf32, #tpu.memory_space<vmem>>, vector<16xf32>,
        %add3A_345 = arith.constant 0 : i32
        %add3A_346 = arith.addi %add3A_345, %shift_right_arithmetic3A_342 : i32
        %swap3A_347 = arith.index_cast %add3A_346 : i32 to index
        %swap3A_348 = arith.index_cast %and3A_343 : i32 to index
        %swap3A_349 = tpu.vector_load %arg19[%swap3A_347, %swap3A_348] {strides = array<i32>} : memref<80x128xf32, #tpu.memory_space<vmem>>, vector<16xf32>,
        tpu.vector_store %arg19[%swap3A_347, %swap3A_348], %scan3A_335#1 {strides = array<i32>} : memref<80x128xf32, #tpu.memory_space<vmem>>, vector<16xf32>,
        %add3A_350 = arith.constant 4 : i32
        %add3A_351 = arith.addi %add3A_350, %shift_right_arithmetic3A_342 : i32
        %swap3A_352 = arith.index_cast %add3A_351 : i32 to index
        %swap3A_353 = arith.index_cast %and3A_343 : i32 to index
        %swap3A_354 = tpu.vector_load %arg19[%swap3A_352, %swap3A_353] {strides = array<i32>} : memref<80x128xf32, #tpu.memory_space<vmem>>, vector<16xf32>,
        tpu.vector_store %arg19[%swap3A_352, %swap3A_353], %scan3A_335#2 {strides = array<i32>} : memref<80x128xf32, #tpu.memory_space<vmem>>, vector<16xf32>,
        %add3A_355 = arith.constant 8 : i32
        %add3A_356 = arith.addi %add3A_355, %shift_right_arithmetic3A_342 : i32
        %swap3A_357 = arith.index_cast %add3A_356 : i32 to index
        %swap3A_358 = arith.index_cast %and3A_343 : i32 to index
        %swap3A_359 = tpu.vector_load %arg19[%swap3A_357, %swap3A_358] {strides = array<i32>} : memref<80x128xf32, #tpu.memory_space<vmem>>, vector<16xf32>,
        tpu.vector_store %arg19[%swap3A_357, %swap3A_358], %scan3A_335#3 {strides = array<i32>} : memref<80x128xf32, #tpu.memory_space<vmem>>, vector<16xf32>,
        %add3A_360 = arith.constant 12 : i32
        %add3A_361 = arith.addi %add3A_360, %shift_right_arithmetic3A_342 : i32
        %swap3A_362 = arith.index_cast %add3A_361 : i32 to index
        %swap3A_363 = arith.index_cast %and3A_343 : i32 to index
        %swap3A_364 = tpu.vector_load %arg19[%swap3A_362, %swap3A_363] {strides = array<i32>} : memref<80x128xf32, #tpu.memory_space<vmem>>, vector<16xf32>,
        tpu.vector_store %arg19[%swap3A_362, %swap3A_363], %scan3A_335#4 {strides = array<i32>} : memref<80x128xf32, #tpu.memory_space<vmem>>, vector<16xf32>,
        %add3A_365 = arith.constant 16 : i32
        %add3A_366 = arith.addi %add3A_365, %shift_right_arithmetic3A_342 : i32
        %swap3A_367 = arith.index_cast %add3A_366 : i32 to index
        %swap3A_368 = arith.index_cast %and3A_343 : i32 to index
        %swap3A_369 = tpu.vector_load %arg19[%swap3A_367, %swap3A_368] {strides = array<i32>} : memref<80x128xf32, #tpu.memory_space<vmem>>, vector<16xf32>,
        tpu.vector_store %arg19[%swap3A_367, %swap3A_368], %scan3A_335#5 {strides = array<i32>} : memref<80x128xf32, #tpu.memory_space<vmem>>, vector<16xf32>,
        %add3A_370 = arith.constant 20 : i32
        %add3A_371 = arith.addi %add3A_370, %shift_right_arithmetic3A_342 : i32
        %swap3A_372 = arith.index_cast %add3A_371 : i32 to index
        %swap3A_373 = arith.index_cast %and3A_343 : i32 to index
        %swap3A_374 = tpu.vector_load %arg19[%swap3A_372, %swap3A_373] {strides = array<i32>} : memref<80x128xf32, #tpu.memory_space<vmem>>, vector<16xf32>,
        tpu.vector_store %arg19[%swap3A_372, %swap3A_373], %scan3A_335#6 {strides = array<i32>} : memref<80x128xf32, #tpu.memory_space<vmem>>, vector<16xf32>,
        %add3A_375 = arith.constant 24 : i32
        %add3A_376 = arith.addi %add3A_375, %shift_right_arithmetic3A_342 : i32
        %swap3A_377 = arith.index_cast %add3A_376 : i32 to index
        %swap3A_378 = arith.index_cast %and3A_343 : i32 to index
        %swap3A_379 = tpu.vector_load %arg19[%swap3A_377, %swap3A_378] {strides = array<i32>} : memref<80x128xf32, #tpu.memory_space<vmem>>, vector<16xf32>,
        tpu.vector_store %arg19[%swap3A_377, %swap3A_378], %scan3A_335#7 {strides = array<i32>} : memref<80x128xf32, #tpu.memory_space<vmem>>, vector<16xf32>,
        %add3A_380 = arith.constant 28 : i32
        %add3A_381 = arith.addi %add3A_380, %shift_right_arithmetic3A_342 : i32
        %swap3A_382 = arith.index_cast %add3A_381 : i32 to index
        %swap3A_383 = arith.index_cast %and3A_343 : i32 to index
        %swap3A_384 = tpu.vector_load %arg19[%swap3A_382, %swap3A_383] {strides = array<i32>} : memref<80x128xf32, #tpu.memory_space<vmem>>, vector<16xf32>,
        tpu.vector_store %arg19[%swap3A_382, %swap3A_383], %scan3A_335#8 {strides = array<i32>} : memref<80x128xf32, #tpu.memory_space<vmem>>, vector<16xf32>,
        %add3A_385 = arith.constant 32 : i32
        %add3A_386 = arith.addi %add3A_385, %shift_right_arithmetic3A_342 : i32
        %swap3A_387 = arith.index_cast %add3A_386 : i32 to index
        %swap3A_388 = arith.index_cast %and3A_343 : i32 to index
        %swap3A_389 = tpu.vector_load %arg19[%swap3A_387, %swap3A_388] {strides = array<i32>} : memref<80x128xf32, #tpu.memory_space<vmem>>, vector<16xf32>,
        tpu.vector_store %arg19[%swap3A_387, %swap3A_388], %scan3A_335#9 {strides = array<i32>} : memref<80x128xf32, #tpu.memory_space<vmem>>, vector<16xf32>,
        %add3A_390 = arith.constant 36 : i32
        %add3A_391 = arith.addi %add3A_390, %shift_right_arithmetic3A_342 : i32
        %swap3A_392 = arith.index_cast %add3A_391 : i32 to index
        %swap3A_393 = arith.index_cast %and3A_343 : i32 to index
        %swap3A_394 = tpu.vector_load %arg19[%swap3A_392, %swap3A_393] {strides = array<i32>} : memref<80x128xf32, #tpu.memory_space<vmem>>, vector<16xf32>,
        tpu.vector_store %arg19[%swap3A_392, %swap3A_393], %scan3A_335#10 {strides = array<i32>} : memref<80x128xf32, #tpu.memory_space<vmem>>, vector<16xf32>,
        %add3A_395 = arith.constant 40 : i32
        %add3A_396 = arith.addi %add3A_395, %shift_right_arithmetic3A_342 : i32
        %swap3A_397 = arith.index_cast %add3A_396 : i32 to index
        %swap3A_398 = arith.index_cast %and3A_343 : i32 to index
        %swap3A_399 = tpu.vector_load %arg19[%swap3A_397, %swap3A_398] {strides = array<i32>} : memref<80x128xf32, #tpu.memory_space<vmem>>, vector<16xf32>,
        tpu.vector_store %arg19[%swap3A_397, %swap3A_398], %scan3A_335#11 {strides = array<i32>} : memref<80x128xf32, #tpu.memory_space<vmem>>, vector<16xf32>,
        %add3A_400 = arith.constant 44 : i32
        %add3A_401 = arith.addi %add3A_400, %shift_right_arithmetic3A_342 : i32
        %swap3A_402 = arith.index_cast %add3A_401 : i32 to index
        %swap3A_403 = arith.index_cast %and3A_343 : i32 to index
        %swap3A_404 = tpu.vector_load %arg19[%swap3A_402, %swap3A_403] {strides = array<i32>} : memref<80x128xf32, #tpu.memory_space<vmem>>, vector<16xf32>,
        tpu.vector_store %arg19[%swap3A_402, %swap3A_403], %scan3A_335#12 {strides = array<i32>} : memref<80x128xf32, #tpu.memory_space<vmem>>, vector<16xf32>,
        %add3A_405 = arith.constant 48 : i32
        %add3A_406 = arith.addi %add3A_405, %shift_right_arithmetic3A_342 : i32
        %swap3A_407 = arith.index_cast %add3A_406 : i32 to index
        %swap3A_408 = arith.index_cast %and3A_343 : i32 to index
        %swap3A_409 = tpu.vector_load %arg19[%swap3A_407, %swap3A_408] {strides = array<i32>} : memref<80x128xf32, #tpu.memory_space<vmem>>, vector<16xf32>,
        tpu.vector_store %arg19[%swap3A_407, %swap3A_408], %scan3A_335#13 {strides = array<i32>} : memref<80x128xf32, #tpu.memory_space<vmem>>, vector<16xf32>,
        %add3A_410 = arith.constant 52 : i32
        %add3A_411 = arith.addi %add3A_410, %shift_right_arithmetic3A_342 : i32
        %swap3A_412 = arith.index_cast %add3A_411 : i32 to index
        %swap3A_413 = arith.index_cast %and3A_343 : i32 to index
        %swap3A_414 = tpu.vector_load %arg19[%swap3A_412, %swap3A_413] {strides = array<i32>} : memref<80x128xf32, #tpu.memory_space<vmem>>, vector<16xf32>,
        tpu.vector_store %arg19[%swap3A_412, %swap3A_413], %scan3A_335#14 {strides = array<i32>} : memref<80x128xf32, #tpu.memory_space<vmem>>, vector<16xf32>,
        %add3A_415 = arith.constant 56 : i32
        %add3A_416 = arith.addi %add3A_415, %shift_right_arithmetic3A_342 : i32
        %swap3A_417 = arith.index_cast %add3A_416 : i32 to index
        %swap3A_418 = arith.index_cast %and3A_343 : i32 to index
        %swap3A_419 = tpu.vector_load %arg19[%swap3A_417, %swap3A_418] {strides = array<i32>} : memref<80x128xf32, #tpu.memory_space<vmem>>, vector<16xf32>,
        tpu.vector_store %arg19[%swap3A_417, %swap3A_418], %scan3A_335#15 {strides = array<i32>} : memref<80x128xf32, #tpu.memory_space<vmem>>, vector<16xf32>,
        %add3A_420 = arith.constant 60 : i32
        %add3A_421 = arith.addi %add3A_420, %shift_right_arithmetic3A_342 : i32
        %swap3A_422 = arith.index_cast %add3A_421 : i32 to index
        %swap3A_423 = arith.index_cast %and3A_343 : i32 to index
        %swap3A_424 = tpu.vector_load %arg19[%swap3A_422, %swap3A_423] {strides = array<i32>} : memref<80x128xf32, #tpu.memory_space<vmem>>, vector<16xf32>,
        tpu.vector_store %arg19[%swap3A_422, %swap3A_423], %scan3A_335#16 {strides = array<i32>} : memref<80x128xf32, #tpu.memory_space<vmem>>, vector<16xf32>,
        %add3A_425 = arith.constant 64 : i32
        %add3A_426 = arith.addi %add3A_425, %shift_right_arithmetic3A_342 : i32
        %swap3A_427 = arith.index_cast %add3A_426 : i32 to index
        %swap3A_428 = arith.index_cast %and3A_343 : i32 to index
        %swap3A_429 = tpu.vector_load %arg19[%swap3A_427, %swap3A_428] {strides = array<i32>} : memref<80x128xf32, #tpu.memory_space<vmem>>, vector<16xf32>,
        tpu.vector_store %arg19[%swap3A_427, %swap3A_428], %scan3A_335#17 {strides = array<i32>} : memref<80x128xf32, #tpu.memory_space<vmem>>, vector<16xf32>,
        %add3A_430 = arith.constant 68 : i32
        %add3A_431 = arith.addi %add3A_430, %shift_right_arithmetic3A_342 : i32
        %swap3A_432 = arith.index_cast %add3A_431 : i32 to index
        %swap3A_433 = arith.index_cast %and3A_343 : i32 to index
        %swap3A_434 = tpu.vector_load %arg19[%swap3A_432, %swap3A_433] {strides = array<i32>} : memref<80x128xf32, #tpu.memory_space<vmem>>, vector<16xf32>,
        tpu.vector_store %arg19[%swap3A_432, %swap3A_433], %scan3A_335#18 {strides = array<i32>} : memref<80x128xf32, #tpu.memory_space<vmem>>, vector<16xf32>,
        %add3A_435 = arith.constant 72 : i32
        %add3A_436 = arith.addi %add3A_435, %shift_right_arithmetic3A_342 : i32
        %swap3A_437 = arith.index_cast %add3A_436 : i32 to index
        %swap3A_438 = arith.index_cast %and3A_343 : i32 to index
        %swap3A_439 = tpu.vector_load %arg19[%swap3A_437, %swap3A_438] {strides = array<i32>} : memref<80x128xf32, #tpu.memory_space<vmem>>, vector<16xf32>,
        tpu.vector_store %arg19[%swap3A_437, %swap3A_438], %scan3A_335#19 {strides = array<i32>} : memref<80x128xf32, #tpu.memory_space<vmem>>, vector<16xf32>,
        %add3A_440 = arith.constant 76 : i32
        %add3A_441 = arith.addi %add3A_440, %shift_right_arithmetic3A_342 : i32
        %swap3A_442 = arith.index_cast %add3A_441 : i32 to index
        %swap3A_443 = arith.index_cast %and3A_343 : i32 to index
        %swap3A_444 = tpu.vector_load %arg19[%swap3A_442, %swap3A_443] {strides = array<i32>} : memref<80x128xf32, #tpu.memory_space<vmem>>, vector<16xf32>,
        tpu.vector_store %arg19[%swap3A_442, %swap3A_443], %scan3A_335#20 {strides = array<i32>} : memref<80x128xf32, #tpu.memory_space<vmem>>, vector<16xf32>,
      }
      %scan3A_324 = arith.constant 2 : i32
    }
    %scan3A_68 = arith.constant 8 : i32
    "tpu.region"() ({
      %run_scoped3A = tpu.sem_alloc : memref<!tpu.dma_semaphore, #tpu.memory_space<semaphore_mem>>
      %dma_start3A_72 = tpu.memref_slice %arg7[%mul3A_2] : memref<16384xf32, #tpu.memory_space<hbm>> -> memref<512xf32, #tpu.memory_space<hbm>>
      %dma_start3A_73 = tpu.memref_slice %arg7[%mul3A_2] : memref<16384xf32, #tpu.memory_space<hbm>> -> memref<512xf32, #tpu.memory_space<hbm>>
      tpu.enqueue_dma source(%arg18 : memref<512xf32, #tpu.memory_space<vmem>>) target(%dma_start3A_73 : memref<512xf32, #tpu.memory_space<hbm>>) target_semaphore(%run_scoped3A : memref<!tpu.dma_semaphore, #tpu.memory_space<semaphore_mem>>)
      %dma_wait3A = tpu.memref_slice %arg7[%mul3A_2] : memref<16384xf32, #tpu.memory_space<hbm>> -> memref<512xf32, #tpu.memory_space<hbm>>
      %dma_wait3A_74 = tpu.memref_slice %arg7[%mul3A_2] : memref<16384xf32, #tpu.memory_space<hbm>> -> memref<512xf32, #tpu.memory_space<hbm>>
      tpu.wait_dma2 semaphore(%run_scoped3A : memref<!tpu.dma_semaphore, #tpu.memory_space<semaphore_mem>>) src(%arg18 : memref<512xf32, #tpu.memory_space<vmem>>) dst(%dma_wait3A_74 : memref<512xf32, #tpu.memory_space<hbm>>)
      tpu.yield
    }) : () -> ()
    %mul3A_69 = arith.constant 80 : i32
    %mul3A_70 = arith.muli %add3A, %mul3A_69 : i32
    %multiple_of3A_71 = tpu.assume_multiple %mul3A_70, 8 : i32
    "tpu.region"() ({
      %run_scoped3A = tpu.sem_alloc : memref<!tpu.dma_semaphore, #tpu.memory_space<semaphore_mem>>
      %dma_start3A_72 = arith.constant 0 : i32
      %dma_start3A_73 = tpu.memref_slice %arg8[%multiple_of3A_71, %dma_start3A_72] : memref<2560x128xf32, #tpu.memory_space<hbm>> -> memref<80x128xf32, #tpu.memory_space<hbm>>
      %dma_start3A_74 = arith.constant 0 : i32
      %dma_start3A_75 = tpu.memref_slice %arg8[%multiple_of3A_71, %dma_start3A_74] : memref<2560x128xf32, #tpu.memory_space<hbm>> -> memref<80x128xf32, #tpu.memory_space<hbm>>
      tpu.enqueue_dma source(%arg19 : memref<80x128xf32, #tpu.memory_space<vmem>>) target(%dma_start3A_75 : memref<80x128xf32, #tpu.memory_space<hbm>>) target_semaphore(%run_scoped3A : memref<!tpu.dma_semaphore, #tpu.memory_space<semaphore_mem>>)
      %dma_wait3A = arith.constant 0 : i32
      %dma_wait3A_76 = tpu.memref_slice %arg8[%multiple_of3A_71, %dma_wait3A] : memref<2560x128xf32, #tpu.memory_space<hbm>> -> memref<80x128xf32, #tpu.memory_space<hbm>>
      %dma_wait3A_77 = arith.constant 0 : i32
      %dma_wait3A_78 = tpu.memref_slice %arg8[%multiple_of3A_71, %dma_wait3A_77] : memref<2560x128xf32, #tpu.memory_space<hbm>> -> memref<80x128xf32, #tpu.memory_space<hbm>>
      tpu.wait_dma2 semaphore(%run_scoped3A : memref<!tpu.dma_semaphore, #tpu.memory_space<semaphore_mem>>) src(%arg19 : memref<80x128xf32, #tpu.memory_space<vmem>>) dst(%dma_wait3A_78 : memref<80x128xf32, #tpu.memory_space<hbm>>)
      tpu.yield
    }) : () -> ()
    return
  }
}

module attributes {stable_mosaic.version = 14 : i64} {
  func.func @body(%arg0: memref<128x128xf32, #tpu.memory_space<vmem>>, %arg1: memref<2560x128xf32, #tpu.memory_space<vmem>>, %arg2: memref<1x1xf32, #tpu.memory_space<smem>>) attributes {dimension_semantics = [], scalar_prefetch = 0 : i64, scratch_operands = 0 : i64, tpu.core_type = #tpu.core_type<tc>} {
    %get3A = arith.constant 0 : index
    %get3A_0 = arith.constant 0 : index
    %get3A_1 = vector.load %arg0[%get3A, %get3A_0] : memref<128x128xf32, #tpu.memory_space<vmem>>, vector<128x128xf32>
    %min3A = arith.constant 0.000000e+00 : f32
    %min3A_2 = vector.broadcast %min3A : f32 to vector<128x128xf32>
    %min3A_3 = arith.minimumf %get3A_1, %min3A_2 : vector<128x128xf32>
    %abs3A = math.absf %get3A_1 : vector<128x128xf32>
    %neg3A = arith.constant 0.000000e+00 : f32
    %neg3A_4 = vector.broadcast %neg3A : f32 to vector<128x128xf32>
    %neg3A_5 = arith.subf %neg3A_4, %abs3A : vector<128x128xf32>
    %exp3A = math.exp %neg3A_5 : vector<128x128xf32>
    %add3A = arith.constant 1.000000e+00 : f32
    %add3A_6 = vector.broadcast %add3A : f32 to vector<128x128xf32>
    %add3A_7 = arith.addf %add3A_6, %exp3A : vector<128x128xf32>
    %log3A = math.log %add3A_7 : vector<128x128xf32>
    %sub3A = arith.subf %min3A_3, %log3A : vector<128x128xf32>
    %reduce_sum3A = vector.shape_cast %sub3A : vector<128x128xf32> to vector<1x128x128xf32>
    %reduce_sum3A_8 = arith.constant dense<0.000000e+00> : vector<1xf32>
    %reduce_sum3A_9 = vector.multi_reduction <add>, %reduce_sum3A, %reduce_sum3A_8 [1, 2] : vector<1x128x128xf32> to vector<1xf32>
    %reduce_sum3A_10 = vector.shape_cast %reduce_sum3A_9 : vector<1xf32> to vector<1x1x1xf32>
    %reduce_sum3A_11 = vector.extract %reduce_sum3A_10[0, 0, 0] : f32 from vector<1x1x1xf32>
    %get3A_12 = arith.constant 0 : index
    %get3A_13 = arith.constant 0 : index
    %get3A_14 = vector.load %arg1[%get3A_12, %get3A_13] : memref<2560x128xf32, #tpu.memory_space<vmem>>, vector<2560x128xf32>
    %neg3A_15 = arith.constant 0.000000e+00 : f32
    %neg3A_16 = vector.broadcast %neg3A_15 : f32 to vector<2560x128xf32>
    %neg3A_17 = arith.subf %neg3A_16, %get3A_14 : vector<2560x128xf32>
    %min3A_18 = arith.constant 0.000000e+00 : f32
    %min3A_19 = vector.broadcast %min3A_18 : f32 to vector<2560x128xf32>
    %min3A_20 = arith.minimumf %neg3A_17, %min3A_19 : vector<2560x128xf32>
    %abs3A_21 = math.absf %neg3A_17 : vector<2560x128xf32>
    %neg3A_22 = arith.constant 0.000000e+00 : f32
    %neg3A_23 = vector.broadcast %neg3A_22 : f32 to vector<2560x128xf32>
    %neg3A_24 = arith.subf %neg3A_23, %abs3A_21 : vector<2560x128xf32>
    %exp3A_25 = math.exp %neg3A_24 : vector<2560x128xf32>
    %add3A_26 = arith.constant 1.000000e+00 : f32
    %add3A_27 = vector.broadcast %add3A_26 : f32 to vector<2560x128xf32>
    %add3A_28 = arith.addf %add3A_27, %exp3A_25 : vector<2560x128xf32>
    %log3A_29 = math.log %add3A_28 : vector<2560x128xf32>
    %sub3A_30 = arith.subf %min3A_20, %log3A_29 : vector<2560x128xf32>
    %reduce_sum3A_31 = vector.shape_cast %sub3A_30 : vector<2560x128xf32> to vector<1x2560x128xf32>
    %reduce_sum3A_32 = arith.constant dense<0.000000e+00> : vector<1xf32>
    %reduce_sum3A_33 = vector.multi_reduction <add>, %reduce_sum3A_31, %reduce_sum3A_32 [1, 2] : vector<1x2560x128xf32> to vector<1xf32>
    %reduce_sum3A_34 = vector.shape_cast %reduce_sum3A_33 : vector<1xf32> to vector<1x1x1xf32>
    %reduce_sum3A_35 = vector.extract %reduce_sum3A_34[0, 0, 0] : f32 from vector<1x1x1xf32>
    %add3A_36 = arith.addf %reduce_sum3A_11, %reduce_sum3A_35 : f32
    %neg3A_37 = arith.constant 0.000000e+00 : f32
    %neg3A_38 = arith.subf %neg3A_37, %add3A_36 : f32
    %div3A = arith.constant 1.638400e+04 : f32
    %div3A_39 = arith.divf %neg3A_38, %div3A : f32
    %swap3A = arith.constant 0 : index
    %swap3A_40 = arith.constant 0 : index
    %swap3A_41 = memref.load %arg2[%swap3A, %swap3A_40] : memref<1x1xf32, #tpu.memory_space<smem>>
    memref.store %div3A_39, %arg2[%swap3A, %swap3A_40] : memref<1x1xf32, #tpu.memory_space<smem>>
    return
  }
}

</mosaic_0001>

<sc_bundles>
// kernel: kernel.4.cloned.1.call-start
scs
__scs_entry_jumppad:
0x0: {  	(pc) =	sbr.rel $0x88, $3  }
0x1: {  	(tag) =	ssettag $0x0;
	lr =	simm.s32 $0x1  }
0x2: {  	[smem:$0x3F9C] =	sst lr;
	_ =	strace $0xD0000000  }
0x3: {  	_ = 	snop  }
0x4: {  	_ = 	snop  }
0x5: {  	_ = 	snop  }
0x6: {  	_ = 	snop  }
0x7: {  	_ = 	snop  }
__scs_overlays_trampoline_lowered:
0x8: {  	[smem:$0x3FAB] =	sst s0  }
0x9: {  	[smem:$0x3FAC] =	sst s1  }
0xa: {  	[smem:$0x3FAD] =	sst s2  }
0xb: {  	[smem:$0x3FAE] =	sst s3  }
0xc: {  	[smem:$0x3FAF] =	sst s4  }
0xd: {  	[smem:$0x3FB0] =	sst s5  }
0xe: {  	[smem:$0x3FB1] =	sst s6  }
0xf: {  	[smem:$0x3FB2] =	sst s7  }
0x10: {  	[smem:$0x3FB3] =	sst s8  }
0x11: {  	[smem:$0x3FB4] =	sst s9;
	s0 =	simm.s32 @!p0 $0x0  }
0x12: {  	s1 =	sld [smem:$0x3F9A];
	s0 =	simm.s32 @p0 $0x1  }
0x13: {  	[smem:$0x3FB5] =	sst s0;
	s0 =	simm.s32 @!p1 $0x0  }
0x14: {  	s2 =	sld [smem:$0x3F99];
	s0 =	simm.s32 @p1 $0x1  }
0x15: {  	[smem:$0x3FB6] =	sst s0;
	s0 =	simm.s32 @!p2 $0x0  }
0x16: {  	s3 =	sld [smem:$0x3FDB];
	s0 =	simm.s32 @p2 $0x1  }
0x17: {  	s4 =	simm.s32 $0x1BF5;
	[smem:$0x3FB8] =	sst s0  }
0x18: {  	s0 =	sld [smem:$0x3F9B];
	_ =	swait.ge [sflag:s4], $0x0  }
0x19: {  	s7 =	sld [smem:$0x3F9C]  }
0x1a: {  	s8 =	sadd.s32 $0xFFFFE003, lr  }
0x1b: {  	s9 =	sadd.s32 $0xFFFFFEF7, lr;
	s5 =	simm.s32 $0xFFFFFFFF;
	p2 =	slt.u32 s8, $0xFFFFF086  }
0x1c: {  	p1 =	slt.u32 s9, $0xF7A;
	s5 =	simm.s32 @!p2 $0x0  }
0x1d: {  	s5 =	simm.s32 @p1 $0x1;
	p0 =	seq.s32 s7, s2  }
0x1e: {  	s7 =	smul.u32 @!p0 $0xF7A, s2;
	p2 =	seq.s32 @!p0 s5, $0x0  }
0x1f: {  	s9 =	smul.u32 $0xF7A, s1;
	s8 =	simm.s32 @!p0 $0x1BF5;
	p2 =	por !p2, p0  }
0x20: {  	[sflag:s8] =	ssyncset.s32 @!p0 $0xFFFFF086;
	s6 =	sadd.s32 @!p0 s3, s7;
	s7 =	simm.s32 @!p0 $0x108  }
0x21: {  	s3 =	sadd.s32 s3, s9;
	s6 =	sadd.s32 @!p0 $0x88, s6;
	s7 =	simm.s32 @p2 $0x1082  }
0x22: {  	[simem:s7], [sflag:s8] =	dma.local @!p0 [hbm:s6], $0xF7A  }
0x23: {  	s9 =	sor.u32 $0xD0000000, s2;
	s6 =	simm.s32 $0x108;
	_ =	swait.ge @!p0 [sflag:s8], $0x0  }
0x24: {  	s3 =	sadd.s32 $0x88, s3;
	s6 =	simm.s32 @!p1 $0x1082;
	[sflag:s4] =	ssyncset.s32 $0xFFFFF086  }
0x25: {  	[simem:s6], [sflag:s4] =	dma.local [hbm:s3], $0xF7A  }
0x26: {  	[smem:$0x3F9C] =	sst s1;
	(tag) =	ssettag s2;
	_ =	strace s9  }
0x27: {  	s1 =	sld [smem:$0x3FAC]  }
0x28: {  	s2 =	sld [smem:$0x3FAD]  }
0x29: {  	s4 =	sld [smem:$0x3FAF]  }
0x2a: {  	p0 =	seq.s32 s5, $0x0;
	s5 =	sld [smem:$0x3FB0]  }
0x2b: {  	s6 =	sld [smem:$0x3FB1]  }
0x2c: {  	s7 =	sld [smem:$0x3FB2]  }
0x2d: {  	s3 =	simm.s32 $0x108;
	s8 =	sld [smem:$0x3FB3]  }
0x2e: {  	s3 =	simm.s32 @!p0 $0x1082;
	s9 =	sld [smem:$0x3FB4]  }
0x2f: {  	lr =	sadd.s32 s0, s3;
	s0 =	sld [smem:$0x3FAB]  }
0x30: {  	s3 =	sld [smem:$0x3FAE]  }
0x31: {  	[smem:$0x3FB7] =	sst s10  }
0x32: {  	s10 =	sld [smem:$0x3FB5];
	_ =	sdelay $0x3  }
0x33: {  	p0 =	seq.s32 s10, $0x1;
	s10 =	sld [smem:$0x3FB7];
	_ =	sdelay $0x3  }
0x34: {  	[smem:$0x3FB7] =	sst s10  }
0x35: {  	s10 =	sld [smem:$0x3FB6];
	_ =	sdelay $0x3  }
0x36: {  	p1 =	seq.s32 s10, $0x1;
	s10 =	sld [smem:$0x3FB7];
	_ =	sdelay $0x3  }
0x37: {  	[smem:$0x3FB7] =	sst s10  }
0x38: {  	s10 =	sld [smem:$0x3FB8]  }
0x39: {  	_ = 	snop;
	(pc) =	sbr.ind lr, $3  }
0x3a: {  	_ = 	snop  }
0x3b: {  	_ = 	snop  }
0x3c: {  	p2 =	seq.s32 s10, $0x1;
	s10 =	sld [smem:$0x3FB7]  }
0x3d: {  	_ =	shalt  }
0x3e: {  	_ =	shalt  }
0x3f: {  	_ =	shalt  }
0x40: {  	_ =	shalt  }
0x41: {  	_ =	shalt  }
0x42: {  	_ =	shalt  }
0x43: {  	_ =	shalt  }
0x44: {  	_ =	shalt  }
0x45: {  	_ =	shalt  }
0x46: {  	_ =	shalt  }
0x47: {  	_ =	shalt  }
0x48: {  	_ =	shalt  }
0x49: {  	_ =	shalt  }
0x4a: {  	_ =	shalt  }
0x4b: {  	_ =	shalt  }
0x4c: {  	_ =	shalt  }
0x4d: {  	_ =	shalt  }
0x4e: {  	_ =	shalt  }
0x4f: {  	_ =	shalt  }
0x50: {  	_ =	shalt  }
0x51: {  	_ =	shalt  }
0x52: {  	_ =	shalt  }
0x53: {  	_ =	shalt  }
0x54: {  	_ =	shalt  }
0x55: {  	_ =	shalt  }
0x56: {  	_ =	shalt  }
0x57: {  	_ =	shalt  }
0x58: {  	_ =	shalt  }
0x59: {  	_ =	shalt  }
0x5a: {  	_ =	shalt  }
0x5b: {  	_ =	shalt  }
0x5c: {  	_ =	shalt  }
0x5d: {  	_ =	shalt  }
0x5e: {  	_ =	shalt  }
0x5f: {  	_ =	shalt  }
0x60: {  	_ =	shalt  }
0x61: {  	_ =	shalt  }
0x62: {  	_ =	shalt  }
0x63: {  	_ =	shalt  }
0x64: {  	_ =	shalt  }
0x65: {  	_ =	shalt  }
0x66: {  	_ =	shalt  }
0x67: {  	_ =	shalt  }
0x68: {  	_ =	shalt  }
0x69: {  	_ =	shalt  }
0x6a: {  	_ =	shalt  }
0x6b: {  	_ =	shalt  }
0x6c: {  	_ =	shalt  }
0x6d: {  	_ =	shalt  }
0x6e: {  	_ =	shalt  }
0x6f: {  	_ =	shalt  }
0x70: {  	_ =	shalt  }
0x71: {  	_ =	shalt  }
0x72: {  	_ =	shalt  }
0x73: {  	_ =	shalt  }
0x74: {  	_ =	shalt  }
0x75: {  	_ =	shalt  }
0x76: {  	_ =	shalt  }
0x77: {  	_ =	shalt  }
0x78: {  	_ =	shalt  }
0x79: {  	_ =	shalt  }
0x7a: {  	_ =	shalt  }
0x7b: {  	_ =	shalt  }
0x7c: {  	_ =	shalt  }
0x7d: {  	_ =	shalt  }
0x7e: {  	_ =	shalt  }
0x7f: {  	_ =	shalt  }
0x80: {  	_ =	shalt  }
0x81: {  	_ =	shalt  }
0x82: {  	_ =	shalt  }
0x83: {  	_ =	shalt  }
0x84: {  	_ =	shalt  }
0x85: {  	_ =	shalt  }
0x86: {  	_ =	shalt  }
0x87: {  	_ =	shalt  }
.Lfunc_end0:
.L_simem_size_0:
called_computation_lowered:
.L_overlay_start_0:
0x88: {  	s2 =	sld [smem:$0x3FD9]  }
0x89: {  	s3 =	sld [smem:$0x3FFE];
	_ =	sdelay $0x1  }
0x8a: {  	s1 =	srdreg.scid  }
0x8b: {  	s0 =	sand.u32 $0x1, s1  }
0x8c: {  	s17 =	sshll.u32 s0, $0xA;
	s2 =	sadd.s32 s3, s2  }
0x8d: {  	s2 =	sadd.s32 s2, s17  }
0x8e: {  	[smem:$0x3FC3] =	sst s2  }
0x8f: {  	_ = 	snop  }
0x90: {  	s2 =	sld [smem:$0x3FC9]  }
0x91: {  	s18 =	sld [smem:$0x3FC8];
	(tm) =	ssettm $0x1  }
0x92: {  	s4 =	sld [smem:$0x3FFB];
	_ =	sdelay $0x3  }
0x93: {  	_ =	strace s4  }
0x94: {  	s4 =	sld [smem:$0x3FFC];
	_ =	sdelay $0x3  }
0x95: {  	_ =	strace s4  }
0x96: {  	s4 =	sld [smem:$0x3FFD];
	_ =	sdelay $0x3  }
0x97: {  	_ =	strace s4  }
0x98: {  	_ =	strace $0x8FFFFFFF  }
0x99: {  	s19 =	sld [smem:$0x3FDB];
	_ =	sdelay $0x1  }
0x9a: {  	s5 =	simm.s32 $_scs_section_size  }
0x9b: {  	s6 =	simm.s32 $_size__tile_overlayer_lowered;
	s7 =	simm.s32 $_tile_overlayer_lowered  }
0x9c: {  	s22 =	simm.s32 $0x1BFF;
	s21 =	sshll.u32 s7, $0x1;
	s4 =	sadd.s32 s5, s19  }
0x9d: {  	s8 =	simm.s32 $0x0;
	s20 =	sshll.u32 s6, $0x1;
	s6 =	sadd.s32 s21, s4  }
0x9e: {  	[timem:s8], [sflag:s22] =	dma.local [hbm:s6], s20  }
0x9f: {  	_ =	swait.ge [sflag:s22], s20  }
0xa0: {  	s5 =	ssub.s32 $0x0, s20;
	[sflag:s22] =	ssyncset.done $0x0  }
0xa1: {  	[sflag:s22] =	ssyncadd.s32 s5;
	_ =	sdelay $0x1  }
0xa2: {  	s23 =	simm.s32 $0x1B8B  }
0xa3: {  	_ =	swait.ge [sflag:s23], $0x1  }
0xa4: {  	[sflag:s23] =	ssyncset.done $0x0  }
0xa5: {  	s25 =	simm.s32 $0x1B8E;
	s24 =	sld [smem:$0x3FFE];
	[sflag:s23] =	ssyncadd.s32 $0xFFFFFFFF  }
0xa6: {  	s26 =	simm.s32 $execute0_lowered;
	[smem:$0x3FD2] =	sst s25  }
0xa7: {  	s6 =	sshll.u32 s26, $0x1;
	_ =	strace $0x80000046;
	[dreg:$0x1] =	wrdreg $0xFFFFFFFF  }
0xa8: {  	s28 =	simm.s32 $_size_execute0_lowered;
	s4 =	sadd.s32 s4, s6;
	[dreg:$0x0] =	wrdreg $0x0  }
0xa9: {  	s6 =	sshll.u32 s28, $0x1;
	[dreg:$0x2] =	wrdreg s4  }
0xaa: {  	[dreg:$0x3] =	wrdreg s6  }
0xab: {  	[dreg:$0x4] =	wrdreg $0xC0  }
0xac: {  	_ =	task [dreg:s8], $0x5FFFF  }
0xad: {  	[dreg:$0x1] =	wrdreg $0xFFFFFFFF  }
0xae: {  	[dreg:$0x0] =	wrdreg $0x60  }
0xaf: {  	[dreg:$0x2] =	wrdreg s2  }
0xb0: {  	[dreg:$0x3] =	wrdreg s18  }
0xb1: {  	[dreg:$0x4] =	wrdreg s24  }
0xb2: {  	[dreg:$0x5] =	wrdreg $0x9  }
0xb3: {  	_ =	task.clear_ibuf [dreg:s8], $0x6FFFF;
	_ =	strace $0x90000046  }
0xb4: {  	s29 =	simm.s32 $0x9;
	_ =	strace $0x80000048  }
0xb5: {  	_ =	swait.ge [sflag:s29], $0x1  }
0xb6: {  	[sflag:s29] =	ssyncadd.s32 $0xFFFFFFFF  }
0xb7: {  	_ =	strace $0x90000048  }
0xb8: {  	_ =	sfence  }
0xb9: {  	s30 =	sld [smem:$0x0];
	_ =	sdelay $0x2  }
0xba: {  	s31 =	sshll.u32 s1, $0xD;
	s1 =	sshrl.u32 s1, $0x2  }
0xbb: {  	s3 =	sand.u32 $0x4000, s31;
	s1 =	sadd.s32 s1, s30  }
0xbc: {  	s0 =	sor.u32 s3, s0;
	s1 =	sshll.u32 s1, $0x11  }
0xbd: {  	s0 =	sor.u32 s1, s0  }
0xbe: {  	s0 =	sadd.s32 $0x8F2B, s0  }
0xbf: {  	[sflag:s0] =	ssyncadd.remote.s32 $0x1  }
0xc0: {  	_ =	sfence.sel $0xFFFF  }
0xc1: {  	[dreg:$0x0] =	wrdreg $0xFFFFFFFF;
	(pc) =	sbr.abs _section_cstart, $3  }
0xc2: {  	[dreg:$0x1] =	wrdreg $0xFFFFFFFF  }
0xc3: {  	_ =	task.clear_ibuf [dreg:s8], $0x2FFFF;
	_ =	strace $0x9FFFFFFF  }
0xc4: {  	(tm) =	ssettm $0x7FFFFFFF  }
0xc5: {  	_ =	shalt  }
tec
execute0_lowered:
.L_overlay_start_1:
0x0: {  	(tag) =	ssettag $0x1  }
0x1: {  	s0 =	rddreg [dreg:$0x0];
	v57 =	vlaneseq.u32  }
0x2: {  	s1 =	rddreg [dreg:$0x1];
	s2 =	simm.s32 $0x0;
	v0 =	vmul.u32 $0x40, v57  }
0x3: {  	[smem:$0x7FF] =	sst s2  }
0x4: {  	s5 =	rddreg [dreg:$0x2];
	_ =	strace $0x80000047;
	v1 =	vor.u32 $0x9800, v0;
	[tilespmem:$0x1FFE0] =	vst v0  }
0x5: {  	v46 =	vor.u32 $0x9000, v0;
	[tilespmem:$0x1FEC0] =	vst v1  }
0x6: {  	v47 =	vor.u32 $0x8800, v0;
	[tilespmem:$0x1FED0] =	vst v46  }
0x7: {  	v48 =	vor.u32 $0x8000, v0;
	[tilespmem:$0x1FEE0] =	vst v47  }
0x8: {  	v49 =	vor.u32 $0x7800, v0;
	[tilespmem:$0x1FEF0] =	vst v48  }
0x9: {  	v50 =	vor.u32 $0x7000, v0;
	[tilespmem:$0x1FF00] =	vst v49  }
0xa: {  	v51 =	vor.u32 $0x6800, v0;
	[tilespmem:$0x1FF10] =	vst v50  }
0xb: {  	s3 =	srdreg.scid;
	s6 =	stileid.u32;
	s11 =	simm.s32 $0x3;
	v52 =	vor.u32 $0x6000, v0;
	[tilespmem:$0x1FF20] =	vst v51  }
0xc: {  	s14 =	simm.s32 $0x20;
	s15 =	simm.s32 $0x2C00;
	s16 =	simm.s32 $0x3400;
	v53 =	vor.u32 $0x5800, v0;
	[tilespmem:$0x1FF30] =	vst v52  }
0xd: {  	s17 =	simm.s32 $0x80;
	s18 =	simm.s32 $0x3C00;
	s28 =	simm.s32 $0x1;
	v54 =	vor.u32 $0x5000, v0;
	[tilespmem:$0x1FF40] =	vst v53  }
0xe: {  	s29 =	simm.s32 $0xDC00;
	s30 =	simm.s32 $0xE400;
	s31 =	simm.s32 $0xEC00;
	v55 =	vor.u32 $0x4800, v0;
	[tilespmem:$0x1FF50] =	vst v54  }
0xf: {  	s19 =	simm.s32 $0x14C00;
	s20 =	simm.s32 $0x16C00;
	s21 =	simm.s32 $0x2;
	v56 =	vor.u32 $0x4000, v0;
	[tilespmem:$0x1FF60] =	vst v55  }
0x10: {  	s24 =	simm.s32 $0x0;
	s4 =	sand.u32 $0x1, s3;
	s6 =	sshll.u32 s6, $0x1;
	v58 =	vor.u32 $0x3800, v0;
	[tilespmem:$0x1FF70] =	vst v56  }
0x11: {  	s3 =	sadd.s32 $0x16E4400, s5;
	s6 =	sor.u32 s4, s6;
	s8 =	ssub.s32 $0x2, s4;
	v59 =	vor.u32 $0x3000, v0;
	[tilespmem:$0x1FF80] =	vst v58  }
0x12: {  	s4 =	sadd.s32 $0xF43200, s5;
	s7 =	sshll.u32 s6, $0x6;
	s6 =	smul.u32 $0x500, s6;
	v60 =	vor.u32 $0x2800, v0;
	[tilespmem:$0x1FF90] =	vst v59  }
0x13: {  	s10 =	sshrl.u32 s8, $0x1;
	v61 =	vor.u32 $0x2000, v0;
	s9 =	sadd.s32 s7, s5;
	s0 =	sadd.s32 s0, s7;
	[tilespmem:$0x1FFA0] =	vst v60  }
0x14: {  	v62 =	vor.u32 $0x1800, v0;
	s10 =	ssub.s32 s8, s10;
	s25 =	sadd.s32 s1, s7;
	[tilespmem:$0x1FFB0] =	vst v61;
	[dreg:$0x4] =	wrdreg s0  }
0x15: {  	v63 =	vor.u32 $0x1000, v0;
	s1 =	simm.s32 $0x12C00;
	[tilespmem:$0x1FFC0] =	vst v62;
	s5 =	sadd.s32 s6, s5;
	[dreg:$0x5] =	wrdreg s25  }
0x16: {  	v0 =	vor.u32 $0x800, v0;
	[tilespmem:$0x1FFD0] =	vst v63;
	s8 =	sadd.s32 $0x14E00, s9;
	s10 =	smax.u32 s10, $0x1;
	s26 =	sadd.s32 $0xE00, s5  }
0x17: {  	[tilespmem:$0x1FFF0] =	vst v0;
	s0 =	simm.s32 $0x10C00;
	s9 =	sadd.s32 $0xAE00, s5;
	[dreg:$0x6] =	wrdreg s26  }
.LBB2_1:
0x18: {  	s5 =	rddreg [dreg:$0x4]  }
0x19: {  	[tilespmem:s2], [sflag:$0x3] =	stream.linear.gather [hbm4b:s5+s2], $0x200, $0x38;
	[tilespmem:$0x1B600] =	vst v63  }
0x1a: {  	_ =	swait.ge [sflag:s11], $0x200  }
0x1b: {  	[sflag:s11] =	ssyncset.done $0x0  }
0x1c: {  	s6 =	simm.s32 $0x200;
	s25 =	rddreg [dreg:$0x5];
	[sflag:s11] =	ssyncadd.s32 $0xFFFFFE00  }
0x1d: {  	[tilespmem:s6], [sflag:$0x3] =	stream.linear.gather [hbm4b:s25+s2], $0x200, $0x38;
	[tilespmem:$0x1B600] =	vst v63  }
0x1e: {  	_ =	swait.ge [sflag:s11], $0x200  }
0x1f: {  	[sflag:s11] =	ssyncset.done $0x0  }
0x20: {  	s7 =	simm.s32 $0x400;
	s26 =	rddreg [dreg:$0x6];
	[sflag:s11] =	ssyncadd.s32 $0xFFFFFE00  }
0x21: {  	[tilespmem:s7], [sflag:$0x3] =	stream.linear.gather [hbm4b:s26+s2], $0x2800, $0x38;
	[tilespmem:$0x1B600] =	vst v63  }
0x22: {  	_ =	swait.ge [sflag:s11], $0x2800  }
0x23: {  	[sflag:s11] =	ssyncset.done $0x0  }
0x24: {  	[sflag:s11] =	ssyncadd.s32 $0xFFFFD800  }
0x25: {  	[tilespmem:s15], [sflag:$0x1] =	stream.indirect.gather [hbm4b:s3+s14], $0x40, s2, s14, $0xb8;
	[tilespmem:$0x1B600] =	vst v63  }
0x26: {  	_ = 	snop  }
0x27: {  	[tilespmem:s16], [sflag:$0x1] =	stream.indirect.gather [hbm4b:s4+s14], $0x40, s6, s14, $0xb8;
	[tilespmem:$0x1B600] =	vst v63  }
0x28: {  	_ = 	snop  }
0x29: {  	[tilespmem:s18], [sflag:$0x1] =	stream.indirect.gather [hbm4b:s4+s17], $0x40, s7, s17, $0xb8;
	[tilespmem:$0x1B600] =	vst v63  }
0x2a: {  	s6 =	simm.s32 $0x480;
	s7 =	simm.s32 $0x5C00  }
0x2b: {  	[tilespmem:s7], [sflag:$0x1] =	stream.indirect.gather [hbm4b:s4+s17], $0x40, s6, s17, $0xb8;
	[tilespmem:$0x1B600] =	vst v63  }
0x2c: {  	s12 =	simm.s32 $0x500;
	s13 =	simm.s32 $0x7C00  }
0x2d: {  	[tilespmem:s13], [sflag:$0x1] =	stream.indirect.gather [hbm4b:s4+s17], $0x40, s12, s17, $0xb8;
	[tilespmem:$0x1B600] =	vst v63  }
0x2e: {  	s22 =	simm.s32 $0x580;
	s23 =	simm.s32 $0x9C00  }
0x2f: {  	[tilespmem:s23], [sflag:$0x1] =	stream.indirect.gather [hbm4b:s4+s17], $0x40, s22, s17, $0xb8;
	[tilespmem:$0x1B600] =	vst v63  }
0x30: {  	s25 =	simm.s32 $0x600;
	s26 =	simm.s32 $0xBC00  }
0x31: {  	[tilespmem:s26], [sflag:$0x1] =	stream.indirect.gather [hbm4b:s4+s17], $0x40, s25, s17, $0xb8;
	[tilespmem:$0x1B600] =	vst v63  }
0x32: {  	s25 =	simm.s32 $0x0  }
.LBB2_2:
0x33: {  	_ =	swait.ge [sflag:s28], $0x800  }
0x34: {  	[sflag:s28] =	ssyncset.done $0x0  }
0x35: {  	[sflag:s28] =	ssyncadd.s32 $0xFFFFF800  }
0x36: {  	_ =	swait.ge [sflag:s28], $0x800  }
0x37: {  	[sflag:s28] =	ssyncset.done $0x0  }
0x38: {  	[sflag:s28] =	ssyncadd.s32 $0xFFFFF800  }
0x39: {  	_ =	swait.ge [sflag:s28], $0x2000  }
0x3a: {  	[sflag:s28] =	ssyncset.done $0x0  }
0x3b: {  	[sflag:s28] =	ssyncadd.s32 $0xFFFFE000  }
0x3c: {  	_ =	swait.ge [sflag:s28], $0x2000  }
0x3d: {  	[sflag:s28] =	ssyncset.done $0x0  }
0x3e: {  	[sflag:s28] =	ssyncadd.s32 $0xFFFFE000  }
0x3f: {  	_ =	swait.ge [sflag:s28], $0x2000  }
0x40: {  	[sflag:s28] =	ssyncset.done $0x0  }
0x41: {  	[sflag:s28] =	ssyncadd.s32 $0xFFFFE000  }
0x42: {  	_ =	swait.ge [sflag:s28], $0x2000  }
0x43: {  	[sflag:s28] =	ssyncset.done $0x0  }
0x44: {  	[sflag:s28] =	ssyncadd.s32 $0xFFFFE000  }
0x45: {  	_ =	swait.ge [sflag:s28], $0x2000  }
0x46: {  	s5 =	sshllo.u32 s25, $0x1;
	[sflag:s28] =	ssyncset.done $0x0  }
0x47: {  	s26 =	sshll.u32 s5, $0x5;
	s5 =	smul.u32 $0xA00, s5;
	[sflag:s28] =	ssyncadd.s32 $0xFFFFE000  }
0x48: {  	[tilespmem:s29], [sflag:$0x2] =	stream.indirect.gather [hbm4b:s3+s14], $0x40, s26, s14, $0xb8;
	[tilespmem:$0x1B600] =	vst v63  }
0x49: {  	s12 =	sadd.s32 $0x200, s26;
	s5 =	sshra.s32 s5, $0x2  }
0x4a: {  	[tilespmem:s30], [sflag:$0x2] =	stream.indirect.gather [hbm4b:s4+s14], $0x40, s12, s14, $0xb8;
	[tilespmem:$0x1B600] =	vst v63  }
0x4b: {  	s13 =	sadd.s32 $0x400, s5  }
0x4c: {  	[tilespmem:s31], [sflag:$0x2] =	stream.indirect.gather [hbm4b:s4+s17], $0x40, s13, s17, $0xb8;
	[tilespmem:$0x1B600] =	vst v63  }
0x4d: {  	s22 =	sadd.s32 $0x480, s5  }
0x4e: {  	[tilespmem:s0], [sflag:$0x2] =	stream.indirect.gather [hbm4b:s4+s17], $0x40, s22, s17, $0xb8;
	[tilespmem:$0x1B600] =	vst v63  }
0x4f: {  	s23 =	sadd.s32 $0x500, s5  }
0x50: {  	[tilespmem:s1], [sflag:$0x2] =	stream.indirect.gather [hbm4b:s4+s17], $0x40, s23, s17, $0xb8;
	[tilespmem:$0x1B600] =	vst v63  }
0x51: {  	s6 =	sadd.s32 $0x580, s5  }
0x52: {  	[tilespmem:s19], [sflag:$0x2] =	stream.indirect.gather [hbm4b:s4+s17], $0x40, s6, s17, $0xb8;
	[tilespmem:$0x1B600] =	vst v63  }
0x53: {  	s5 =	sadd.s32 $0x600, s5;
	s23 =	sshll.u32 s25, $0x6  }
0x54: {  	[tilespmem:s20], [sflag:$0x2] =	stream.indirect.gather [hbm4b:s4+s17], $0x40, s5, s17, $0xb8;
	[tilespmem:$0x1B600] =	vst v63  }
0x55: {  	s5 =	sand.u32 $0x180, s23  }
0x56: {  	s7 =	sor.u32 $0x19000, s5  }
0x57: {  	s13 =	sor.u32 $0x19200, s5;
	v0 =	vmov s7  }
0x58: {  	s6 =	sor.u32 $0x19400, s5;
	v45 =	vmov s13;
	[tilespmem:$0x1FD90] =	vst v0  }
0x59: {  	s12 =	sor.u32 $0x19600, s5;
	v46 =	vmov s6;
	[tilespmem:$0x1FDA0] =	vst v45  }
0x5a: {  	s13 =	sor.u32 $0x19800, s5;
	v47 =	vmov s12;
	[tilespmem:$0x1FDB0] =	vst v46  }
0x5b: {  	s7 =	sor.u32 $0x19A00, s5;
	[tilespmem:$0x1FDC0] =	vst v47;
	v48 =	vmov s13  }
0x5c: {  	s12 =	sor.u32 $0x19C00, s5;
	v49 =	vmov s7;
	[tilespmem:$0x1FDD0] =	vst v48  }
0x5d: {  	s13 =	sor.u32 $0x19E00, s5;
	v50 =	vmov s12;
	[tilespmem:$0x1FDE0] =	vst v49  }
0x5e: {  	s7 =	sor.u32 $0x1A000, s5;
	[tilespmem:$0x1FDF0] =	vst v50;
	v51 =	vmov s13  }
0x5f: {  	s12 =	sor.u32 $0x1A200, s5;
	v52 =	vmov s7;
	[tilespmem:$0x1FE00] =	vst v51  }
0x60: {  	s13 =	sor.u32 $0x1A400, s5;
	v53 =	vmov s12;
	[tilespmem:$0x1FE10] =	vst v52  }
0x61: {  	s7 =	sor.u32 $0x1A600, s5;
	[tilespmem:$0x1FE20] =	vst v53;
	v54 =	vmov s13  }
0x62: {  	s12 =	sor.u32 $0x1A800, s5;
	v55 =	vmov s7;
	[tilespmem:$0x1FE30] =	vst v54  }
0x63: {  	s13 =	sor.u32 $0x1AA00, s5;
	v56 =	vmov s12;
	[tilespmem:$0x1FE40] =	vst v55  }
0x64: {  	s7 =	sor.u32 $0x1AC00, s5;
	[tilespmem:$0x1FE50] =	vst v56;
	v58 =	vmov s13  }
0x65: {  	s12 =	sor.u32 $0x1AE00, s5;
	v59 =	vmov s7;
	[tilespmem:$0x1FE60] =	vst v58  }
0x66: {  	s7 =	sor.u32 $0x1B000, s5;
	v60 =	vmov s12;
	[tilespmem:$0x1FE70] =	vst v59  }
0x67: {  	s13 =	sor.u32 $0x1B200, s5;
	[tilespmem:$0x1FE80] =	vst v60;
	v61 =	vmov s7  }
0x68: {  	s5 =	sor.u32 $0x1B400, s5;
	v62 =	vmov s13;
	[tilespmem:$0x1FE90] =	vst v61  }
0x69: {  	p1 =	por $0x1, $0x1;
	v63 =	vmov s5;
	[tilespmem:$0x1FEA0] =	vst v62  }
0x6a: {  	s22 =	sshll.u32 s25, $0x1;
	s12 =	simm.s32 $0x0;
	s13 =	simm.s32 $0x0;
	[tilespmem:$0x1FEB0] =	vst v63  }
.LBB2_3:
0x6b: {  	v2 =	vld [tilespmem:$0x1FFE0]  }
0x6c: {  	v3 =	vld [tilespmem:$0x1FFF0]  }
0x6d: {  	v4 =	vld [tilespmem:$0x1FFC0]  }
0x6e: {  	v5 =	vld [tilespmem:$0x1FFB0]  }
0x6f: {  	v7 =	vld [tilespmem:$0x1FFA0]  }
0x70: {  	v9 =	vld [tilespmem:$0x1FF90]  }
0x71: {  	v10 =	vld [tilespmem:$0x1FF80]  }
0x72: {  	v11 =	vld [tilespmem:$0x1FF70]  }
0x73: {  	v12 =	vld [tilespmem:$0x1FF60]  }
0x74: {  	v13 =	vld [tilespmem:$0x1FF50]  }
0x75: {  	v0 =	vmov s13;
	v14 =	vld [tilespmem:$0x1FF40]  }
0x76: {  	v1 =	vadd.s32 s12, v57;
	v15 =	vld [tilespmem:$0x1FF30];
	v0 =	vshll.u32 v0, $0x6  }
0x77: {  	v16 =	vld [tilespmem:$0x1FF20];
	v1 =	vand.u32 $0x3F, v1;
	v30 =	vor.u32 v2, v0  }
0x78: {  	v17 =	vld [tilespmem:$0x1FF10];
	v2 =	vor.u32 v30, v1  }
0x79: {  	v18 =	vld [tilespmem:$0x1FF00]  }
0x7a: {  	v19 =	vld [tilespmem:$0x1FEF0];
	v50 =	vor.u32 v4, v0  }
0x7b: {  	v20 =	vld [tilespmem:$0x1FEE0];
	v51 =	vor.u32 v5, v0;
	v6 =	vor.u32 v50, v1  }
0x7c: {  	v42 =	vor.u32 v3, v0;
	v3 =	vld [tilespmem:$0x1FFD0];
	v52 =	vor.u32 v7, v0;
	v8 =	vor.u32 v51, v1  }
0x7d: {  	v53 =	vor.u32 v9, v0;
	v9 =	vor.u32 v52, v1;
	v5 =	vld.idx.msk [tilespmem:v2+s15+$0x0], $0xffff  }
0x7e: {  	v55 =	vor.u32 v10, v0;
	v10 =	vor.u32 v53, v1;
	v7 =	vld.idx.msk [tilespmem:v2+s16+$0x0], $0xffff  }
0x7f: {  	v56 =	vor.u32 v11, v0;
	v11 =	vor.u32 v55, v1;
	v36 =	vld.idx.msk [tilespmem:v2+s18+$0x0], $0xffff  }
0x80: {  	v58 =	vor.u32 v12, v0;
	v43 =	vor.u32 v19, v0;
	v12 =	vor.u32 v56, v1;
	v6 =	vld.idx.msk [tilespmem:v6+s18+$0x0], $0xffff  }
0x81: {  	v59 =	vor.u32 v13, v0;
	v39 =	vor.u32 v20, v0;
	v21 =	vor.u32 v43, v1;
	v13 =	vld.idx.msk [tilespmem:v8+s18+$0x0], $0xffff  }
0x82: {  	v60 =	vor.u32 v14, v0;
	v23 =	vor.u32 v39, v1;
	v14 =	vld.idx.msk [tilespmem:v9+s18+$0x0], $0xffff  }
0x83: {  	v62 =	vor.u32 v16, v0;
	v8 =	vor.u32 v58, v1;
	v2 =	vor.u32 v15, v0;
	v15 =	vld.idx.msk [tilespmem:v10+s18+$0x0], $0xffff  }
0x84: {  	v54 =	vor.u32 v17, v0;
	v17 =	vor.u32 v62, v1;
	v16 =	vld.idx.msk [tilespmem:v11+s18+$0x0], $0xffff  }
0x85: {  	v9 =	vor.u32 v59, v1;
	v46 =	vld.idx.msk [tilespmem:v12+s18+$0x0], $0xffff  }
0x86: {  	v10 =	vor.u32 v60, v1;
	v21 =	vld.idx.msk [tilespmem:v21+s18+$0x0], $0xffff  }
0x87: {  	v31 =	vld.idx.msk [tilespmem:v23+s18+$0x0], $0xffff;
	v11 =	vor.u32 v2, v1  }
0x88: {  	v44 =	vor.u32 v18, v0;
	v18 =	vld.idx.msk [tilespmem:v8+s18+$0x0], $0xffff;
	v8 =	vor.u32 v54, v1  }
0x89: {  	[tilespmem:$0x1FC40] =	vst v2;
	v2 =	vld.idx.msk [tilespmem:v17+s18+$0x0], $0xffff  }
0x8a: {  	v19 =	vld.idx.msk [tilespmem:v9+s18+$0x0], $0xffff;
	v9 =	vor.u32 v44, v1  }
0x8b: {  	[tilespmem:$0x1FB10] =	vst v30;
	v20 =	vld.idx.msk [tilespmem:v10+s18+$0x0], $0xffff  }
0x8c: {  	[tilespmem:$0x1FB20] =	vst v42;
	v49 =	vor.u32 v3, v0;
	v3 =	vor.u32 v42, v1;
	v22 =	vld.idx.msk [tilespmem:v11+s18+$0x0], $0xffff  }
0x8d: {  	s5 =	simm.s32 $0x1;
	[tilespmem:$0x1FB80] =	vst v50;
	v25 =	vld.idx.msk [tilespmem:v8+s18+$0x0], $0xffff  }
0x8e: {  	[tilespmem:$0x1FBD0] =	vst v51;
	v4 =	vor.u32 v49, v1;
	v10 =	vadd.s32 s5, v57;
	v8 =	vld [tilespmem:$0x1FED0]  }
0x8f: {  	s6 =	simm.s32 $0x2;
	[tilespmem:$0x1FBE0] =	vst v52;
	v48 =	vand.u32 $0x3F, v10;
	v27 =	vld.idx.msk [tilespmem:v9+s18+$0x0], $0xffff  }
0x90: {  	[tilespmem:$0x1FBF0] =	vst v53;
	v11 =	vadd.s32 s6, v57;
	v10 =	vmul.f32 v46, v5;
	v24 =	vor.u32 v30, v48;
	v9 =	vld [tilespmem:$0x1FEC0]  }
0x91: {  	[tilespmem:$0x1FC10] =	vst v55;
	v3 =	vld.idx.msk [tilespmem:v3+s18+$0x0], $0xffff;
	v47 =	vand.u32 $0x3F, v11  }
0x92: {  	v7 =	vmul.f32 v7, v5;
	v28 =	vor.u32 v30, v47;
	[tilespmem:$0x1FCC0] =	vst v10;
	v10 =	vmul.f32 v18, v5  }
0x93: {  	[tilespmem:$0x1FC80] =	vst v56;
	v4 =	vld.idx.msk [tilespmem:v4+s18+$0x0], $0xffff;
	v11 =	vimm.f32 $0.0e+00;
	v17 =	vor.u32 v8, v0  }
0x94: {  	s7 =	simm.s32 $0x3;
	v2 =	vmul.f32 v2, v5;
	[tilespmem:$0x1FCD0] =	vst v10;
	v10 =	vadd.f32 v7, v11;
	v26 =	vor.u32 v17, v1  }
0x95: {  	[tilespmem:$0x1FCA0] =	vst v58;
	v23 =	vld.idx.msk [tilespmem:v24+s16+$0x0], $0xffff;
	v7 =	vmul.f32 v19, v5;
	v8 =	vadd.s32 s7, v57;
	v12 =	vor.u32 v9, v0  }
0x96: {  	[tilespmem:$0x1FB40] =	vst v2;
	v19 =	vld.idx.msk [tilespmem:v24+s18+$0x0], $0xffff;
	v2 =	vmul.f32 v25, v5;
	v0 =	vand.u32 $0x3F, v8;
	v29 =	vor.u32 v12, v1  }
0x97: {  	[tilespmem:$0x1FCE0] =	vst v59;
	v36 =	vmul.f32 v36, v5;
	v40 =	vld.idx.msk [tilespmem:v28+s16+$0x0], $0xffff;
	v30 =	vor.u32 v30, v0  }
0x98: {  	v6 =	vmul.f32 v6, v5;
	v9 =	vld.idx.msk [tilespmem:v24+s15+$0x0], $0xffff;
	[tilespmem:$0x1FB50] =	vst v2;
	v2 =	vmul.f32 v27, v5  }
0x99: {  	v38 =	vor.u32 v42, v47;
	v32 =	vor.u32 v42, v0;
	v42 =	vor.u32 v42, v48;
	v41 =	vld.idx.msk [tilespmem:v26+s18+$0x0], $0xffff  }
0x9a: {  	v63 =	vmul.f32 v14, v5;
	v8 =	vld.idx.msk [tilespmem:v28+s15+$0x0], $0xffff;
	[tilespmem:$0x1FB60] =	vst v2;
	v2 =	vmul.f32 v21, v5  }
0x9b: {  	v45 =	vmul.f32 v16, v5;
	v3 =	vmul.f32 v3, v5;
	v18 =	vld.idx.msk [tilespmem:v29+s18+$0x0], $0xffff;
	v29 =	vor.u32 v50, v48  }
0x9c: {  	v6 =	vadd.f32 v6, v11;
	[tilespmem:$0x1FB70] =	vst v2;
	v2 =	vmul.f32 v31, v5;
	v61 =	vld.idx.msk [tilespmem:v30+s15+$0x0], $0xffff  }
0x9d: {  	v4 =	vmul.f32 v4, v5;
	v3 =	vadd.f32 v3, v11;
	v27 =	vor.u32 v50, v47;
	v46 =	vld.idx.msk [tilespmem:v30+s16+$0x0], $0xffff  }
0x9e: {  	v14 =	vmul.f32 v23, v9;
	v24 =	vld.idx.msk [tilespmem:v42+s18+$0x0], $0xffff;
	[tilespmem:$0x1FB90] =	vst v2;
	v2 =	vmul.f32 v41, v5  }
0x9f: {  	[tilespmem:$0x1FCF0] =	vst v60;
	v1 =	vmul.f32 v13, v5;
	v33 =	vor.u32 v49, v0;
	v16 =	vmul.f32 v40, v8  }
0xa0: {  	v13 =	vadd.f32 v14, v10;
	[tilespmem:$0x1FBA0] =	vst v2;
	v2 =	vmul.f32 v18, v5;
	v18 =	vld.idx.msk [tilespmem:v29+s18+$0x0], $0xffff  }
0xa1: {  	v34 =	vor.u32 v50, v0;
	v26 =	vmul.f32 v15, v5;
	v15 =	vor.u32 v49, v48;
	v29 =	vld.idx.msk [tilespmem:v38+s18+$0x0], $0xffff  }
0xa2: {  	v23 =	vmul.f32 v20, v5;
	v27 =	vld.idx.msk [tilespmem:v27+s18+$0x0], $0xffff;
	v14 =	vadd.f32 v16, v13;
	v31 =	vmul.f32 v46, v61  }
0xa3: {  	v28 =	vld.idx.msk [tilespmem:v28+s18+$0x0], $0xffff;
	v20 =	vor.u32 v49, v47;
	v19 =	vmul.f32 v19, v9;
	v24 =	vmul.f32 v24, v9  }
0xa4: {  	v30 =	vld.idx.msk [tilespmem:v30+s18+$0x0], $0xffff;
	[tilespmem:$0x1FBB0] =	vst v2;
	v2 =	vadd.f32 v31, v14;
	v14 =	vadd.f32 v36, v11  }
0xa5: {  	v35 =	vor.u32 v51, v0;
	v32 =	vld.idx.msk [tilespmem:v32+s18+$0x0], $0xffff;
	v3 =	vadd.f32 v24, v3;
	v18 =	vmul.f32 v18, v9  }
0xa6: {  	v21 =	vld.idx.msk [tilespmem:v15+s18+$0x0], $0xffff;
	v14 =	vadd.f32 v19, v14;
	v19 =	vor.u32 v51, v48;
	v29 =	vmul.f32 v29, v8  }
0xa7: {  	v33 =	vld.idx.msk [tilespmem:v33+s18+$0x0], $0xffff;
	v27 =	vmul.f32 v27, v8;
	v6 =	vadd.f32 v18, v6;
	v18 =	vor.u32 v53, v48  }
0xa8: {  	v22 =	vmul.f32 v22, v5;
	v20 =	vld.idx.msk [tilespmem:v20+s18+$0x0], $0xffff;
	v3 =	vadd.f32 v29, v3;
	v29 =	vor.u32 v51, v47  }
0xa9: {  	v4 =	vadd.f32 v4, v11;
	v34 =	vld.idx.msk [tilespmem:v34+s18+$0x0], $0xffff;
	v6 =	vadd.f32 v27, v6;
	v27 =	vor.u32 v53, v47  }
0xaa: {  	v37 =	vor.u32 v52, v0;
	v28 =	vmul.f32 v28, v8;
	v35 =	vld.idx.msk [tilespmem:v35+s18+$0x0], $0xffff;
	v41 =	vadd.f32 v26, v11  }
0xab: {  	v30 =	vmul.f32 v30, v61;
	v5 =	vor.u32 v53, v0;
	v21 =	vmul.f32 v21, v9;
	v19 =	vld.idx.msk [tilespmem:v19+s18+$0x0], $0xffff  }
0xac: {  	v33 =	vmul.f32 v33, v61;
	v14 =	vadd.f32 v28, v14;
	v28 =	vor.u32 v55, v48;
	v18 =	vld.idx.msk [tilespmem:v18+s18+$0x0], $0xffff  }
0xad: {  	v20 =	vmul.f32 v20, v8;
	v4 =	vadd.f32 v21, v4;
	v21 =	vor.u32 v56, v0;
	v29 =	vld.idx.msk [tilespmem:v29+s18+$0x0], $0xffff  }
0xae: {  	[tilespmem:$0x1FBC0] =	vst v2;
	v2 =	vadd.f32 v30, v14;
	v14 =	vor.u32 v55, v47;
	v27 =	vld.idx.msk [tilespmem:v27+s18+$0x0], $0xffff  }
0xaf: {  	[tilespmem:$0x1FB30] =	vst v49;
	v10 =	vld [tilespmem:$0x1FC40];
	v24 =	vor.u32 v52, v48;
	v31 =	vor.u32 v55, v0;
	v36 =	vadd.f32 v1, v11  }
0xb0: {  	v5 =	vld.idx.msk [tilespmem:v5+s18+$0x0], $0xffff;
	v4 =	vadd.f32 v20, v4;
	v20 =	vor.u32 v52, v47;
	v19 =	vmul.f32 v19, v9  }
0xb1: {  	v30 =	vmul.f32 v34, v61;
	[tilespmem:$0x1FC00] =	vst v2;
	v28 =	vld.idx.msk [tilespmem:v28+s18+$0x0], $0xffff;
	v18 =	vmul.f32 v18, v9  }
0xb2: {  	v2 =	vadd.f32 v33, v4;
	v4 =	vor.u32 v59, v0;
	v51 =	vld.idx.msk [tilespmem:v21+s18+$0x0], $0xffff;
	v19 =	vadd.f32 v19, v36  }
0xb3: {  	v14 =	vld.idx.msk [tilespmem:v14+s18+$0x0], $0xffff;
	v29 =	vmul.f32 v29, v8;
	v18 =	vadd.f32 v18, v41;
	v21 =	vmul.f32 v27, v8  }
0xb4: {  	v49 =	vor.u32 v58, v48;
	v50 =	vor.u32 v62, v0;
	v24 =	vld.idx.msk [tilespmem:v24+s18+$0x0], $0xffff;
	v1 =	vadd.f32 v30, v6  }
0xb5: {  	v31 =	vld.idx.msk [tilespmem:v31+s18+$0x0], $0xffff;
	v19 =	vadd.f32 v29, v19;
	v18 =	vadd.f32 v21, v18;
	v21 =	vmul.f32 v35, v61  }
0xb6: {  	v42 =	vor.u32 v56, v48;
	v46 =	vadd.f32 v45, v11;
	v20 =	vld.idx.msk [tilespmem:v20+s18+$0x0], $0xffff;
	v28 =	vmul.f32 v28, v9  }
0xb7: {  	v32 =	vmul.f32 v32, v61;
	v40 =	vor.u32 v10, v0;
	[tilespmem:$0x1FC30] =	vst v1;
	v1 =	vadd.f32 v21, v19  }
0xb8: {  	v28 =	vadd.f32 v28, v46;
	v14 =	vmul.f32 v14, v8;
	v19 =	vld.idx.msk [tilespmem:v4+s18+$0x0], $0xffff;
	v4 =	vmul.f32 v5, v61  }
0xb9: {  	v24 =	vmul.f32 v24, v9;
	v6 =	vadd.f32 v63, v11;
	[tilespmem:$0x1FC50] =	vst v1;
	v1 =	vor.u32 v17, v0  }
0xba: {  	v14 =	vadd.f32 v14, v28;
	v5 =	vmul.f32 v31, v61;
	[tilespmem:$0x1FC60] =	vst v1;
	v1 =	vadd.f32 v4, v18  }
0xbb: {  	v34 =	vld.idx.msk [tilespmem:v42+s18+$0x0], $0xffff;
	v38 =	vadd.f32 v32, v3;
	v6 =	vadd.f32 v24, v6;
	v20 =	vmul.f32 v20, v8  }
0xbc: {  	v3 =	vor.u32 v58, v0;
	v32 =	vld.idx.msk [tilespmem:v40+s18+$0x0], $0xffff;
	[tilespmem:$0x1FC90] =	vst v1;
	v1 =	vadd.f32 v5, v14  }
0xbd: {  	[tilespmem:$0x1FD10] =	vst v62;
	v53 =	vld.idx.msk [tilespmem:v50+s18+$0x0], $0xffff;
	v6 =	vadd.f32 v20, v6;
	v20 =	vor.u32 v44, v0  }
0xbe: {  	[tilespmem:$0x1FCB0] =	vst v1;
	v1 =	vld [tilespmem:$0x1FCC0]  }
0xbf: {  	[tilespmem:$0x1FD20] =	vst v54;
	v55 =	vor.u32 v59, v48;
	v24 =	vld.idx.msk [tilespmem:v37+s18+$0x0], $0xffff  }
0xc0: {  	[tilespmem:$0x1FD40] =	vst v43;
	v33 =	vld.idx.msk [tilespmem:v49+s18+$0x0], $0xffff;
	v29 =	vor.u32 v54, v0  }
0xc1: {  	[tilespmem:$0x1FD80] =	vst v7;
	v30 =	vor.u32 v60, v0;
	v3 =	vld.idx.msk [tilespmem:v3+s18+$0x0], $0xffff  }
0xc2: {  	v7 =	vor.u32 v56, v47;
	v13 =	vor.u32 v43, v47;
	v16 =	vor.u32 v39, v47;
	v20 =	vld.idx.msk [tilespmem:v20+s18+$0x0], $0xffff  }
0xc3: {  	v26 =	vor.u32 v54, v47;
	[tilespmem:$0x1FC20] =	vst v2;
	v28 =	vor.u32 v39, v0;
	v2 =	vadd.f32 v1, v11;
	v1 =	vld [tilespmem:$0x1FCD0]  }
0xc4: {  	v45 =	vor.u32 v10, v47;
	v37 =	vld.idx.msk [tilespmem:v55+s18+$0x0], $0xffff;
	v52 =	vmul.f32 v24, v61;
	v27 =	vor.u32 v43, v0  }
0xc5: {  	v56 =	vor.u32 v60, v47;
	v50 =	vor.u32 v44, v48;
	v63 =	vld.idx.msk [tilespmem:v29+s18+$0x0], $0xffff;
	v0 =	vor.u32 v12, v0  }
0xc6: {  	v25 =	vimm.f32 $0.0e+00;
	[tilespmem:$0x1FC70] =	vst v0;
	v0 =	vld.idx.msk [tilespmem:v30+s18+$0x0], $0xffff;
	v30 =	vadd.f32 v52, v6;
	v4 =	vmul.f32 v34, v9  }
0xc7: {  	v18 =	vor.u32 v58, v47;
	v58 =	vmul.f32 v3, v61;
	v5 =	vmul.f32 v33, v9;
	v14 =	vmovc v10  }
0xc8: {  	v3 =	vld.idx.msk [tilespmem:v28+s18+$0x0], $0xffff;
	v28 =	vmul.f32 v20, v61;
	v20 =	vor.u32 v14, v48;
	v1 =	vadd.f32 v1, v11  }
0xc9: {  	v6 =	vld.idx.msk [tilespmem:v27+s18+$0x0], $0xffff;
	v40 =	vmul.f32 v19, v61;
	v4 =	vadd.f32 v4, v2;
	v2 =	vor.u32 v60, v48  }
0xca: {  	v19 =	vld.idx.msk [tilespmem:v7+s18+$0x0], $0xffff;
	v10 =	vor.u32 v12, v47;
	v5 =	vadd.f32 v5, v1;
	v1 =	vor.u32 v59, v47  }
0xcb: {  	v49 =	vor.u32 v12, v48;
	v31 =	vmul.f32 v51, v61;
	v51 =	vor.u32 v62, v47;
	[tilespmem:$0x1FD00] =	vst v10;
	v10 =	vld [tilespmem:$0x1FD80]  }
0xcc: {  	v24 =	vor.u32 v17, v47;
	v46 =	vor.u32 v39, v48;
	v43 =	vor.u32 v43, v48;
	v18 =	vld.idx.msk [tilespmem:v18+s18+$0x0], $0xffff  }
0xcd: {  	[tilespmem:$0x1FD30] =	vst v44;
	v35 =	vimm.f32 $0.0e+00;
	v21 =	vimm.f32 $0.0e+00;
	v29 =	vimm.f32 $0.0e+00;
	v42 =	vld.idx.msk [tilespmem:v20+s18+$0x0], $0xffff  }
0xce: {  	[tilespmem:$0x1FD50] =	vst v39;
	v27 =	vimm.f32 $0.0e+00;
	v34 =	vmul.f32 v6, v61;
	v6 =	vor.u32 v62, v48;
	v15 =	vld.idx.msk [tilespmem:v2+s18+$0x0], $0xffff  }
0xcf: {  	[tilespmem:$0x1FD60] =	vst v17;
	v7 =	vimm.f32 $0.0e+00;
	v33 =	vimm.f32 $0.0e+00;
	v14 =	vor.u32 v54, v48;
	v1 =	vld.idx.msk [tilespmem:v1+s18+$0x0], $0xffff  }
0xd0: {  	v52 =	vadd.f32 v23, v7;
	v60 =	vmul.f32 v63, v61;
	v63 =	vmul.f32 v3, v61;
	v3 =	vld.idx.msk [tilespmem:v51+s18+$0x0], $0xffff  }
0xd1: {  	v41 =	vmul.f32 v0, v61;
	v0 =	vmul.f32 v53, v61;
	v11 =	vor.u32 v44, v47;
	v44 =	vld.idx.msk [tilespmem:v56+s18+$0x0], $0xffff  }
0xd2: {  	v53 =	vmul.f32 v37, v9;
	v55 =	vmul.f32 v19, v8;
	v56 =	vadd.f32 v10, v7;
	v2 =	vld.idx.msk [tilespmem:v45+s18+$0x0], $0xffff  }
0xd3: {  	v59 =	vmul.f32 v32, v61;
	v47 =	vor.u32 v17, v48;
	v48 =	vmul.f32 v18, v8;
	v45 =	vld.idx.msk [tilespmem:v6+s18+$0x0], $0xffff  }
0xd4: {  	p0 =	por p1, p1;
	s5 =	simm.s32 $0x4;
	[tilespmem:$0x1FD70] =	vst v12;
	v32 =	vimm.f32 $0.0e+00;
	v54 =	vmul.f32 v15, v9;
	v51 =	vmul.f32 v1, v8;
	v1 =	vld.idx.msk [tilespmem:v14+s18+$0x0], $0xffff  }
.LBB2_4:
0xd5: {  	v53 =	vadd.f32 v53, v56;
	_ =	sdelay $0x1  }
0xd6: {  	v44 =	vmul.f32 v44, v8;
	v52 =	vadd.f32 v54, v52;
	v56 =	vadd.f32 v51, v53;
	_ =	sdelay $0x1  }
0xd7: {  	v44 =	vadd.f32 v44, v52;
	v6 =	vadd.f32 v40, v56;
	_ =	sdelay $0x1  }
0xd8: {  	[tilespmem:$0x1FAB0] =	vst v6;
	v6 =	vadd.f32 v41, v44;
	_ =	sdelay $0x1  }
0xd9: {  	[tilespmem:$0x1FAD0] =	vst v6;
	v6 =	vld [tilespmem:$0x1FB40];
	_ =	sdelay $0x4  }
0xda: {  	v20 =	vadd.f32 v6, v21;
	v6 =	vld [tilespmem:$0x1FB50];
	_ =	sdelay $0x4  }
0xdb: {  	v18 =	vadd.f32 v6, v25;
	v6 =	vld [tilespmem:$0x1FB60];
	_ =	sdelay $0x4  }
0xdc: {  	v19 =	vadd.f32 v6, v29;
	v6 =	vld [tilespmem:$0x1FD00]  }
0xdd: {  	v4 =	vadd.f32 v55, v4;
	_ =	sdelay $0x1  }
0xde: {  	v5 =	vadd.f32 v48, v5;
	v4 =	vadd.f32 v31, v4  }
0xdf: {  	v39 =	vld.idx.msk [tilespmem:v26+s18+$0x0], $0xffff  }
0xe0: {  	v50 =	vld.idx.msk [tilespmem:v50+s18+$0x0], $0xffff;
	[tilespmem:$0x1FA60] =	vst v4;
	v4 =	vadd.f32 v58, v5  }
0xe1: {  	v37 =	vld.idx.msk [tilespmem:v11+s18+$0x0], $0xffff  }
0xe2: {  	v36 =	vld.idx.msk [tilespmem:v13+s18+$0x0], $0xffff;
	v1 =	vmul.f32 v1, v9;
	[tilespmem:$0x1FA80] =	vst v4;
	v4 =	vmul.f32 v45, v9  }
0xe3: {  	[tilespmem:$0x1F950] =	vst v30;
	v3 =	vmul.f32 v3, v8;
	v30 =	vld.idx.msk [tilespmem:v6+s18+$0x0], $0xffff  }
0xe4: {  	v4 =	vadd.f32 v4, v20;
	v20 =	vmul.f32 v39, v8;
	v1 =	vadd.f32 v1, v18;
	v6 =	vld [tilespmem:$0x1FB90]  }
0xe5: {  	v26 =	vld.idx.msk [tilespmem:v43+s18+$0x0], $0xffff;
	v23 =	vmul.f32 v50, v9  }
0xe6: {  	v5 =	vld.idx.msk [tilespmem:v16+s18+$0x0], $0xffff;
	v3 =	vadd.f32 v3, v4;
	v1 =	vadd.f32 v20, v1  }
0xe7: {  	v22 =	vadd.f32 v22, v7;
	v25 =	vld.idx.msk [tilespmem:v46+s18+$0x0], $0xffff;
	v18 =	vadd.f32 v23, v19;
	v19 =	vmul.f32 v37, v8  }
0xe8: {  	v0 =	vadd.f32 v0, v3;
	v3 =	vld [tilespmem:$0x1FB70];
	v1 =	vadd.f32 v60, v1  }
0xe9: {  	v42 =	vmul.f32 v42, v9;
	v19 =	vadd.f32 v19, v18;
	v10 =	vadd.f32 v6, v35;
	v6 =	vld [tilespmem:$0x1FBA0]  }
0xea: {  	v2 =	vmul.f32 v2, v8;
	[tilespmem:$0x1FA20] =	vst v0;
	v0 =	vld [tilespmem:$0x1FC60]  }
0xeb: {  	v22 =	vadd.f32 v42, v22;
	v29 =	vld.idx.msk [tilespmem:v47+s18+$0x0], $0xffff;
	[tilespmem:$0x1F890] =	vst v1;
	v1 =	vadd.f32 v28, v19  }
0xec: {  	v23 =	vld.idx.msk [tilespmem:v49+s18+$0x0], $0xffff  }
0xed: {  	v2 =	vadd.f32 v2, v22;
	[tilespmem:$0x1F9B0] =	vst v1;
	v1 =	vld [tilespmem:$0x1FC70]  }
0xee: {  	v11 =	vadd.f32 v6, v32;
	v6 =	vld [tilespmem:$0x1FBB0]  }
0xef: {  	v22 =	vld.idx.msk [tilespmem:v24+s18+$0x0], $0xffff;
	v2 =	vadd.f32 v59, v2  }
0xf0: {  	v26 =	vmul.f32 v26, v9;
	v3 =	vadd.f32 v3, v27  }
0xf1: {  	v5 =	vmul.f32 v5, v8;
	[tilespmem:$0x1F990] =	vst v2;
	v2 =	vmul.f32 v25, v9  }
0xf2: {  	v4 =	vmul.f32 v36, v8;
	v3 =	vadd.f32 v26, v3;
	v13 =	vmul.f32 v29, v9  }
0xf3: {  	v0 =	vld.idx.msk [tilespmem:v0+s18+$0x0], $0xffff;
	v9 =	vmul.f32 v23, v9;
	v2 =	vadd.f32 v2, v10;
	v12 =	vadd.f32 v6, v33  }
0xf4: {  	v16 =	vld [tilespmem:$0x1FB10];
	v3 =	vadd.f32 v4, v3;
	v10 =	vmul.f32 v22, v8  }
0xf5: {  	v8 =	vmul.f32 v30, v8;
	v1 =	vld.idx.msk [tilespmem:v1+s18+$0x0], $0xffff;
	v2 =	vadd.f32 v5, v2;
	v9 =	vadd.f32 v9, v12  }
0xf6: {  	v14 =	vld [tilespmem:$0x1FD30];
	v3 =	vadd.f32 v34, v3;
	v11 =	vadd.f32 v13, v11  }
0xf7: {  	v37 =	vld [tilespmem:$0x1FB80];
	v2 =	vadd.f32 v63, v2;
	v5 =	vadd.f32 v8, v9;
	v8 =	vadd.s32 s5, v57  }
0xf8: {  	v48 =	vld [tilespmem:$0x1FB20];
	[tilespmem:$0x1FA50] =	vst v3;
	v0 =	vmul.f32 v0, v61;
	v4 =	vadd.f32 v10, v11;
	v3 =	vand.u32 $0x3F, v8  }
0xf9: {  	v55 =	vld [tilespmem:$0x1FB30];
	[tilespmem:$0x1F8E0] =	vst v2;
	v2 =	vor.u32 v16, v3  }
0xfa: {  	v42 =	vld [tilespmem:$0x1FC80];
	v1 =	vmul.f32 v1, v61;
	v0 =	vadd.f32 v0, v4  }
0xfb: {  	v13 =	vld [tilespmem:$0x1FD20]  }
0xfc: {  	v12 =	vld [tilespmem:$0x1FBE0];
	[tilespmem:$0x1FA10] =	vst v0;
	v0 =	vadd.f32 v1, v5;
	v8 =	vor.u32 v37, v3  }
0xfd: {  	v1 =	vld [tilespmem:$0x1FBD0]  }
0xfe: {  	[tilespmem:$0x1F900] =	vst v0;
	v0 =	vld.idx.msk [tilespmem:v2+s15+$0x0], $0xffff  }
0xff: {  	v59 =	vld.idx.msk [tilespmem:v2+s16+$0x0], $0xffff  }
0x100: {  	v45 =	vld.idx.msk [tilespmem:v2+s18+$0x0], $0xffff  }
0x101: {  	v15 =	vor.u32 v12, v3;
	v7 =	vld.idx.msk [tilespmem:v8+s18+$0x0], $0xffff  }
0x102: {  	v4 =	vor.u32 v48, v3;
	v2 =	vld [tilespmem:$0x1FBF0]  }
0x103: {  	v6 =	vld [tilespmem:$0x1FC10];
	v5 =	vor.u32 v55, v3  }
0x104: {  	v10 =	vld [tilespmem:$0x1FCA0]  }
0x105: {  	v11 =	vld [tilespmem:$0x1FD10];
	v9 =	vor.u32 v1, v3  }
0x106: {  	[tilespmem:$0x1F810] =	vst v7;
	v7 =	vld.idx.msk [tilespmem:v15+s18+$0x0], $0xffff  }
0x107: {  	v60 =	vld.idx.msk [tilespmem:v4+s18+$0x0], $0xffff;
	v4 =	vor.u32 v2, v3  }
0x108: {  	v33 =	vld.idx.msk [tilespmem:v5+s18+$0x0], $0xffff;
	v5 =	vor.u32 v6, v3  }
0x109: {  	v8 =	vld [tilespmem:$0x1FCF0]  }
0x10a: {  	v21 =	vor.u32 v10, v3;
	v39 =	vld.idx.msk [tilespmem:v9+s18+$0x0], $0xffff  }
0x10b: {  	[tilespmem:$0x1F820] =	vst v7;
	v7 =	vld [tilespmem:$0x1FCE0]  }
0x10c: {  	v4 =	vld.idx.msk [tilespmem:v4+s18+$0x0], $0xffff  }
0x10d: {  	v17 =	vor.u32 v42, v3;
	v5 =	vld.idx.msk [tilespmem:v5+s18+$0x0], $0xffff  }
0x10e: {  	v15 =	vld [tilespmem:$0x1FC40]  }
0x10f: {  	v24 =	vor.u32 v11, v3;
	v9 =	vld.idx.msk [tilespmem:v21+s18+$0x0], $0xffff  }
0x110: {  	v20 =	vld [tilespmem:$0x1FD50];
	v22 =	vor.u32 v7, v3  }
0x111: {  	v23 =	vld [tilespmem:$0x1FD70];
	[tilespmem:$0x1F830] =	vst v4;
	v4 =	vor.u32 v8, v3  }
0x112: {  	v44 =	vld.idx.msk [tilespmem:v17+s18+$0x0], $0xffff  }
0x113: {  	v17 =	vld [tilespmem:$0x1FD40];
	v21 =	vor.u32 v13, v3;
	[tilespmem:$0x1F840] =	vst v5  }
0x114: {  	v5 =	vor.u32 v15, v3;
	[tilespmem:$0x1F850] =	vst v9;
	v9 =	vld.idx.msk [tilespmem:v24+s18+$0x0], $0xffff  }
0x115: {  	v27 =	vor.u32 v14, v3;
	v26 =	vld.idx.msk [tilespmem:v22+s18+$0x0], $0xffff  }
0x116: {  	v4 =	vld.idx.msk [tilespmem:v4+s18+$0x0], $0xffff  }
0x117: {  	s6 =	sadd.s32 $0x3, s5;
	v22 =	vld [tilespmem:$0x1FD60]  }
0x118: {  	v31 =	vadd.s32 s6, v57;
	v34 =	vld.idx.msk [tilespmem:v21+s18+$0x0], $0xffff  }
0x119: {  	v21 =	vand.u32 $0x3F, v31;
	v28 =	vld.idx.msk [tilespmem:v5+s18+$0x0], $0xffff;
	v5 =	vor.u32 v20, v3  }
0x11a: {  	[tilespmem:$0x1F870] =	vst v9;
	v9 =	vld.idx.msk [tilespmem:v27+s18+$0x0], $0xffff;
	v27 =	vor.u32 v16, v21  }
0x11b: {  	s7 =	sadd.s32 $0x2, s5;
	[tilespmem:$0x1F860] =	vst v4;
	v4 =	vor.u32 v17, v3  }
0x11c: {  	v31 =	vadd.s32 s7, v57;
	v24 =	vor.u32 v22, v3;
	v3 =	vor.u32 v23, v3  }
0x11d: {  	v31 =	vand.u32 $0x3F, v31  }
0x11e: {  	v58 =	vor.u32 v1, v21;
	v36 =	vor.u32 v2, v21;
	v47 =	vor.u32 v6, v21;
	v41 =	vld.idx.msk [tilespmem:v5+s18+$0x0], $0xffff  }
0x11f: {  	v50 =	vor.u32 v42, v21;
	v51 =	vor.u32 v10, v21;
	v53 =	vor.u32 v8, v21;
	v61 =	vld.idx.msk [tilespmem:v27+s15+$0x0], $0xffff  }
0x120: {  	s6 =	sadd.s32 $0x1, s5;
	v54 =	vor.u32 v15, v21;
	v63 =	vor.u32 v11, v21;
	v19 =	vor.u32 v17, v21;
	v29 =	vld.idx.msk [tilespmem:v4+s18+$0x0], $0xffff  }
0x121: {  	[tilespmem:$0x1F880] =	vst v9;
	v18 =	vor.u32 v22, v21;
	v4 =	vadd.s32 s6, v57;
	v46 =	vld.idx.msk [tilespmem:v3+s18+$0x0], $0xffff;
	v3 =	vor.u32 v12, v21  }
0x122: {  	v62 =	vld.idx.msk [tilespmem:v27+s16+$0x0], $0xffff;
	[tilespmem:$0x1FC60] =	vst v18;
	v18 =	vor.u32 v23, v21;
	v49 =	vand.u32 $0x3F, v4;
	v4 =	vor.u32 v48, v21  }
0x123: {  	v52 =	vor.u32 v7, v21;
	[tilespmem:$0x1FC70] =	vst v18;
	v43 =	vld.idx.msk [tilespmem:v24+s18+$0x0], $0xffff;
	v24 =	vor.u32 v2, v31  }
0x124: {  	v5 =	vor.u32 v55, v21;
	v30 =	vld.idx.msk [tilespmem:v27+s18+$0x0], $0xffff;
	[tilespmem:$0x1F8F0] =	vst v24;
	v24 =	vor.u32 v6, v31  }
0x125: {  	v9 =	vor.u32 v13, v21;
	v27 =	vor.u32 v14, v21;
	[tilespmem:$0x1F910] =	vst v24;
	v24 =	vor.u32 v42, v31  }
0x126: {  	v57 =	vor.u32 v37, v21;
	[tilespmem:$0x1F920] =	vst v24;
	v32 =	vld.idx.msk [tilespmem:v3+s18+$0x0], $0xffff;
	v3 =	vor.u32 v15, v31  }
0x127: {  	v25 =	vld.idx.msk [tilespmem:v4+s18+$0x0], $0xffff;
	v4 =	vor.u32 v20, v21;
	v21 =	vor.u32 v55, v31;
	[tilespmem:$0x1F9F0] =	vst v3  }
0x128: {  	v3 =	vor.u32 v11, v31;
	[tilespmem:$0x1F8A0] =	vst v21  }
0x129: {  	v21 =	vor.u32 v37, v31;
	[tilespmem:$0x1FA30] =	vst v3  }
0x12a: {  	v3 =	vor.u32 v13, v31;
	[tilespmem:$0x1F8B0] =	vst v21  }
0x12b: {  	v21 =	vor.u32 v1, v31;
	[tilespmem:$0x1F9A0] =	vst v3  }
0x12c: {  	v3 =	vor.u32 v14, v31;
	[tilespmem:$0x1F8C0] =	vst v21  }
0x12d: {  	v24 =	vld.idx.msk [tilespmem:v58+s18+$0x0], $0xffff;
	v21 =	vor.u32 v12, v31;
	[tilespmem:$0x1FA40] =	vst v3  }
0x12e: {  	[tilespmem:$0x1F8D0] =	vst v21;
	v21 =	vld.idx.msk [tilespmem:v57+s18+$0x0], $0xffff;
	v57 =	vor.u32 v7, v31  }
0x12f: {  	v3 =	vor.u32 v17, v31;
	[tilespmem:$0x1F9C0] =	vst v57;
	v57 =	vld.idx.msk [tilespmem:v36+s18+$0x0], $0xffff  }
0x130: {  	v40 =	vor.u32 v48, v31;
	[tilespmem:$0x1FB00] =	vst v3;
	v3 =	vor.u32 v20, v31;
	v36 =	vld.idx.msk [tilespmem:v52+s18+$0x0], $0xffff  }
0x131: {  	v56 =	vor.u32 v10, v31;
	v18 =	vor.u32 v16, v31;
	[tilespmem:$0x1F9D0] =	vst v3;
	v3 =	vor.u32 v22, v31;
	v52 =	vld [tilespmem:$0x1F820]  }
0x132: {  	v58 =	vor.u32 v8, v31;
	[tilespmem:$0x1FA00] =	vst v3;
	v3 =	vor.u32 v23, v31;
	v31 =	vld.idx.msk [tilespmem:v50+s18+$0x0], $0xffff  }
0x133: {  	v50 =	vmul.f32 v39, v0;
	v39 =	vld.idx.msk [tilespmem:v53+s18+$0x0], $0xffff  }
0x134: {  	v53 =	vld [tilespmem:$0x1F830]  }
0x135: {  	[tilespmem:$0x1F930] =	vst v56;
	v56 =	vmul.f32 v45, v0;
	v45 =	vor.u32 v1, v49;
	v1 =	vld.idx.msk [tilespmem:v54+s18+$0x0], $0xffff  }
0x136: {  	v54 =	vld [tilespmem:$0x1F840];
	[tilespmem:$0x1FD00] =	vst v3;
	v3 =	vmul.f32 v59, v0  }
0x137: {  	v59 =	vld.idx.msk [tilespmem:v51+s18+$0x0], $0xffff;
	v51 =	vmul.f32 v33, v0;
	v33 =	vmul.f32 v52, v0;
	_ =	sdelay $0x1  }
0x138: {  	[tilespmem:$0x1F960] =	vst v33;
	v33 =	vmul.f32 v53, v0;
	_ =	sdelay $0x1  }
0x139: {  	[tilespmem:$0x1F970] =	vst v33;
	v33 =	vmul.f32 v54, v0;
	_ =	sdelay $0x1  }
0x13a: {  	[tilespmem:$0x1F980] =	vst v33;
	v33 =	vor.u32 v12, v49;
	v12 =	vld [tilespmem:$0x1F850];
	_ =	sdelay $0x4  }
0x13b: {  	v12 =	vmul.f32 v12, v0;
	_ =	sdelay $0x1  }
0x13c: {  	[tilespmem:$0x1FA90] =	vst v12;
	v12 =	vmul.f32 v26, v0;
	_ =	sdelay $0x1  }
0x13d: {  	[tilespmem:$0x1FAC0] =	vst v12;
	v12 =	vor.u32 v2, v49;
	v2 =	vld [tilespmem:$0x1F860];
	_ =	sdelay $0x4  }
0x13e: {  	v2 =	vmul.f32 v2, v0;
	_ =	sdelay $0x1  }
0x13f: {  	[tilespmem:$0x1FAE0] =	vst v2;
	v2 =	vld [tilespmem:$0x1F870];
	_ =	sdelay $0x4  }
0x140: {  	v2 =	vmul.f32 v2, v0;
	_ =	sdelay $0x1  }
0x141: {  	[tilespmem:$0x1FB40] =	vst v2;
	v2 =	vmul.f32 v34, v0;
	_ =	sdelay $0x1  }
0x142: {  	[tilespmem:$0x1FB50] =	vst v2;
	v2 =	vld [tilespmem:$0x1F880];
	_ =	sdelay $0x4  }
0x143: {  	v2 =	vmul.f32 v2, v0;
	_ =	sdelay $0x1  }
0x144: {  	[tilespmem:$0x1FB60] =	vst v2;
	v2 =	vmul.f32 v29, v0;
	_ =	sdelay $0x1  }
0x145: {  	[tilespmem:$0x1FB70] =	vst v2;
	v2 =	vmul.f32 v41, v0;
	_ =	sdelay $0x1  }
0x146: {  	v35 =	vor.u32 v48, v49;
	v48 =	vld [tilespmem:$0x1F810];
	[tilespmem:$0x1FB90] =	vst v2;
	v2 =	vmul.f32 v43, v0  }
0x147: {  	[tilespmem:$0x1F9E0] =	vst v58  }
0x148: {  	v58 =	vor.u32 v16, v49;
	[tilespmem:$0x1FBA0] =	vst v2;
	v2 =	vor.u32 v15, v49  }
0x149: {  	[tilespmem:$0x1FAA0] =	vst v2;
	v2 =	vor.u32 v11, v49  }
0x14a: {  	v16 =	vmul.f32 v60, v0;
	v60 =	vor.u32 v55, v49;
	v55 =	vmul.f32 v44, v0;
	[tilespmem:$0x1FAF0] =	vst v2;
	v2 =	vld [tilespmem:$0x1FBC0]  }
0x14b: {  	v48 =	vmul.f32 v48, v0  }
0x14c: {  	v44 =	vld.idx.msk [tilespmem:v9+s18+$0x0], $0xffff;
	[tilespmem:$0x1FA70] =	vst v55;
	v55 =	vmul.f32 v28, v0;
	v0 =	vmul.f32 v46, v0  }
0x14d: {  	v9 =	vld.idx.msk [tilespmem:v58+s15+$0x0], $0xffff  }
0x14e: {  	[tilespmem:$0x1FBB0] =	vst v0;
	v0 =	vld.idx.msk [tilespmem:v58+s16+$0x0], $0xffff  }
0x14f: {  	v2 =	vadd.f32 v3, v2;
	v3 =	vld [tilespmem:$0x1F8A0];
	_ =	sdelay $0x1  }
0x150: {  	v37 =	vor.u32 v37, v49;
	_ =	sdelay $0x2  }
0x151: {  	v52 =	vor.u32 v8, v49;
	v8 =	vld.idx.msk [tilespmem:v18+s15+$0x0], $0xffff;
	v0 =	vmul.f32 v0, v9  }
0x152: {  	v11 =	vmul.f32 v57, v61;
	v57 =	vld.idx.msk [tilespmem:v58+s18+$0x0], $0xffff  }
0x153: {  	v58 =	vmul.f32 v59, v61;
	v59 =	vmul.f32 v1, v61;
	v1 =	vadd.f32 v0, v2;
	v2 =	vld.idx.msk [tilespmem:v37+s18+$0x0], $0xffff  }
0x154: {  	v37 =	vld.idx.msk [tilespmem:v3+s18+$0x0], $0xffff  }
0x155: {  	v3 =	vld [tilespmem:$0x1F8B0]  }
0x156: {  	v26 =	vor.u32 v6, v49;
	v6 =	vmul.f32 v30, v61;
	v30 =	vld.idx.msk [tilespmem:v18+s16+$0x0], $0xffff;
	_ =	sdelay $0x4  }
0x157: {  	v30 =	vmul.f32 v30, v8;
	_ =	sdelay $0x1  }
0x158: {  	v1 =	vadd.f32 v30, v1;
	v30 =	vld.idx.msk [tilespmem:v3+s18+$0x0], $0xffff  }
0x159: {  	v3 =	vld [tilespmem:$0x1F8C0]  }
0x15a: {  	v18 =	vld.idx.msk [tilespmem:v18+s18+$0x0], $0xffff  }
0x15b: {  	v34 =	vld.idx.msk [tilespmem:v19+s18+$0x0], $0xffff  }
0x15c: {  	v19 =	vld.idx.msk [tilespmem:v40+s18+$0x0], $0xffff;
	_ =	sdelay $0x3  }
0x15d: {  	v29 =	vmul.f32 v62, v61  }
0x15e: {  	v62 =	vor.u32 v13, v49;
	v13 =	vmul.f32 v18, v8;
	v18 =	vmul.f32 v19, v8;
	v19 =	vld.idx.msk [tilespmem:v3+s18+$0x0], $0xffff  }
0x15f: {  	v3 =	vld [tilespmem:$0x1F8D0];
	_ =	sdelay $0x1  }
0x160: {  	v63 =	vld.idx.msk [tilespmem:v63+s18+$0x0], $0xffff  }
0x161: {  	v54 =	vor.u32 v42, v49;
	v42 =	vld.idx.msk [tilespmem:v4+s18+$0x0], $0xffff;
	_ =	sdelay $0x4  }
0x162: {  	v0 =	vmul.f32 v63, v61;
	v63 =	vmul.f32 v42, v61;
	v42 =	vld.idx.msk [tilespmem:v3+s18+$0x0], $0xffff  }
0x163: {  	v3 =	vld [tilespmem:$0x1FC20]  }
0x164: {  	v47 =	vld.idx.msk [tilespmem:v47+s18+$0x0], $0xffff  }
0x165: {  	v35 =	vld.idx.msk [tilespmem:v35+s18+$0x0], $0xffff;
	v1 =	vadd.f32 v29, v1  }
0x166: {  	v40 =	vmul.f32 v36, v61;
	v36 =	vld.idx.msk [tilespmem:v60+s18+$0x0], $0xffff  }
0x167: {  	[tilespmem:$0x1FBC0] =	vst v1;
	v1 =	vld [tilespmem:$0x1FC00]  }
0x168: {  	v15 =	vadd.f32 v51, v3;
	v3 =	vld [tilespmem:$0x1FC30]  }
0x169: {  	v5 =	vld.idx.msk [tilespmem:v5+s18+$0x0], $0xffff  }
0x16a: {  	[tilespmem:$0x1F940] =	vst v50;
	v50 =	vor.u32 v14, v49;
	v35 =	vmul.f32 v35, v9;
	v14 =	vadd.f32 v16, v38  }
0x16b: {  	v28 =	vld.idx.msk [tilespmem:v27+s18+$0x0], $0xffff;
	v27 =	vmul.f32 v47, v61;
	v47 =	vor.u32 v22, v49  }
0x16c: {  	v14 =	vadd.f32 v35, v14;
	v16 =	vmul.f32 v36, v9;
	v41 =	vmul.f32 v39, v61  }
0x16d: {  	v39 =	vmul.f32 v57, v9;
	v1 =	vadd.f32 v56, v1;
	v29 =	vadd.f32 v48, v3;
	v3 =	vld [tilespmem:$0x1F8F0]  }
0x16e: {  	v2 =	vmul.f32 v2, v9;
	v56 =	vmul.f32 v37, v8;
	v15 =	vadd.f32 v16, v15  }
0x16f: {  	v53 =	vor.u32 v10, v49;
	v4 =	vmul.f32 v5, v61;
	v5 =	vld.idx.msk [tilespmem:v45+s18+$0x0], $0xffff;
	v1 =	vadd.f32 v39, v1  }
0x170: {  	v16 =	vld.idx.msk [tilespmem:v26+s18+$0x0], $0xffff;
	v26 =	vmul.f32 v30, v8;
	v15 =	vadd.f32 v56, v15;
	v2 =	vadd.f32 v2, v29  }
0x171: {  	v10 =	vmul.f32 v25, v61;
	v22 =	vld.idx.msk [tilespmem:v12+s18+$0x0], $0xffff;
	v1 =	vadd.f32 v13, v1;
	v13 =	vadd.f32 v18, v14  }
0x172: {  	v21 =	vmul.f32 v21, v61;
	v12 =	vld [tilespmem:$0x1F970];
	v4 =	vadd.f32 v4, v15;
	v2 =	vadd.f32 v26, v2  }
0x173: {  	v38 =	vadd.f32 v10, v13;
	v10 =	vld [tilespmem:$0x1FC90]  }
0x174: {  	[tilespmem:$0x1FC20] =	vst v4;
	v4 =	vld [tilespmem:$0x1F940];
	v2 =	vadd.f32 v21, v2  }
0x175: {  	v18 =	vld.idx.msk [tilespmem:v3+s18+$0x0], $0xffff  }
0x176: {  	[tilespmem:$0x1FC30] =	vst v2;
	v2 =	vld [tilespmem:$0x1FC50]  }
0x177: {  	v3 =	vld [tilespmem:$0x1F910]  }
0x178: {  	v43 =	vor.u32 v17, v49;
	v17 =	vld.idx.msk [tilespmem:v33+s18+$0x0], $0xffff  }
0x179: {  	v1 =	vadd.f32 v6, v1;
	v6 =	vld [tilespmem:$0x1F960]  }
0x17a: {  	v15 =	vadd.f32 v12, v10;
	v10 =	vld [tilespmem:$0x1FCB0]  }
0x17b: {  	v2 =	vadd.f32 v4, v2;
	v4 =	vld [tilespmem:$0x1F950]  }
0x17c: {  	v12 =	vld [tilespmem:$0x1F980];
	_ =	sdelay $0x1  }
0x17d: {  	v7 =	vor.u32 v7, v49  }
0x17e: {  	v26 =	vld.idx.msk [tilespmem:v3+s18+$0x0], $0xffff  }
0x17f: {  	v35 =	vld [tilespmem:$0x1F8E0];
	v5 =	vmul.f32 v5, v9;
	v4 =	vadd.f32 v6, v4;
	v6 =	vmul.f32 v22, v9  }
0x180: {  	v25 =	vld [tilespmem:$0x1F890];
	[tilespmem:$0x1FC00] =	vst v1;
	v1 =	vmul.f32 v17, v9;
	v16 =	vmul.f32 v16, v9;
	v17 =	vadd.f32 v12, v10  }
0x181: {  	v33 =	vld [tilespmem:$0x1F900];
	v2 =	vadd.f32 v5, v2;
	v5 =	vmul.f32 v18, v8;
	v6 =	vadd.f32 v6, v15  }
0x182: {  	v1 =	vadd.f32 v1, v4;
	v4 =	vld.idx.msk [tilespmem:v7+s18+$0x0], $0xffff  }
0x183: {  	v13 =	vld.idx.msk [tilespmem:v54+s18+$0x0], $0xffff;
	v15 =	vadd.f32 v16, v17;
	v16 =	vmul.f32 v26, v8;
	v5 =	vadd.f32 v5, v6  }
0x184: {  	v14 =	vmul.f32 v19, v8;
	v3 =	vld [tilespmem:$0x1F920]  }
0x185: {  	v21 =	vld.idx.msk [tilespmem:v53+s18+$0x0], $0xffff;
	v6 =	vadd.f32 v16, v15;
	v5 =	vadd.f32 v11, v5  }
0x186: {  	v14 =	vadd.f32 v14, v2;
	v2 =	vld [tilespmem:$0x1F9C0]  }
0x187: {  	v53 =	vmul.f32 v4, v9;
	v4 =	vld [tilespmem:$0x1FAA0];
	[tilespmem:$0x1FC90] =	vst v5;
	v5 =	vadd.f32 v27, v6  }
0x188: {  	v6 =	vld [tilespmem:$0x1FA70]  }
0x189: {  	[tilespmem:$0x1FCB0] =	vst v5;
	v5 =	vld [tilespmem:$0x1FA60]  }
0x18a: {  	v10 =	vld.idx.msk [tilespmem:v52+s18+$0x0], $0xffff  }
0x18b: {  	v12 =	vld [tilespmem:$0x1FA90]  }
0x18c: {  	v29 =	vld.idx.msk [tilespmem:v3+s18+$0x0], $0xffff  }
0x18d: {  	v3 =	vld [tilespmem:$0x1F930]  }
0x18e: {  	v5 =	vadd.f32 v6, v5;
	v6 =	vld [tilespmem:$0x1FA80]  }
0x18f: {  	v17 =	vld.idx.msk [tilespmem:v2+s18+$0x0], $0xffff  }
0x190: {  	v2 =	vld [tilespmem:$0x1F9E0]  }
0x191: {  	v19 =	vmul.f32 v42, v8;
	v42 =	vld.idx.msk [tilespmem:v4+s18+$0x0], $0xffff  }
0x192: {  	v4 =	vld [tilespmem:$0x1FAB0]  }
0x193: {  	v6 =	vadd.f32 v12, v6;
	v12 =	vld [tilespmem:$0x1FAC0]  }
0x194: {  	v7 =	vld [tilespmem:$0x1F990]  }
0x195: {  	v26 =	vld [tilespmem:$0x1F9A0]  }
0x196: {  	v3 =	vld.idx.msk [tilespmem:v3+s18+$0x0], $0xffff  }
0x197: {  	v16 =	vld [tilespmem:$0x1F9D0]  }
0x198: {  	v32 =	vmul.f32 v32, v61;
	v1 =	vadd.f32 v19, v1;
	v56 =	vadd.f32 v12, v4;
	v4 =	vld [tilespmem:$0x1FAD0]  }
0x199: {  	v24 =	vmul.f32 v24, v61;
	v12 =	vld [tilespmem:$0x1FAE0]  }
0x19a: {  	v30 =	vadd.f32 v32, v1;
	v32 =	vld [tilespmem:$0x1FA10]  }
0x19b: {  	v60 =	vmul.f32 v44, v61;
	v44 =	vld.idx.msk [tilespmem:v2+s18+$0x0], $0xffff;
	v48 =	vmul.f32 v3, v8;
	v3 =	vadd.f32 v24, v14  }
0x19c: {  	v2 =	vld [tilespmem:$0x1F9F0]  }
0x19d: {  	[tilespmem:$0x1FC50] =	vst v3;
	v3 =	vld [tilespmem:$0x1FA30]  }
0x19e: {  	v52 =	vadd.f32 v12, v4;
	v4 =	vld [tilespmem:$0x1FAF0]  }
0x19f: {  	v1 =	vmul.f32 v21, v9;
	v21 =	vld [tilespmem:$0x1FA20]  }
0x1a0: {  	v11 =	vld [tilespmem:$0x1FA40]  }
0x1a1: {  	v27 =	vld [tilespmem:$0x1FA50]  }
0x1a2: {  	v22 =	vmov v55;
	v55 =	vmul.f32 v29, v8;
	v29 =	vld [tilespmem:$0x1F9B0]  }
0x1a3: {  	p1 =	sne.s32 s5, $0x3C;
	v24 =	vld [tilespmem:$0x1FA00]  }
.Ltmp0:
0x1a4: {  	v2 =	vld.idx.msk [tilespmem:v2+s18+$0x0], $0xffff;
	(pc) =	sbr.rel @p1 .LBB2_4-.Ltmp0, $4  }
0x1a5: {  	v28 =	vmul.f32 v28, v61;
	v13 =	vmul.f32 v13, v9;
	v3 =	vld.idx.msk [tilespmem:v3+s18+$0x0], $0xffff  }
0x1a6: {  	v31 =	vmul.f32 v31, v61;
	v34 =	vmul.f32 v34, v61;
	v46 =	vor.u32 v20, v49;
	v45 =	vld.idx.msk [tilespmem:v4+s18+$0x0], $0xffff  }
0x1a7: {  	v49 =	vor.u32 v23, v49;
	v57 =	vlaneseq.u32;
	v4 =	vadd.f32 v13, v5;
	v13 =	vld [tilespmem:$0x1FB00]  }
0x1a8: {  	s5 =	sadd.s32 $0x4, s5;
	v54 =	vmul.f32 v10, v9;
	v51 =	vmul.f32 v17, v8;
	v5 =	vadd.f32 v1, v6;
	v1 =	vld.idx.msk [tilespmem:v62+s18+$0x0], $0xffff  }
0x1a9: {  	_ =	sdelay $0x3  }
0x1aa: {  	v6 =	vld.idx.msk [tilespmem:v50+s18+$0x0], $0xffff  }
0x1ab: {  	v10 =	vld.idx.msk [tilespmem:v26+s18+$0x0], $0xffff  }
0x1ac: {  	v11 =	vld.idx.msk [tilespmem:v11+s18+$0x0], $0xffff  }
0x1ad: {  	v16 =	vld.idx.msk [tilespmem:v16+s18+$0x0], $0xffff  }
0x1ae: {  	v17 =	vld.idx.msk [tilespmem:v43+s18+$0x0], $0xffff  }
0x1af: {  	v39 =	vld.idx.msk [tilespmem:v46+s18+$0x0], $0xffff  }
0x1b0: {  	v18 =	vld.idx.msk [tilespmem:v47+s18+$0x0], $0xffff  }
0x1b1: {  	v20 =	vld.idx.msk [tilespmem:v49+s18+$0x0], $0xffff  }
0x1b2: {  	v24 =	vld.idx.msk [tilespmem:v24+s18+$0x0], $0xffff  }
0x1b3: {  	v15 =	vmul.f32 v44, v8;
	v44 =	vld [tilespmem:$0x1FB50]  }
0x1b4: {  	v47 =	vld [tilespmem:$0x1FD00]  }
0x1b5: {  	v49 =	vld [tilespmem:$0x1FC60]  }
0x1b6: {  	v50 =	vld [tilespmem:$0x1FC70]  }
0x1b7: {  	v12 =	vadd.f32 v53, v56;
	v53 =	vld [tilespmem:$0x1FD90]  }
0x1b8: {  	v4 =	vadd.f32 v55, v4;
	v55 =	vld [tilespmem:$0x1FC20]  }
0x1b9: {  	v56 =	vld [tilespmem:$0x1FDB0];
	v14 =	vadd.f32 v54, v52  }
0x1ba: {  	v26 =	vld [tilespmem:$0x1FBA0]  }
0x1bb: {  	v37 =	vld [tilespmem:$0x1FDF0];
	v14 =	vadd.f32 v15, v14  }
0x1bc: {  	v23 =	vmul.f32 v45, v9;
	v45 =	vld [tilespmem:$0x1FB60]  }
0x1bd: {  	v14 =	vadd.f32 v41, v14;
	v41 =	vld [tilespmem:$0x1FB40]  }
0x1be: {  	v43 =	vmul.f32 v42, v9;
	v42 =	vld [tilespmem:$0x1FE20]  }
0x1bf: {  	v19 =	vadd.f32 v22, v7;
	v5 =	vadd.f32 v48, v5;
	v52 =	vld [tilespmem:$0x1FC00]  }
0x1c0: {  	v2 =	vmul.f32 v2, v8;
	v3 =	vmul.f32 v3, v8;
	v54 =	vld [tilespmem:$0x1FDA0];
	v12 =	vadd.f32 v51, v12  }
0x1c1: {  	v19 =	vadd.f32 v43, v19;
	v51 =	vld [tilespmem:$0x1FBC0];
	v5 =	vadd.f32 v58, v5;
	v1 =	vmul.f32 v1, v9  }
0x1c2: {  	v13 =	vld.idx.msk [tilespmem:v13+s18+$0x0], $0xffff;
	v6 =	vmul.f32 v6, v9;
	v46 =	vadd.f32 v45, v29;
	v21 =	vadd.f32 v41, v21  }
0x1c3: {  	v58 =	vld [tilespmem:$0x1FC30];
	v2 =	vadd.f32 v2, v19;
	v25 =	vadd.f32 v44, v25;
	v11 =	vmul.f32 v11, v8  }
0x1c4: {  	v15 =	vmul.f32 v39, v9;
	v39 =	vld [tilespmem:$0x1FE00];
	v6 =	vadd.f32 v6, v46;
	v21 =	vadd.f32 v23, v21  }
0x1c5: {  	v10 =	vmul.f32 v10, v8;
	v2 =	vadd.f32 v59, v2;
	v59 =	vld [tilespmem:$0x1FB70];
	v1 =	vadd.f32 v1, v25  }
0x1c6: {  	v25 =	vld [tilespmem:$0x1FC50];
	v6 =	vadd.f32 v11, v6;
	v3 =	vadd.f32 v3, v21  }
0x1c7: {  	v48 =	vld.idx.msk [tilespmem:v47+s18+$0x0], $0xffff;
	v1 =	vadd.f32 v10, v1  }
0x1c8: {  	v0 =	vadd.f32 v0, v3;
	v3 =	vadd.f32 v28, v6;
	v28 =	vld [tilespmem:$0x1FBB0]  }
0x1c9: {  	v22 =	vld.idx.msk [tilespmem:v49+s18+$0x0], $0xffff  }
0x1ca: {  	v1 =	vadd.f32 v60, v1;
	v60 =	vld [tilespmem:$0x1FB90]  }
0x1cb: {  	v21 =	vld [tilespmem:$0x1FDC0]  }
0x1cc: {  	v6 =	vadd.f32 v59, v27;
	v27 =	vadd.f32 v26, v32;
	v32 =	vld [tilespmem:$0x1FDD0]  }
0x1cd: {  	s5 =	sor.u32 s23, s13;
	v4 =	vadd.f32 v31, v4;
	v31 =	vadd.f32 v28, v33;
	v33 =	vld [tilespmem:$0x1FDE0]  }
0x1ce: {  	v23 =	vld.idx.msk [tilespmem:v50+s18+$0x0], $0xffff;
	[tilespmem:s5+$0x18C00] =	vst v51  }
0x1cf: {  	v41 =	vld [tilespmem:$0x1FE10];
	[tilespmem:s5+$0x18E00] =	vst v52;
	s5 =	sand.u32 $0x50, s5  }
0x1d0: {  	[tilespmem:v53+s5+$0x0 ss:$0x1] =	vst.idx.msk $0xffff, v38;
	v62 =	vadd.f32 v60, v35;
	v35 =	vld [tilespmem:$0x1FC90]  }
0x1d1: {  	v38 =	vld [tilespmem:$0x1FCB0];
	[tilespmem:v54+s5+$0x0 ss:$0x1] =	vst.idx.msk $0xffff, v55  }
0x1d2: {  	v47 =	vld [tilespmem:$0x1FE30];
	[tilespmem:v56+s5+$0x0 ss:$0x1] =	vst.idx.msk $0xffff, v58  }
0x1d3: {  	v49 =	vld [tilespmem:$0x1FE40];
	[tilespmem:v21+s5+$0x0 ss:$0x1] =	vst.idx.msk $0xffff, v25  }
0x1d4: {  	v12 =	vadd.f32 v40, v12;
	v17 =	vmul.f32 v17, v9;
	v52 =	vld [tilespmem:$0x1FE50];
	[tilespmem:v32+s5+$0x0 ss:$0x1] =	vst.idx.msk $0xffff, v30  }
0x1d5: {  	v44 =	vmul.f32 v16, v8;
	v43 =	vmul.f32 v13, v8;
	v54 =	vld [tilespmem:$0x1FE60];
	[tilespmem:v33+s5+$0x0 ss:$0x1] =	vst.idx.msk $0xffff, v35  }
0x1d6: {  	v46 =	vmul.f32 v48, v8;
	v58 =	vld [tilespmem:$0x1FE70];
	v10 =	vadd.f32 v15, v62;
	[tilespmem:v37+s5+$0x0 ss:$0x1] =	vst.idx.msk $0xffff, v38  }
0x1d7: {  	v55 =	vmul.f32 v22, v61;
	v59 =	vld [tilespmem:$0x1FE80];
	v56 =	vmul.f32 v23, v61;
	[tilespmem:v39+s5+$0x0 ss:$0x1] =	vst.idx.msk $0xffff, v4  }
0x1d8: {  	v61 =	vld [tilespmem:$0x1FE90];
	v6 =	vadd.f32 v17, v6;
	v48 =	vadd.f32 v44, v10;
	[tilespmem:v41+s5+$0x0 ss:$0x1] =	vst.idx.msk $0xffff, v5  }
0x1d9: {  	v18 =	vmul.f32 v18, v9;
	v36 =	vmul.f32 v20, v9;
	v62 =	vld [tilespmem:$0x1FEA0];
	[tilespmem:v42+s5+$0x0 ss:$0x1] =	vst.idx.msk $0xffff, v12  }
0x1da: {  	v5 =	vadd.f32 v43, v6;
	v6 =	vadd.f32 v63, v48;
	v63 =	vld [tilespmem:$0x1FEB0];
	[tilespmem:v47+s5+$0x0 ss:$0x1] =	vst.idx.msk $0xffff, v14  }
0x1db: {  	v45 =	vmul.f32 v24, v8;
	v40 =	vadd.f32 v18, v27;
	[tilespmem:v49+s5+$0x0 ss:$0x1] =	vst.idx.msk $0xffff, v2  }
0x1dc: {  	v9 =	vadd.f32 v36, v31;
	[tilespmem:v52+s5+$0x0 ss:$0x1] =	vst.idx.msk $0xffff, v0  }
0x1dd: {  	v50 =	vadd.f32 v45, v40;
	v53 =	vadd.f32 v34, v5;
	[tilespmem:v54+s5+$0x0 ss:$0x1] =	vst.idx.msk $0xffff, v1  }
.Ltmp1:
0x1de: {  	v51 =	vadd.f32 v46, v9;
	[tilespmem:v58+s5+$0x0 ss:$0x1] =	vst.idx.msk $0xffff, v3;
	(pc) =	sbr.rel @p0 .LBB2_3-.Ltmp1, $4  }
0x1df: {  	v1 =	vadd.f32 v55, v50;
	[tilespmem:v59+s5+$0x0 ss:$0x1] =	vst.idx.msk $0xffff, v53  }
0x1e0: {  	v60 =	vadd.f32 v56, v51;
	[tilespmem:v61+s5+$0x0 ss:$0x1] =	vst.idx.msk $0xffff, v6  }
0x1e1: {  	[tilespmem:v62+s5+$0x0 ss:$0x1] =	vst.idx.msk $0xffff, v1  }
0x1e2: {  	s13 =	simm.s32 $0x10;
	p1 =	por $0x0, $0x0;
	[tilespmem:v63+s5+$0x0 ss:$0x1] =	vst.idx.msk $0xffff, v60  }
0x1e3: {  	_ =	swait.ge [sflag:s21], $0x800  }
0x1e4: {  	[sflag:s21] =	ssyncset.done $0x0  }
0x1e5: {  	[sflag:s21] =	ssyncadd.s32 $0xFFFFF800  }
0x1e6: {  	_ =	swait.ge [sflag:s21], $0x800  }
0x1e7: {  	[sflag:s21] =	ssyncset.done $0x0  }
0x1e8: {  	[sflag:s21] =	ssyncadd.s32 $0xFFFFF800  }
0x1e9: {  	_ =	swait.ge [sflag:s21], $0x2000  }
0x1ea: {  	[sflag:s21] =	ssyncset.done $0x0  }
0x1eb: {  	[sflag:s21] =	ssyncadd.s32 $0xFFFFE000  }
0x1ec: {  	_ =	swait.ge [sflag:s21], $0x2000  }
0x1ed: {  	[sflag:s21] =	ssyncset.done $0x0  }
0x1ee: {  	[sflag:s21] =	ssyncadd.s32 $0xFFFFE000  }
0x1ef: {  	_ =	swait.ge [sflag:s21], $0x2000  }
0x1f0: {  	[sflag:s21] =	ssyncset.done $0x0  }
0x1f1: {  	[sflag:s21] =	ssyncadd.s32 $0xFFFFE000  }
0x1f2: {  	_ =	swait.ge [sflag:s21], $0x2000  }
0x1f3: {  	[sflag:s21] =	ssyncset.done $0x0  }
0x1f4: {  	p0 =	seq.s32 s25, $0x7;
	[sflag:s21] =	ssyncadd.s32 $0xFFFFE000  }
0x1f5: {  	s5 =	sadd.s32 @!p0 $0x2, s22;
	_ =	swait.ge [sflag:s21], $0x2000  }
0x1f6: {  	s7 =	simm.s32 @!p0 $0x20;
	s12 =	simm.s32 @!p0 $0x2C00;
	[sflag:s21] =	ssyncset.done $0x0  }
0x1f7: {  	s6 =	sshll.u32 @!p0 s5, $0x5;
	s5 =	smul.u32 @!p0 $0xA00, s5;
	[sflag:s21] =	ssyncadd.s32 $0xFFFFE000  }
0x1f8: {  	[tilespmem:s12], [sflag:$0x1] =	stream.indirect.gather @!p0 [hbm4b:s3+s7], $0x40, s6, s7, $0xb8;
	[tilespmem:$0x1B600] =	vst v63  }
0x1f9: {  	s5 =	sshra.s32 @!p0 s5, $0x2;
	s6 =	sadd.s32 @!p0 $0x200, s6;
	s12 =	simm.s32 @!p0 $0x3400  }
0x1fa: {  	[tilespmem:s12], [sflag:$0x1] =	stream.indirect.gather @!p0 [hbm4b:s4+s7], $0x40, s6, s7, $0xb8;
	[tilespmem:$0x1B600] =	vst v63  }
0x1fb: {  	s6 =	sadd.s32 @!p0 $0x400, s5;
	s7 =	simm.s32 @!p0 $0x80;
	s12 =	simm.s32 @!p0 $0x3C00  }
0x1fc: {  	[tilespmem:s12], [sflag:$0x1] =	stream.indirect.gather @!p0 [hbm4b:s4+s7], $0x40, s6, s7, $0xb8;
	[tilespmem:$0x1B600] =	vst v63  }
0x1fd: {  	s6 =	sadd.s32 @!p0 $0x480, s5;
	s12 =	simm.s32 @!p0 $0x5C00  }
0x1fe: {  	[tilespmem:s12], [sflag:$0x1] =	stream.indirect.gather @!p0 [hbm4b:s4+s7], $0x40, s6, s7, $0xb8;
	[tilespmem:$0x1B600] =	vst v63  }
0x1ff: {  	s6 =	sadd.s32 @!p0 $0x500, s5;
	s12 =	simm.s32 @!p0 $0x7C00  }
0x200: {  	[tilespmem:s12], [sflag:$0x1] =	stream.indirect.gather @!p0 [hbm4b:s4+s7], $0x40, s6, s7, $0xb8;
	[tilespmem:$0x1B600] =	vst v63  }
0x201: {  	s6 =	sadd.s32 @!p0 $0x580, s5;
	s12 =	simm.s32 @!p0 $0x9C00  }
0x202: {  	[tilespmem:s12], [sflag:$0x1] =	stream.indirect.gather @!p0 [hbm4b:s4+s7], $0x40, s6, s7, $0xb8;
	[tilespmem:$0x1B600] =	vst v63  }
0x203: {  	s5 =	sadd.s32 @!p0 $0x600, s5;
	s6 =	simm.s32 @!p0 $0xBC00  }
0x204: {  	[tilespmem:s6], [sflag:$0x1] =	stream.indirect.gather @!p0 [hbm4b:s4+s7], $0x40, s5, s7, $0xb8;
	[tilespmem:$0x1B600] =	vst v63  }
0x205: {  	s5 =	sand.u32 $0x180, s26  }
0x206: {  	s23 =	sor.u32 $0x19000, s5  }
0x207: {  	s7 =	sor.u32 $0x19200, s5;
	v0 =	vmov s23  }
0x208: {  	s12 =	sor.u32 $0x19400, s5;
	v45 =	vmov s7;
	[tilespmem:$0x1F6E0] =	vst v0  }
0x209: {  	s13 =	sor.u32 $0x19600, s5;
	v46 =	vmov s12;
	[tilespmem:$0x1F6F0] =	vst v45  }
0x20a: {  	s6 =	sor.u32 $0x19800, s5;
	v47 =	vmov s13;
	[tilespmem:$0x1F700] =	vst v46  }
0x20b: {  	s22 =	sor.u32 $0x19A00, s5;
	v48 =	vmov s6;
	[tilespmem:$0x1F710] =	vst v47  }
0x20c: {  	s23 =	sor.u32 $0x19C00, s5;
	v49 =	vmov s22;
	[tilespmem:$0x1F720] =	vst v48  }
0x20d: {  	s7 =	sor.u32 $0x19E00, s5;
	[tilespmem:$0x1F730] =	vst v49;
	v50 =	vmov s23  }
0x20e: {  	s12 =	sor.u32 $0x1A000, s5;
	v51 =	vmov s7;
	[tilespmem:$0x1F740] =	vst v50  }
0x20f: {  	s13 =	sor.u32 $0x1A200, s5;
	v52 =	vmov s12;
	[tilespmem:$0x1F750] =	vst v51  }
0x210: {  	s6 =	sor.u32 $0x1A400, s5;
	v53 =	vmov s13;
	[tilespmem:$0x1F760] =	vst v52  }
0x211: {  	s22 =	sor.u32 $0x1A600, s5;
	v54 =	vmov s6;
	[tilespmem:$0x1F770] =	vst v53  }
0x212: {  	s23 =	sor.u32 $0x1A800, s5;
	v55 =	vmov s22;
	[tilespmem:$0x1F780] =	vst v54  }
0x213: {  	s7 =	sor.u32 $0x1AA00, s5;
	[tilespmem:$0x1F790] =	vst v55;
	v56 =	vmov s23  }
0x214: {  	s12 =	sor.u32 $0x1AC00, s5;
	v58 =	vmov s7;
	[tilespmem:$0x1F7A0] =	vst v56  }
0x215: {  	s13 =	sor.u32 $0x1AE00, s5;
	v59 =	vmov s12;
	[tilespmem:$0x1F7B0] =	vst v58  }
0x216: {  	s6 =	sor.u32 $0x1B000, s5;
	v60 =	vmov s13;
	[tilespmem:$0x1F7C0] =	vst v59  }
0x217: {  	s23 =	sor.u32 $0x1B200, s5;
	v61 =	vmov s6;
	[tilespmem:$0x1F7D0] =	vst v60  }
0x218: {  	s5 =	sor.u32 $0x1B400, s5;
	[tilespmem:$0x1F7E0] =	vst v61;
	v62 =	vmov s23  }
0x219: {  	v63 =	vmov s5;
	[tilespmem:$0x1F7F0] =	vst v62  }
0x21a: {  	p1 =	por $0x1, $0x1;
	s22 =	simm.s32 $0x0;
	s12 =	simm.s32 $0x0;
	[tilespmem:$0x1F800] =	vst v63  }
.LBB2_7:
0x21b: {  	v2 =	vld [tilespmem:$0x1FFE0]  }
0x21c: {  	v3 =	vld [tilespmem:$0x1FFF0]  }
0x21d: {  	v4 =	vld [tilespmem:$0x1FFC0]  }
0x21e: {  	v5 =	vld [tilespmem:$0x1FFB0]  }
0x21f: {  	v7 =	vld [tilespmem:$0x1FFA0]  }
0x220: {  	v9 =	vld [tilespmem:$0x1FF90]  }
0x221: {  	v10 =	vld [tilespmem:$0x1FF80]  }
0x222: {  	v11 =	vld [tilespmem:$0x1FF70]  }
0x223: {  	v12 =	vld [tilespmem:$0x1FF60]  }
0x224: {  	v13 =	vld [tilespmem:$0x1FF50]  }
0x225: {  	v0 =	vmov s12;
	v14 =	vld [tilespmem:$0x1FF40]  }
0x226: {  	v1 =	vadd.s32 s22, v57;
	v15 =	vld [tilespmem:$0x1FF30];
	v0 =	vshll.u32 v0, $0x6  }
0x227: {  	v16 =	vld [tilespmem:$0x1FF20];
	v1 =	vand.u32 $0x3F, v1;
	v30 =	vor.u32 v2, v0  }
0x228: {  	v17 =	vld [tilespmem:$0x1FF10];
	v2 =	vor.u32 v30, v1  }
0x229: {  	v18 =	vld [tilespmem:$0x1FF00]  }
0x22a: {  	v19 =	vld [tilespmem:$0x1FEF0];
	v50 =	vor.u32 v4, v0  }
0x22b: {  	v20 =	vld [tilespmem:$0x1FEE0];
	v51 =	vor.u32 v5, v0;
	v6 =	vor.u32 v50, v1  }
0x22c: {  	v42 =	vor.u32 v3, v0;
	v3 =	vld [tilespmem:$0x1FFD0];
	v52 =	vor.u32 v7, v0;
	v8 =	vor.u32 v51, v1  }
0x22d: {  	v53 =	vor.u32 v9, v0;
	v9 =	vor.u32 v52, v1;
	v5 =	vld.idx.msk [tilespmem:v2+s29+$0x0], $0xffff  }
0x22e: {  	v55 =	vor.u32 v10, v0;
	v10 =	vor.u32 v53, v1;
	v7 =	vld.idx.msk [tilespmem:v2+s30+$0x0], $0xffff  }
0x22f: {  	v56 =	vor.u32 v11, v0;
	v11 =	vor.u32 v55, v1;
	v36 =	vld.idx.msk [tilespmem:v2+s31+$0x0], $0xffff  }
0x230: {  	v58 =	vor.u32 v12, v0;
	v43 =	vor.u32 v19, v0;
	v12 =	vor.u32 v56, v1;
	v6 =	vld.idx.msk [tilespmem:v6+s31+$0x0], $0xffff  }
0x231: {  	v59 =	vor.u32 v13, v0;
	v39 =	vor.u32 v20, v0;
	v21 =	vor.u32 v43, v1;
	v13 =	vld.idx.msk [tilespmem:v8+s31+$0x0], $0xffff  }
0x232: {  	v60 =	vor.u32 v14, v0;
	v23 =	vor.u32 v39, v1;
	v14 =	vld.idx.msk [tilespmem:v9+s31+$0x0], $0xffff  }
0x233: {  	v62 =	vor.u32 v16, v0;
	v8 =	vor.u32 v58, v1;
	v2 =	vor.u32 v15, v0;
	v15 =	vld.idx.msk [tilespmem:v10+s31+$0x0], $0xffff  }
0x234: {  	v54 =	vor.u32 v17, v0;
	v17 =	vor.u32 v62, v1;
	v16 =	vld.idx.msk [tilespmem:v11+s31+$0x0], $0xffff  }
0x235: {  	v9 =	vor.u32 v59, v1;
	v46 =	vld.idx.msk [tilespmem:v12+s31+$0x0], $0xffff  }
0x236: {  	v10 =	vor.u32 v60, v1;
	v21 =	vld.idx.msk [tilespmem:v21+s31+$0x0], $0xffff  }
0x237: {  	v31 =	vld.idx.msk [tilespmem:v23+s31+$0x0], $0xffff;
	v11 =	vor.u32 v2, v1  }
0x238: {  	v44 =	vor.u32 v18, v0;
	v18 =	vld.idx.msk [tilespmem:v8+s31+$0x0], $0xffff;
	v8 =	vor.u32 v54, v1  }
0x239: {  	[tilespmem:$0x1F590] =	vst v2;
	v2 =	vld.idx.msk [tilespmem:v17+s31+$0x0], $0xffff  }
0x23a: {  	v19 =	vld.idx.msk [tilespmem:v9+s31+$0x0], $0xffff;
	v9 =	vor.u32 v44, v1  }
0x23b: {  	[tilespmem:$0x1F460] =	vst v30;
	v20 =	vld.idx.msk [tilespmem:v10+s31+$0x0], $0xffff  }
0x23c: {  	[tilespmem:$0x1F470] =	vst v42;
	v49 =	vor.u32 v3, v0;
	v3 =	vor.u32 v42, v1;
	v22 =	vld.idx.msk [tilespmem:v11+s31+$0x0], $0xffff  }
0x23d: {  	s5 =	simm.s32 $0x1;
	[tilespmem:$0x1F4D0] =	vst v50;
	v25 =	vld.idx.msk [tilespmem:v8+s31+$0x0], $0xffff  }
0x23e: {  	[tilespmem:$0x1F520] =	vst v51;
	v4 =	vor.u32 v49, v1;
	v10 =	vadd.s32 s5, v57;
	v8 =	vld [tilespmem:$0x1FED0]  }
0x23f: {  	s13 =	simm.s32 $0x2;
	[tilespmem:$0x1F530] =	vst v52;
	v48 =	vand.u32 $0x3F, v10;
	v27 =	vld.idx.msk [tilespmem:v9+s31+$0x0], $0xffff  }
0x240: {  	[tilespmem:$0x1F540] =	vst v53;
	v11 =	vadd.s32 s13, v57;
	v10 =	vmul.f32 v46, v5;
	v24 =	vor.u32 v30, v48;
	v9 =	vld [tilespmem:$0x1FEC0]  }
0x241: {  	[tilespmem:$0x1F560] =	vst v55;
	v3 =	vld.idx.msk [tilespmem:v3+s31+$0x0], $0xffff;
	v47 =	vand.u32 $0x3F, v11  }
0x242: {  	v7 =	vmul.f32 v7, v5;
	v28 =	vor.u32 v30, v47;
	[tilespmem:$0x1F610] =	vst v10;
	v10 =	vmul.f32 v18, v5  }
0x243: {  	[tilespmem:$0x1F5D0] =	vst v56;
	v4 =	vld.idx.msk [tilespmem:v4+s31+$0x0], $0xffff;
	v11 =	vimm.f32 $0.0e+00;
	v17 =	vor.u32 v8, v0  }
0x244: {  	s23 =	simm.s32 $0x3;
	v2 =	vmul.f32 v2, v5;
	[tilespmem:$0x1F620] =	vst v10;
	v10 =	vadd.f32 v7, v11;
	v26 =	vor.u32 v17, v1  }
0x245: {  	[tilespmem:$0x1F5F0] =	vst v58;
	v23 =	vld.idx.msk [tilespmem:v24+s30+$0x0], $0xffff;
	v7 =	vmul.f32 v19, v5;
	v8 =	vadd.s32 s23, v57;
	v12 =	vor.u32 v9, v0  }
0x246: {  	[tilespmem:$0x1F490] =	vst v2;
	v19 =	vld.idx.msk [tilespmem:v24+s31+$0x0], $0xffff;
	v2 =	vmul.f32 v25, v5;
	v0 =	vand.u32 $0x3F, v8;
	v29 =	vor.u32 v12, v1  }
0x247: {  	[tilespmem:$0x1F630] =	vst v59;
	v36 =	vmul.f32 v36, v5;
	v40 =	vld.idx.msk [tilespmem:v28+s30+$0x0], $0xffff;
	v30 =	vor.u32 v30, v0  }
0x248: {  	v6 =	vmul.f32 v6, v5;
	v9 =	vld.idx.msk [tilespmem:v24+s29+$0x0], $0xffff;
	[tilespmem:$0x1F4A0] =	vst v2;
	v2 =	vmul.f32 v27, v5  }
0x249: {  	v38 =	vor.u32 v42, v47;
	v32 =	vor.u32 v42, v0;
	v42 =	vor.u32 v42, v48;
	v41 =	vld.idx.msk [tilespmem:v26+s31+$0x0], $0xffff  }
0x24a: {  	v63 =	vmul.f32 v14, v5;
	v8 =	vld.idx.msk [tilespmem:v28+s29+$0x0], $0xffff;
	[tilespmem:$0x1F4B0] =	vst v2;
	v2 =	vmul.f32 v21, v5  }
0x24b: {  	v45 =	vmul.f32 v16, v5;
	v3 =	vmul.f32 v3, v5;
	v18 =	vld.idx.msk [tilespmem:v29+s31+$0x0], $0xffff;
	v29 =	vor.u32 v50, v48  }
0x24c: {  	v6 =	vadd.f32 v6, v11;
	[tilespmem:$0x1F4C0] =	vst v2;
	v2 =	vmul.f32 v31, v5;
	v61 =	vld.idx.msk [tilespmem:v30+s29+$0x0], $0xffff  }
0x24d: {  	v4 =	vmul.f32 v4, v5;
	v3 =	vadd.f32 v3, v11;
	v27 =	vor.u32 v50, v47;
	v46 =	vld.idx.msk [tilespmem:v30+s30+$0x0], $0xffff  }
0x24e: {  	v14 =	vmul.f32 v23, v9;
	v24 =	vld.idx.msk [tilespmem:v42+s31+$0x0], $0xffff;
	[tilespmem:$0x1F4E0] =	vst v2;
	v2 =	vmul.f32 v41, v5  }
0x24f: {  	[tilespmem:$0x1F640] =	vst v60;
	v1 =	vmul.f32 v13, v5;
	v33 =	vor.u32 v49, v0;
	v16 =	vmul.f32 v40, v8  }
0x250: {  	v13 =	vadd.f32 v14, v10;
	[tilespmem:$0x1F4F0] =	vst v2;
	v2 =	vmul.f32 v18, v5;
	v18 =	vld.idx.msk [tilespmem:v29+s31+$0x0], $0xffff  }
0x251: {  	v34 =	vor.u32 v50, v0;
	v26 =	vmul.f32 v15, v5;
	v15 =	vor.u32 v49, v48;
	v29 =	vld.idx.msk [tilespmem:v38+s31+$0x0], $0xffff  }
0x252: {  	v23 =	vmul.f32 v20, v5;
	v27 =	vld.idx.msk [tilespmem:v27+s31+$0x0], $0xffff;
	v14 =	vadd.f32 v16, v13;
	v31 =	vmul.f32 v46, v61  }
0x253: {  	v28 =	vld.idx.msk [tilespmem:v28+s31+$0x0], $0xffff;
	v20 =	vor.u32 v49, v47;
	v19 =	vmul.f32 v19, v9;
	v24 =	vmul.f32 v24, v9  }
0x254: {  	v30 =	vld.idx.msk [tilespmem:v30+s31+$0x0], $0xffff;
	[tilespmem:$0x1F500] =	vst v2;
	v2 =	vadd.f32 v31, v14;
	v14 =	vadd.f32 v36, v11  }
0x255: {  	v35 =	vor.u32 v51, v0;
	v32 =	vld.idx.msk [tilespmem:v32+s31+$0x0], $0xffff;
	v3 =	vadd.f32 v24, v3;
	v18 =	vmul.f32 v18, v9  }
0x256: {  	v21 =	vld.idx.msk [tilespmem:v15+s31+$0x0], $0xffff;
	v14 =	vadd.f32 v19, v14;
	v19 =	vor.u32 v51, v48;
	v29 =	vmul.f32 v29, v8  }
0x257: {  	v33 =	vld.idx.msk [tilespmem:v33+s31+$0x0], $0xffff;
	v27 =	vmul.f32 v27, v8;
	v6 =	vadd.f32 v18, v6;
	v18 =	vor.u32 v53, v48  }
0x258: {  	v22 =	vmul.f32 v22, v5;
	v20 =	vld.idx.msk [tilespmem:v20+s31+$0x0], $0xffff;
	v3 =	vadd.f32 v29, v3;
	v29 =	vor.u32 v51, v47  }
0x259: {  	v4 =	vadd.f32 v4, v11;
	v34 =	vld.idx.msk [tilespmem:v34+s31+$0x0], $0xffff;
	v6 =	vadd.f32 v27, v6;
	v27 =	vor.u32 v53, v47  }
0x25a: {  	v37 =	vor.u32 v52, v0;
	v28 =	vmul.f32 v28, v8;
	v35 =	vld.idx.msk [tilespmem:v35+s31+$0x0], $0xffff;
	v41 =	vadd.f32 v26, v11  }
0x25b: {  	v30 =	vmul.f32 v30, v61;
	v5 =	vor.u32 v53, v0;
	v21 =	vmul.f32 v21, v9;
	v19 =	vld.idx.msk [tilespmem:v19+s31+$0x0], $0xffff  }
0x25c: {  	v33 =	vmul.f32 v33, v61;
	v14 =	vadd.f32 v28, v14;
	v28 =	vor.u32 v55, v48;
	v18 =	vld.idx.msk [tilespmem:v18+s31+$0x0], $0xffff  }
0x25d: {  	v20 =	vmul.f32 v20, v8;
	v4 =	vadd.f32 v21, v4;
	v21 =	vor.u32 v56, v0;
	v29 =	vld.idx.msk [tilespmem:v29+s31+$0x0], $0xffff  }
0x25e: {  	[tilespmem:$0x1F510] =	vst v2;
	v2 =	vadd.f32 v30, v14;
	v14 =	vor.u32 v55, v47;
	v27 =	vld.idx.msk [tilespmem:v27+s31+$0x0], $0xffff  }
0x25f: {  	[tilespmem:$0x1F480] =	vst v49;
	v10 =	vld [tilespmem:$0x1F590];
	v24 =	vor.u32 v52, v48;
	v31 =	vor.u32 v55, v0;
	v36 =	vadd.f32 v1, v11  }
0x260: {  	v5 =	vld.idx.msk [tilespmem:v5+s31+$0x0], $0xffff;
	v4 =	vadd.f32 v20, v4;
	v20 =	vor.u32 v52, v47;
	v19 =	vmul.f32 v19, v9  }
0x261: {  	v30 =	vmul.f32 v34, v61;
	[tilespmem:$0x1F550] =	vst v2;
	v28 =	vld.idx.msk [tilespmem:v28+s31+$0x0], $0xffff;
	v18 =	vmul.f32 v18, v9  }
0x262: {  	v2 =	vadd.f32 v33, v4;
	v4 =	vor.u32 v59, v0;
	v51 =	vld.idx.msk [tilespmem:v21+s31+$0x0], $0xffff;
	v19 =	vadd.f32 v19, v36  }
0x263: {  	v14 =	vld.idx.msk [tilespmem:v14+s31+$0x0], $0xffff;
	v29 =	vmul.f32 v29, v8;
	v18 =	vadd.f32 v18, v41;
	v21 =	vmul.f32 v27, v8  }
0x264: {  	v49 =	vor.u32 v58, v48;
	v50 =	vor.u32 v62, v0;
	v24 =	vld.idx.msk [tilespmem:v24+s31+$0x0], $0xffff;
	v1 =	vadd.f32 v30, v6  }
0x265: {  	v31 =	vld.idx.msk [tilespmem:v31+s31+$0x0], $0xffff;
	v19 =	vadd.f32 v29, v19;
	v18 =	vadd.f32 v21, v18;
	v21 =	vmul.f32 v35, v61  }
0x266: {  	v42 =	vor.u32 v56, v48;
	v46 =	vadd.f32 v45, v11;
	v20 =	vld.idx.msk [tilespmem:v20+s31+$0x0], $0xffff;
	v28 =	vmul.f32 v28, v9  }
0x267: {  	v32 =	vmul.f32 v32, v61;
	v40 =	vor.u32 v10, v0;
	[tilespmem:$0x1F580] =	vst v1;
	v1 =	vadd.f32 v21, v19  }
0x268: {  	v28 =	vadd.f32 v28, v46;
	v14 =	vmul.f32 v14, v8;
	v19 =	vld.idx.msk [tilespmem:v4+s31+$0x0], $0xffff;
	v4 =	vmul.f32 v5, v61  }
0x269: {  	v24 =	vmul.f32 v24, v9;
	v6 =	vadd.f32 v63, v11;
	[tilespmem:$0x1F5A0] =	vst v1;
	v1 =	vor.u32 v17, v0  }
0x26a: {  	v14 =	vadd.f32 v14, v28;
	v5 =	vmul.f32 v31, v61;
	[tilespmem:$0x1F5B0] =	vst v1;
	v1 =	vadd.f32 v4, v18  }
0x26b: {  	v34 =	vld.idx.msk [tilespmem:v42+s31+$0x0], $0xffff;
	v38 =	vadd.f32 v32, v3;
	v6 =	vadd.f32 v24, v6;
	v20 =	vmul.f32 v20, v8  }
0x26c: {  	v3 =	vor.u32 v58, v0;
	v32 =	vld.idx.msk [tilespmem:v40+s31+$0x0], $0xffff;
	[tilespmem:$0x1F5E0] =	vst v1;
	v1 =	vadd.f32 v5, v14  }
0x26d: {  	[tilespmem:$0x1F660] =	vst v62;
	v53 =	vld.idx.msk [tilespmem:v50+s31+$0x0], $0xffff;
	v6 =	vadd.f32 v20, v6;
	v20 =	vor.u32 v44, v0  }
0x26e: {  	[tilespmem:$0x1F600] =	vst v1;
	v1 =	vld [tilespmem:$0x1F610]  }
0x26f: {  	[tilespmem:$0x1F670] =	vst v54;
	v55 =	vor.u32 v59, v48;
	v24 =	vld.idx.msk [tilespmem:v37+s31+$0x0], $0xffff  }
0x270: {  	[tilespmem:$0x1F690] =	vst v43;
	v33 =	vld.idx.msk [tilespmem:v49+s31+$0x0], $0xffff;
	v29 =	vor.u32 v54, v0  }
0x271: {  	[tilespmem:$0x1F6D0] =	vst v7;
	v30 =	vor.u32 v60, v0;
	v3 =	vld.idx.msk [tilespmem:v3+s31+$0x0], $0xffff  }
0x272: {  	v7 =	vor.u32 v56, v47;
	v13 =	vor.u32 v43, v47;
	v16 =	vor.u32 v39, v47;
	v20 =	vld.idx.msk [tilespmem:v20+s31+$0x0], $0xffff  }
0x273: {  	v26 =	vor.u32 v54, v47;
	[tilespmem:$0x1F570] =	vst v2;
	v28 =	vor.u32 v39, v0;
	v2 =	vadd.f32 v1, v11;
	v1 =	vld [tilespmem:$0x1F620]  }
0x274: {  	v45 =	vor.u32 v10, v47;
	v37 =	vld.idx.msk [tilespmem:v55+s31+$0x0], $0xffff;
	v52 =	vmul.f32 v24, v61;
	v27 =	vor.u32 v43, v0  }
0x275: {  	v56 =	vor.u32 v60, v47;
	v50 =	vor.u32 v44, v48;
	v63 =	vld.idx.msk [tilespmem:v29+s31+$0x0], $0xffff;
	v0 =	vor.u32 v12, v0  }
0x276: {  	v25 =	vimm.f32 $0.0e+00;
	[tilespmem:$0x1F5C0] =	vst v0;
	v0 =	vld.idx.msk [tilespmem:v30+s31+$0x0], $0xffff;
	v30 =	vadd.f32 v52, v6;
	v4 =	vmul.f32 v34, v9  }
0x277: {  	v18 =	vor.u32 v58, v47;
	v58 =	vmul.f32 v3, v61;
	v5 =	vmul.f32 v33, v9;
	v14 =	vmovc v10  }
0x278: {  	v3 =	vld.idx.msk [tilespmem:v28+s31+$0x0], $0xffff;
	v28 =	vmul.f32 v20, v61;
	v20 =	vor.u32 v14, v48;
	v1 =	vadd.f32 v1, v11  }
0x279: {  	v6 =	vld.idx.msk [tilespmem:v27+s31+$0x0], $0xffff;
	v40 =	vmul.f32 v19, v61;
	v4 =	vadd.f32 v4, v2;
	v2 =	vor.u32 v60, v48  }
0x27a: {  	v19 =	vld.idx.msk [tilespmem:v7+s31+$0x0], $0xffff;
	v10 =	vor.u32 v12, v47;
	v5 =	vadd.f32 v5, v1;
	v1 =	vor.u32 v59, v47  }
0x27b: {  	v49 =	vor.u32 v12, v48;
	v31 =	vmul.f32 v51, v61;
	v51 =	vor.u32 v62, v47;
	[tilespmem:$0x1F650] =	vst v10;
	v10 =	vld [tilespmem:$0x1F6D0]  }
0x27c: {  	v24 =	vor.u32 v17, v47;
	v46 =	vor.u32 v39, v48;
	v43 =	vor.u32 v43, v48;
	v18 =	vld.idx.msk [tilespmem:v18+s31+$0x0], $0xffff  }
0x27d: {  	[tilespmem:$0x1F680] =	vst v44;
	v35 =	vimm.f32 $0.0e+00;
	v21 =	vimm.f32 $0.0e+00;
	v29 =	vimm.f32 $0.0e+00;
	v42 =	vld.idx.msk [tilespmem:v20+s31+$0x0], $0xffff  }
0x27e: {  	[tilespmem:$0x1F6A0] =	vst v39;
	v27 =	vimm.f32 $0.0e+00;
	v34 =	vmul.f32 v6, v61;
	v6 =	vor.u32 v62, v48;
	v15 =	vld.idx.msk [tilespmem:v2+s31+$0x0], $0xffff  }
0x27f: {  	[tilespmem:$0x1F6B0] =	vst v17;
	v7 =	vimm.f32 $0.0e+00;
	v33 =	vimm.f32 $0.0e+00;
	v14 =	vor.u32 v54, v48;
	v1 =	vld.idx.msk [tilespmem:v1+s31+$0x0], $0xffff  }
0x280: {  	v52 =	vadd.f32 v23, v7;
	v60 =	vmul.f32 v63, v61;
	v63 =	vmul.f32 v3, v61;
	v3 =	vld.idx.msk [tilespmem:v51+s31+$0x0], $0xffff  }
0x281: {  	v41 =	vmul.f32 v0, v61;
	v0 =	vmul.f32 v53, v61;
	v11 =	vor.u32 v44, v47;
	v44 =	vld.idx.msk [tilespmem:v56+s31+$0x0], $0xffff  }
0x282: {  	v53 =	vmul.f32 v37, v9;
	v55 =	vmul.f32 v19, v8;
	v56 =	vadd.f32 v10, v7;
	v2 =	vld.idx.msk [tilespmem:v45+s31+$0x0], $0xffff  }
0x283: {  	v59 =	vmul.f32 v32, v61;
	v47 =	vor.u32 v17, v48;
	v48 =	vmul.f32 v18, v8;
	v45 =	vld.idx.msk [tilespmem:v6+s31+$0x0], $0xffff  }
0x284: {  	p0 =	por p1, p1;
	s5 =	simm.s32 $0x4;
	[tilespmem:$0x1F6C0] =	vst v12;
	v32 =	vimm.f32 $0.0e+00;
	v54 =	vmul.f32 v15, v9;
	v51 =	vmul.f32 v1, v8;
	v1 =	vld.idx.msk [tilespmem:v14+s31+$0x0], $0xffff  }
.LBB2_8:
0x285: {  	v53 =	vadd.f32 v53, v56;
	_ =	sdelay $0x1  }
0x286: {  	v44 =	vmul.f32 v44, v8;
	v52 =	vadd.f32 v54, v52;
	v56 =	vadd.f32 v51, v53;
	_ =	sdelay $0x1  }
0x287: {  	v44 =	vadd.f32 v44, v52;
	v6 =	vadd.f32 v40, v56;
	_ =	sdelay $0x1  }
0x288: {  	[tilespmem:$0x1F400] =	vst v6;
	v6 =	vadd.f32 v41, v44;
	_ =	sdelay $0x1  }
0x289: {  	[tilespmem:$0x1F420] =	vst v6;
	v6 =	vld [tilespmem:$0x1F490];
	_ =	sdelay $0x4  }
0x28a: {  	v20 =	vadd.f32 v6, v21;
	v6 =	vld [tilespmem:$0x1F4A0];
	_ =	sdelay $0x4  }
0x28b: {  	v18 =	vadd.f32 v6, v25;
	v6 =	vld [tilespmem:$0x1F4B0];
	_ =	sdelay $0x4  }
0x28c: {  	v19 =	vadd.f32 v6, v29;
	v6 =	vld [tilespmem:$0x1F650]  }
0x28d: {  	v4 =	vadd.f32 v55, v4;
	_ =	sdelay $0x1  }
0x28e: {  	v5 =	vadd.f32 v48, v5;
	v4 =	vadd.f32 v31, v4  }
0x28f: {  	v39 =	vld.idx.msk [tilespmem:v26+s31+$0x0], $0xffff  }
0x290: {  	v50 =	vld.idx.msk [tilespmem:v50+s31+$0x0], $0xffff;
	[tilespmem:$0x1F3B0] =	vst v4;
	v4 =	vadd.f32 v58, v5  }
0x291: {  	v37 =	vld.idx.msk [tilespmem:v11+s31+$0x0], $0xffff  }
0x292: {  	v36 =	vld.idx.msk [tilespmem:v13+s31+$0x0], $0xffff;
	v1 =	vmul.f32 v1, v9;
	[tilespmem:$0x1F3D0] =	vst v4;
	v4 =	vmul.f32 v45, v9  }
0x293: {  	[tilespmem:$0x1F2A0] =	vst v30;
	v3 =	vmul.f32 v3, v8;
	v30 =	vld.idx.msk [tilespmem:v6+s31+$0x0], $0xffff  }
0x294: {  	v4 =	vadd.f32 v4, v20;
	v20 =	vmul.f32 v39, v8;
	v1 =	vadd.f32 v1, v18;
	v6 =	vld [tilespmem:$0x1F4E0]  }
0x295: {  	v26 =	vld.idx.msk [tilespmem:v43+s31+$0x0], $0xffff;
	v23 =	vmul.f32 v50, v9  }
0x296: {  	v5 =	vld.idx.msk [tilespmem:v16+s31+$0x0], $0xffff;
	v3 =	vadd.f32 v3, v4;
	v1 =	vadd.f32 v20, v1  }
0x297: {  	v22 =	vadd.f32 v22, v7;
	v25 =	vld.idx.msk [tilespmem:v46+s31+$0x0], $0xffff;
	v18 =	vadd.f32 v23, v19;
	v19 =	vmul.f32 v37, v8  }
0x298: {  	v0 =	vadd.f32 v0, v3;
	v3 =	vld [tilespmem:$0x1F4C0];
	v1 =	vadd.f32 v60, v1  }
0x299: {  	v42 =	vmul.f32 v42, v9;
	v19 =	vadd.f32 v19, v18;
	v10 =	vadd.f32 v6, v35;
	v6 =	vld [tilespmem:$0x1F4F0]  }
0x29a: {  	v2 =	vmul.f32 v2, v8;
	[tilespmem:$0x1F370] =	vst v0;
	v0 =	vld [tilespmem:$0x1F5B0]  }
0x29b: {  	v22 =	vadd.f32 v42, v22;
	v29 =	vld.idx.msk [tilespmem:v47+s31+$0x0], $0xffff;
	[tilespmem:$0x1F1E0] =	vst v1;
	v1 =	vadd.f32 v28, v19  }
0x29c: {  	v23 =	vld.idx.msk [tilespmem:v49+s31+$0x0], $0xffff  }
0x29d: {  	v2 =	vadd.f32 v2, v22;
	[tilespmem:$0x1F300] =	vst v1;
	v1 =	vld [tilespmem:$0x1F5C0]  }
0x29e: {  	v11 =	vadd.f32 v6, v32;
	v6 =	vld [tilespmem:$0x1F500]  }
0x29f: {  	v22 =	vld.idx.msk [tilespmem:v24+s31+$0x0], $0xffff;
	v2 =	vadd.f32 v59, v2  }
0x2a0: {  	v26 =	vmul.f32 v26, v9;
	v3 =	vadd.f32 v3, v27  }
0x2a1: {  	v5 =	vmul.f32 v5, v8;
	[tilespmem:$0x1F2E0] =	vst v2;
	v2 =	vmul.f32 v25, v9  }
0x2a2: {  	v4 =	vmul.f32 v36, v8;
	v3 =	vadd.f32 v26, v3;
	v13 =	vmul.f32 v29, v9  }
0x2a3: {  	v0 =	vld.idx.msk [tilespmem:v0+s31+$0x0], $0xffff;
	v9 =	vmul.f32 v23, v9;
	v2 =	vadd.f32 v2, v10;
	v12 =	vadd.f32 v6, v33  }
0x2a4: {  	v16 =	vld [tilespmem:$0x1F460];
	v3 =	vadd.f32 v4, v3;
	v10 =	vmul.f32 v22, v8  }
0x2a5: {  	v8 =	vmul.f32 v30, v8;
	v1 =	vld.idx.msk [tilespmem:v1+s31+$0x0], $0xffff;
	v2 =	vadd.f32 v5, v2;
	v9 =	vadd.f32 v9, v12  }
0x2a6: {  	v14 =	vld [tilespmem:$0x1F680];
	v3 =	vadd.f32 v34, v3;
	v11 =	vadd.f32 v13, v11  }
0x2a7: {  	v37 =	vld [tilespmem:$0x1F4D0];
	v2 =	vadd.f32 v63, v2;
	v5 =	vadd.f32 v8, v9;
	v8 =	vadd.s32 s5, v57  }
0x2a8: {  	v48 =	vld [tilespmem:$0x1F470];
	[tilespmem:$0x1F3A0] =	vst v3;
	v0 =	vmul.f32 v0, v61;
	v4 =	vadd.f32 v10, v11;
	v3 =	vand.u32 $0x3F, v8  }
0x2a9: {  	v55 =	vld [tilespmem:$0x1F480];
	[tilespmem:$0x1F230] =	vst v2;
	v2 =	vor.u32 v16, v3  }
0x2aa: {  	v42 =	vld [tilespmem:$0x1F5D0];
	v1 =	vmul.f32 v1, v61;
	v0 =	vadd.f32 v0, v4  }
0x2ab: {  	v13 =	vld [tilespmem:$0x1F670]  }
0x2ac: {  	v12 =	vld [tilespmem:$0x1F530];
	[tilespmem:$0x1F360] =	vst v0;
	v0 =	vadd.f32 v1, v5;
	v8 =	vor.u32 v37, v3  }
0x2ad: {  	v1 =	vld [tilespmem:$0x1F520]  }
0x2ae: {  	[tilespmem:$0x1F250] =	vst v0;
	v0 =	vld.idx.msk [tilespmem:v2+s29+$0x0], $0xffff  }
0x2af: {  	v59 =	vld.idx.msk [tilespmem:v2+s30+$0x0], $0xffff  }
0x2b0: {  	v45 =	vld.idx.msk [tilespmem:v2+s31+$0x0], $0xffff  }
0x2b1: {  	v15 =	vor.u32 v12, v3;
	v7 =	vld.idx.msk [tilespmem:v8+s31+$0x0], $0xffff  }
0x2b2: {  	v4 =	vor.u32 v48, v3;
	v2 =	vld [tilespmem:$0x1F540]  }
0x2b3: {  	v6 =	vld [tilespmem:$0x1F560];
	v5 =	vor.u32 v55, v3  }
0x2b4: {  	v10 =	vld [tilespmem:$0x1F5F0]  }
0x2b5: {  	v11 =	vld [tilespmem:$0x1F660];
	v9 =	vor.u32 v1, v3  }
0x2b6: {  	[tilespmem:$0x1F160] =	vst v7;
	v7 =	vld.idx.msk [tilespmem:v15+s31+$0x0], $0xffff  }
0x2b7: {  	v60 =	vld.idx.msk [tilespmem:v4+s31+$0x0], $0xffff;
	v4 =	vor.u32 v2, v3  }
0x2b8: {  	v33 =	vld.idx.msk [tilespmem:v5+s31+$0x0], $0xffff;
	v5 =	vor.u32 v6, v3  }
0x2b9: {  	v8 =	vld [tilespmem:$0x1F640]  }
0x2ba: {  	v21 =	vor.u32 v10, v3;
	v39 =	vld.idx.msk [tilespmem:v9+s31+$0x0], $0xffff  }
0x2bb: {  	[tilespmem:$0x1F170] =	vst v7;
	v7 =	vld [tilespmem:$0x1F630]  }
0x2bc: {  	v4 =	vld.idx.msk [tilespmem:v4+s31+$0x0], $0xffff  }
0x2bd: {  	v17 =	vor.u32 v42, v3;
	v5 =	vld.idx.msk [tilespmem:v5+s31+$0x0], $0xffff  }
0x2be: {  	v15 =	vld [tilespmem:$0x1F590]  }
0x2bf: {  	v24 =	vor.u32 v11, v3;
	v9 =	vld.idx.msk [tilespmem:v21+s31+$0x0], $0xffff  }
0x2c0: {  	v20 =	vld [tilespmem:$0x1F6A0];
	v22 =	vor.u32 v7, v3  }
0x2c1: {  	v23 =	vld [tilespmem:$0x1F6C0];
	[tilespmem:$0x1F180] =	vst v4;
	v4 =	vor.u32 v8, v3  }
0x2c2: {  	v44 =	vld.idx.msk [tilespmem:v17+s31+$0x0], $0xffff  }
0x2c3: {  	v17 =	vld [tilespmem:$0x1F690];
	v21 =	vor.u32 v13, v3;
	[tilespmem:$0x1F190] =	vst v5  }
0x2c4: {  	v5 =	vor.u32 v15, v3;
	[tilespmem:$0x1F1A0] =	vst v9;
	v9 =	vld.idx.msk [tilespmem:v24+s31+$0x0], $0xffff  }
0x2c5: {  	v27 =	vor.u32 v14, v3;
	v26 =	vld.idx.msk [tilespmem:v22+s31+$0x0], $0xffff  }
0x2c6: {  	v4 =	vld.idx.msk [tilespmem:v4+s31+$0x0], $0xffff  }
0x2c7: {  	s6 =	sadd.s32 $0x3, s5;
	v22 =	vld [tilespmem:$0x1F6B0]  }
0x2c8: {  	v31 =	vadd.s32 s6, v57;
	v34 =	vld.idx.msk [tilespmem:v21+s31+$0x0], $0xffff  }
0x2c9: {  	v21 =	vand.u32 $0x3F, v31;
	v28 =	vld.idx.msk [tilespmem:v5+s31+$0x0], $0xffff;
	v5 =	vor.u32 v20, v3  }
0x2ca: {  	[tilespmem:$0x1F1C0] =	vst v9;
	v9 =	vld.idx.msk [tilespmem:v27+s31+$0x0], $0xffff;
	v27 =	vor.u32 v16, v21  }
0x2cb: {  	s7 =	sadd.s32 $0x2, s5;
	[tilespmem:$0x1F1B0] =	vst v4;
	v4 =	vor.u32 v17, v3  }
0x2cc: {  	v31 =	vadd.s32 s7, v57;
	v24 =	vor.u32 v22, v3;
	v3 =	vor.u32 v23, v3  }
0x2cd: {  	v31 =	vand.u32 $0x3F, v31  }
0x2ce: {  	v58 =	vor.u32 v1, v21;
	v36 =	vor.u32 v2, v21;
	v47 =	vor.u32 v6, v21;
	v41 =	vld.idx.msk [tilespmem:v5+s31+$0x0], $0xffff  }
0x2cf: {  	v50 =	vor.u32 v42, v21;
	v51 =	vor.u32 v10, v21;
	v53 =	vor.u32 v8, v21;
	v61 =	vld.idx.msk [tilespmem:v27+s29+$0x0], $0xffff  }
0x2d0: {  	s23 =	sadd.s32 $0x1, s5;
	v54 =	vor.u32 v15, v21;
	v63 =	vor.u32 v11, v21;
	v19 =	vor.u32 v17, v21;
	v29 =	vld.idx.msk [tilespmem:v4+s31+$0x0], $0xffff  }
0x2d1: {  	[tilespmem:$0x1F1D0] =	vst v9;
	v18 =	vor.u32 v22, v21;
	v4 =	vadd.s32 s23, v57;
	v46 =	vld.idx.msk [tilespmem:v3+s31+$0x0], $0xffff;
	v3 =	vor.u32 v12, v21  }
0x2d2: {  	v62 =	vld.idx.msk [tilespmem:v27+s30+$0x0], $0xffff;
	[tilespmem:$0x1F5B0] =	vst v18;
	v18 =	vor.u32 v23, v21;
	v49 =	vand.u32 $0x3F, v4;
	v4 =	vor.u32 v48, v21  }
0x2d3: {  	v52 =	vor.u32 v7, v21;
	[tilespmem:$0x1F5C0] =	vst v18;
	v43 =	vld.idx.msk [tilespmem:v24+s31+$0x0], $0xffff;
	v24 =	vor.u32 v2, v31  }
0x2d4: {  	v5 =	vor.u32 v55, v21;
	v30 =	vld.idx.msk [tilespmem:v27+s31+$0x0], $0xffff;
	[tilespmem:$0x1F240] =	vst v24;
	v24 =	vor.u32 v6, v31  }
0x2d5: {  	v9 =	vor.u32 v13, v21;
	v27 =	vor.u32 v14, v21;
	[tilespmem:$0x1F260] =	vst v24;
	v24 =	vor.u32 v42, v31  }
0x2d6: {  	v57 =	vor.u32 v37, v21;
	[tilespmem:$0x1F270] =	vst v24;
	v32 =	vld.idx.msk [tilespmem:v3+s31+$0x0], $0xffff;
	v3 =	vor.u32 v15, v31  }
0x2d7: {  	v25 =	vld.idx.msk [tilespmem:v4+s31+$0x0], $0xffff;
	v4 =	vor.u32 v20, v21;
	v21 =	vor.u32 v55, v31;
	[tilespmem:$0x1F340] =	vst v3  }
0x2d8: {  	v3 =	vor.u32 v11, v31;
	[tilespmem:$0x1F1F0] =	vst v21  }
0x2d9: {  	v21 =	vor.u32 v37, v31;
	[tilespmem:$0x1F380] =	vst v3  }
0x2da: {  	v3 =	vor.u32 v13, v31;
	[tilespmem:$0x1F200] =	vst v21  }
0x2db: {  	v21 =	vor.u32 v1, v31;
	[tilespmem:$0x1F2F0] =	vst v3  }
0x2dc: {  	v3 =	vor.u32 v14, v31;
	[tilespmem:$0x1F210] =	vst v21  }
0x2dd: {  	v24 =	vld.idx.msk [tilespmem:v58+s31+$0x0], $0xffff;
	v21 =	vor.u32 v12, v31;
	[tilespmem:$0x1F390] =	vst v3  }
0x2de: {  	[tilespmem:$0x1F220] =	vst v21;
	v21 =	vld.idx.msk [tilespmem:v57+s31+$0x0], $0xffff;
	v57 =	vor.u32 v7, v31  }
0x2df: {  	v3 =	vor.u32 v17, v31;
	[tilespmem:$0x1F310] =	vst v57;
	v57 =	vld.idx.msk [tilespmem:v36+s31+$0x0], $0xffff  }
0x2e0: {  	v40 =	vor.u32 v48, v31;
	[tilespmem:$0x1F450] =	vst v3;
	v3 =	vor.u32 v20, v31;
	v36 =	vld.idx.msk [tilespmem:v52+s31+$0x0], $0xffff  }
0x2e1: {  	v56 =	vor.u32 v10, v31;
	v18 =	vor.u32 v16, v31;
	[tilespmem:$0x1F320] =	vst v3;
	v3 =	vor.u32 v22, v31;
	v52 =	vld [tilespmem:$0x1F170]  }
0x2e2: {  	v58 =	vor.u32 v8, v31;
	[tilespmem:$0x1F350] =	vst v3;
	v3 =	vor.u32 v23, v31;
	v31 =	vld.idx.msk [tilespmem:v50+s31+$0x0], $0xffff  }
0x2e3: {  	v50 =	vmul.f32 v39, v0;
	v39 =	vld.idx.msk [tilespmem:v53+s31+$0x0], $0xffff  }
0x2e4: {  	v53 =	vld [tilespmem:$0x1F180]  }
0x2e5: {  	[tilespmem:$0x1F280] =	vst v56;
	v56 =	vmul.f32 v45, v0;
	v45 =	vor.u32 v1, v49;
	v1 =	vld.idx.msk [tilespmem:v54+s31+$0x0], $0xffff  }
0x2e6: {  	v54 =	vld [tilespmem:$0x1F190];
	[tilespmem:$0x1F650] =	vst v3;
	v3 =	vmul.f32 v59, v0  }
0x2e7: {  	v59 =	vld.idx.msk [tilespmem:v51+s31+$0x0], $0xffff;
	v51 =	vmul.f32 v33, v0;
	v33 =	vmul.f32 v52, v0;
	_ =	sdelay $0x1  }
0x2e8: {  	[tilespmem:$0x1F2B0] =	vst v33;
	v33 =	vmul.f32 v53, v0;
	_ =	sdelay $0x1  }
0x2e9: {  	[tilespmem:$0x1F2C0] =	vst v33;
	v33 =	vmul.f32 v54, v0;
	_ =	sdelay $0x1  }
0x2ea: {  	[tilespmem:$0x1F2D0] =	vst v33;
	v33 =	vor.u32 v12, v49;
	v12 =	vld [tilespmem:$0x1F1A0];
	_ =	sdelay $0x4  }
0x2eb: {  	v12 =	vmul.f32 v12, v0;
	_ =	sdelay $0x1  }
0x2ec: {  	[tilespmem:$0x1F3E0] =	vst v12;
	v12 =	vmul.f32 v26, v0;
	_ =	sdelay $0x1  }
0x2ed: {  	[tilespmem:$0x1F410] =	vst v12;
	v12 =	vor.u32 v2, v49;
	v2 =	vld [tilespmem:$0x1F1B0];
	_ =	sdelay $0x4  }
0x2ee: {  	v2 =	vmul.f32 v2, v0;
	_ =	sdelay $0x1  }
0x2ef: {  	[tilespmem:$0x1F430] =	vst v2;
	v2 =	vld [tilespmem:$0x1F1C0];
	_ =	sdelay $0x4  }
0x2f0: {  	v2 =	vmul.f32 v2, v0;
	_ =	sdelay $0x1  }
0x2f1: {  	[tilespmem:$0x1F490] =	vst v2;
	v2 =	vmul.f32 v34, v0;
	_ =	sdelay $0x1  }
0x2f2: {  	[tilespmem:$0x1F4A0] =	vst v2;
	v2 =	vld [tilespmem:$0x1F1D0];
	_ =	sdelay $0x4  }
0x2f3: {  	v2 =	vmul.f32 v2, v0;
	_ =	sdelay $0x1  }
0x2f4: {  	[tilespmem:$0x1F4B0] =	vst v2;
	v2 =	vmul.f32 v29, v0;
	_ =	sdelay $0x1  }
0x2f5: {  	[tilespmem:$0x1F4C0] =	vst v2;
	v2 =	vmul.f32 v41, v0;
	_ =	sdelay $0x1  }
0x2f6: {  	v35 =	vor.u32 v48, v49;
	v48 =	vld [tilespmem:$0x1F160];
	[tilespmem:$0x1F4E0] =	vst v2;
	v2 =	vmul.f32 v43, v0  }
0x2f7: {  	[tilespmem:$0x1F330] =	vst v58  }
0x2f8: {  	v58 =	vor.u32 v16, v49;
	[tilespmem:$0x1F4F0] =	vst v2;
	v2 =	vor.u32 v15, v49  }
0x2f9: {  	[tilespmem:$0x1F3F0] =	vst v2;
	v2 =	vor.u32 v11, v49  }
0x2fa: {  	v16 =	vmul.f32 v60, v0;
	v60 =	vor.u32 v55, v49;
	v55 =	vmul.f32 v44, v0;
	[tilespmem:$0x1F440] =	vst v2;
	v2 =	vld [tilespmem:$0x1F510]  }
0x2fb: {  	v48 =	vmul.f32 v48, v0  }
0x2fc: {  	v44 =	vld.idx.msk [tilespmem:v9+s31+$0x0], $0xffff;
	[tilespmem:$0x1F3C0] =	vst v55;
	v55 =	vmul.f32 v28, v0;
	v0 =	vmul.f32 v46, v0  }
0x2fd: {  	v9 =	vld.idx.msk [tilespmem:v58+s29+$0x0], $0xffff  }
0x2fe: {  	[tilespmem:$0x1F500] =	vst v0;
	v0 =	vld.idx.msk [tilespmem:v58+s30+$0x0], $0xffff  }
0x2ff: {  	v2 =	vadd.f32 v3, v2;
	v3 =	vld [tilespmem:$0x1F1F0];
	_ =	sdelay $0x1  }
0x300: {  	v37 =	vor.u32 v37, v49;
	_ =	sdelay $0x2  }
0x301: {  	v52 =	vor.u32 v8, v49;
	v8 =	vld.idx.msk [tilespmem:v18+s29+$0x0], $0xffff;
	v0 =	vmul.f32 v0, v9  }
0x302: {  	v11 =	vmul.f32 v57, v61;
	v57 =	vld.idx.msk [tilespmem:v58+s31+$0x0], $0xffff  }
0x303: {  	v58 =	vmul.f32 v59, v61;
	v59 =	vmul.f32 v1, v61;
	v1 =	vadd.f32 v0, v2;
	v2 =	vld.idx.msk [tilespmem:v37+s31+$0x0], $0xffff  }
0x304: {  	v37 =	vld.idx.msk [tilespmem:v3+s31+$0x0], $0xffff  }
0x305: {  	v3 =	vld [tilespmem:$0x1F200]  }
0x306: {  	v26 =	vor.u32 v6, v49;
	v6 =	vmul.f32 v30, v61;
	v30 =	vld.idx.msk [tilespmem:v18+s30+$0x0], $0xffff;
	_ =	sdelay $0x4  }
0x307: {  	v30 =	vmul.f32 v30, v8;
	_ =	sdelay $0x1  }
0x308: {  	v1 =	vadd.f32 v30, v1;
	v30 =	vld.idx.msk [tilespmem:v3+s31+$0x0], $0xffff  }
0x309: {  	v3 =	vld [tilespmem:$0x1F210]  }
0x30a: {  	v18 =	vld.idx.msk [tilespmem:v18+s31+$0x0], $0xffff  }
0x30b: {  	v34 =	vld.idx.msk [tilespmem:v19+s31+$0x0], $0xffff  }
0x30c: {  	v19 =	vld.idx.msk [tilespmem:v40+s31+$0x0], $0xffff;
	_ =	sdelay $0x3  }
0x30d: {  	v29 =	vmul.f32 v62, v61  }
0x30e: {  	v62 =	vor.u32 v13, v49;
	v13 =	vmul.f32 v18, v8;
	v18 =	vmul.f32 v19, v8;
	v19 =	vld.idx.msk [tilespmem:v3+s31+$0x0], $0xffff  }
0x30f: {  	v3 =	vld [tilespmem:$0x1F220];
	_ =	sdelay $0x1  }
0x310: {  	v63 =	vld.idx.msk [tilespmem:v63+s31+$0x0], $0xffff  }
0x311: {  	v54 =	vor.u32 v42, v49;
	v42 =	vld.idx.msk [tilespmem:v4+s31+$0x0], $0xffff;
	_ =	sdelay $0x4  }
0x312: {  	v0 =	vmul.f32 v63, v61;
	v63 =	vmul.f32 v42, v61;
	v42 =	vld.idx.msk [tilespmem:v3+s31+$0x0], $0xffff  }
0x313: {  	v3 =	vld [tilespmem:$0x1F570]  }
0x314: {  	v47 =	vld.idx.msk [tilespmem:v47+s31+$0x0], $0xffff  }
0x315: {  	v35 =	vld.idx.msk [tilespmem:v35+s31+$0x0], $0xffff;
	v1 =	vadd.f32 v29, v1  }
0x316: {  	v40 =	vmul.f32 v36, v61;
	v36 =	vld.idx.msk [tilespmem:v60+s31+$0x0], $0xffff  }
0x317: {  	[tilespmem:$0x1F510] =	vst v1;
	v1 =	vld [tilespmem:$0x1F550]  }
0x318: {  	v15 =	vadd.f32 v51, v3;
	v3 =	vld [tilespmem:$0x1F580]  }
0x319: {  	v5 =	vld.idx.msk [tilespmem:v5+s31+$0x0], $0xffff  }
0x31a: {  	[tilespmem:$0x1F290] =	vst v50;
	v50 =	vor.u32 v14, v49;
	v35 =	vmul.f32 v35, v9;
	v14 =	vadd.f32 v16, v38  }
0x31b: {  	v28 =	vld.idx.msk [tilespmem:v27+s31+$0x0], $0xffff;
	v27 =	vmul.f32 v47, v61;
	v47 =	vor.u32 v22, v49  }
0x31c: {  	v14 =	vadd.f32 v35, v14;
	v16 =	vmul.f32 v36, v9;
	v41 =	vmul.f32 v39, v61  }
0x31d: {  	v39 =	vmul.f32 v57, v9;
	v1 =	vadd.f32 v56, v1;
	v29 =	vadd.f32 v48, v3;
	v3 =	vld [tilespmem:$0x1F240]  }
0x31e: {  	v2 =	vmul.f32 v2, v9;
	v56 =	vmul.f32 v37, v8;
	v15 =	vadd.f32 v16, v15  }
0x31f: {  	v53 =	vor.u32 v10, v49;
	v4 =	vmul.f32 v5, v61;
	v5 =	vld.idx.msk [tilespmem:v45+s31+$0x0], $0xffff;
	v1 =	vadd.f32 v39, v1  }
0x320: {  	v16 =	vld.idx.msk [tilespmem:v26+s31+$0x0], $0xffff;
	v26 =	vmul.f32 v30, v8;
	v15 =	vadd.f32 v56, v15;
	v2 =	vadd.f32 v2, v29  }
0x321: {  	v10 =	vmul.f32 v25, v61;
	v22 =	vld.idx.msk [tilespmem:v12+s31+$0x0], $0xffff;
	v1 =	vadd.f32 v13, v1;
	v13 =	vadd.f32 v18, v14  }
0x322: {  	v21 =	vmul.f32 v21, v61;
	v12 =	vld [tilespmem:$0x1F2C0];
	v4 =	vadd.f32 v4, v15;
	v2 =	vadd.f32 v26, v2  }
0x323: {  	v38 =	vadd.f32 v10, v13;
	v10 =	vld [tilespmem:$0x1F5E0]  }
0x324: {  	[tilespmem:$0x1F570] =	vst v4;
	v4 =	vld [tilespmem:$0x1F290];
	v2 =	vadd.f32 v21, v2  }
0x325: {  	v18 =	vld.idx.msk [tilespmem:v3+s31+$0x0], $0xffff  }
0x326: {  	[tilespmem:$0x1F580] =	vst v2;
	v2 =	vld [tilespmem:$0x1F5A0]  }
0x327: {  	v3 =	vld [tilespmem:$0x1F260]  }
0x328: {  	v43 =	vor.u32 v17, v49;
	v17 =	vld.idx.msk [tilespmem:v33+s31+$0x0], $0xffff  }
0x329: {  	v1 =	vadd.f32 v6, v1;
	v6 =	vld [tilespmem:$0x1F2B0]  }
0x32a: {  	v15 =	vadd.f32 v12, v10;
	v10 =	vld [tilespmem:$0x1F600]  }
0x32b: {  	v2 =	vadd.f32 v4, v2;
	v4 =	vld [tilespmem:$0x1F2A0]  }
0x32c: {  	v12 =	vld [tilespmem:$0x1F2D0];
	_ =	sdelay $0x1  }
0x32d: {  	v7 =	vor.u32 v7, v49  }
0x32e: {  	v26 =	vld.idx.msk [tilespmem:v3+s31+$0x0], $0xffff  }
0x32f: {  	v35 =	vld [tilespmem:$0x1F230];
	v5 =	vmul.f32 v5, v9;
	v4 =	vadd.f32 v6, v4;
	v6 =	vmul.f32 v22, v9  }
0x330: {  	v25 =	vld [tilespmem:$0x1F1E0];
	[tilespmem:$0x1F550] =	vst v1;
	v1 =	vmul.f32 v17, v9;
	v16 =	vmul.f32 v16, v9;
	v17 =	vadd.f32 v12, v10  }
0x331: {  	v33 =	vld [tilespmem:$0x1F250];
	v2 =	vadd.f32 v5, v2;
	v5 =	vmul.f32 v18, v8;
	v6 =	vadd.f32 v6, v15  }
0x332: {  	v1 =	vadd.f32 v1, v4;
	v4 =	vld.idx.msk [tilespmem:v7+s31+$0x0], $0xffff  }
0x333: {  	v13 =	vld.idx.msk [tilespmem:v54+s31+$0x0], $0xffff;
	v15 =	vadd.f32 v16, v17;
	v16 =	vmul.f32 v26, v8;
	v5 =	vadd.f32 v5, v6  }
0x334: {  	v14 =	vmul.f32 v19, v8;
	v3 =	vld [tilespmem:$0x1F270]  }
0x335: {  	v21 =	vld.idx.msk [tilespmem:v53+s31+$0x0], $0xffff;
	v6 =	vadd.f32 v16, v15;
	v5 =	vadd.f32 v11, v5  }
0x336: {  	v14 =	vadd.f32 v14, v2;
	v2 =	vld [tilespmem:$0x1F310]  }
0x337: {  	v53 =	vmul.f32 v4, v9;
	v4 =	vld [tilespmem:$0x1F3F0];
	[tilespmem:$0x1F5E0] =	vst v5;
	v5 =	vadd.f32 v27, v6  }
0x338: {  	v6 =	vld [tilespmem:$0x1F3C0]  }
0x339: {  	[tilespmem:$0x1F600] =	vst v5;
	v5 =	vld [tilespmem:$0x1F3B0]  }
0x33a: {  	v10 =	vld.idx.msk [tilespmem:v52+s31+$0x0], $0xffff  }
0x33b: {  	v12 =	vld [tilespmem:$0x1F3E0]  }
0x33c: {  	v29 =	vld.idx.msk [tilespmem:v3+s31+$0x0], $0xffff  }
0x33d: {  	v3 =	vld [tilespmem:$0x1F280]  }
0x33e: {  	v5 =	vadd.f32 v6, v5;
	v6 =	vld [tilespmem:$0x1F3D0]  }
0x33f: {  	v17 =	vld.idx.msk [tilespmem:v2+s31+$0x0], $0xffff  }
0x340: {  	v2 =	vld [tilespmem:$0x1F330]  }
0x341: {  	v19 =	vmul.f32 v42, v8;
	v42 =	vld.idx.msk [tilespmem:v4+s31+$0x0], $0xffff  }
0x342: {  	v4 =	vld [tilespmem:$0x1F400]  }
0x343: {  	v6 =	vadd.f32 v12, v6;
	v12 =	vld [tilespmem:$0x1F410]  }
0x344: {  	v7 =	vld [tilespmem:$0x1F2E0]  }
0x345: {  	v26 =	vld [tilespmem:$0x1F2F0]  }
0x346: {  	v3 =	vld.idx.msk [tilespmem:v3+s31+$0x0], $0xffff  }
0x347: {  	v16 =	vld [tilespmem:$0x1F320]  }
0x348: {  	v32 =	vmul.f32 v32, v61;
	v1 =	vadd.f32 v19, v1;
	v56 =	vadd.f32 v12, v4;
	v4 =	vld [tilespmem:$0x1F420]  }
0x349: {  	v24 =	vmul.f32 v24, v61;
	v12 =	vld [tilespmem:$0x1F430]  }
0x34a: {  	v30 =	vadd.f32 v32, v1;
	v32 =	vld [tilespmem:$0x1F360]  }
0x34b: {  	v60 =	vmul.f32 v44, v61;
	v44 =	vld.idx.msk [tilespmem:v2+s31+$0x0], $0xffff;
	v48 =	vmul.f32 v3, v8;
	v3 =	vadd.f32 v24, v14  }
0x34c: {  	v2 =	vld [tilespmem:$0x1F340]  }
0x34d: {  	[tilespmem:$0x1F5A0] =	vst v3;
	v3 =	vld [tilespmem:$0x1F380]  }
0x34e: {  	v52 =	vadd.f32 v12, v4;
	v4 =	vld [tilespmem:$0x1F440]  }
0x34f: {  	v1 =	vmul.f32 v21, v9;
	v21 =	vld [tilespmem:$0x1F370]  }
0x350: {  	v11 =	vld [tilespmem:$0x1F390]  }
0x351: {  	v27 =	vld [tilespmem:$0x1F3A0]  }
0x352: {  	v22 =	vmov v55;
	v55 =	vmul.f32 v29, v8;
	v29 =	vld [tilespmem:$0x1F300]  }
0x353: {  	p1 =	sne.s32 s5, $0x3C;
	v24 =	vld [tilespmem:$0x1F350]  }
.Ltmp2:
0x354: {  	v2 =	vld.idx.msk [tilespmem:v2+s31+$0x0], $0xffff;
	(pc) =	sbr.rel @p1 .LBB2_8-.Ltmp2, $4  }
0x355: {  	v28 =	vmul.f32 v28, v61;
	v13 =	vmul.f32 v13, v9;
	v3 =	vld.idx.msk [tilespmem:v3+s31+$0x0], $0xffff  }
0x356: {  	v31 =	vmul.f32 v31, v61;
	v34 =	vmul.f32 v34, v61;
	v46 =	vor.u32 v20, v49;
	v45 =	vld.idx.msk [tilespmem:v4+s31+$0x0], $0xffff  }
0x357: {  	v49 =	vor.u32 v23, v49;
	v57 =	vlaneseq.u32;
	v4 =	vadd.f32 v13, v5;
	v13 =	vld [tilespmem:$0x1F450]  }
0x358: {  	s5 =	sadd.s32 $0x4, s5;
	v54 =	vmul.f32 v10, v9;
	v51 =	vmul.f32 v17, v8;
	v5 =	vadd.f32 v1, v6;
	v1 =	vld.idx.msk [tilespmem:v62+s31+$0x0], $0xffff  }
0x359: {  	_ =	sdelay $0x3  }
0x35a: {  	v6 =	vld.idx.msk [tilespmem:v50+s31+$0x0], $0xffff  }
0x35b: {  	v10 =	vld.idx.msk [tilespmem:v26+s31+$0x0], $0xffff  }
0x35c: {  	v11 =	vld.idx.msk [tilespmem:v11+s31+$0x0], $0xffff  }
0x35d: {  	v16 =	vld.idx.msk [tilespmem:v16+s31+$0x0], $0xffff  }
0x35e: {  	v17 =	vld.idx.msk [tilespmem:v43+s31+$0x0], $0xffff  }
0x35f: {  	v39 =	vld.idx.msk [tilespmem:v46+s31+$0x0], $0xffff  }
0x360: {  	v18 =	vld.idx.msk [tilespmem:v47+s31+$0x0], $0xffff  }
0x361: {  	v20 =	vld.idx.msk [tilespmem:v49+s31+$0x0], $0xffff  }
0x362: {  	v24 =	vld.idx.msk [tilespmem:v24+s31+$0x0], $0xffff  }
0x363: {  	v15 =	vmul.f32 v44, v8;
	v44 =	vld [tilespmem:$0x1F4A0]  }
0x364: {  	v47 =	vld [tilespmem:$0x1F650]  }
0x365: {  	v49 =	vld [tilespmem:$0x1F5B0]  }
0x366: {  	v50 =	vld [tilespmem:$0x1F5C0]  }
0x367: {  	v12 =	vadd.f32 v53, v56;
	v53 =	vld [tilespmem:$0x1F6E0]  }
0x368: {  	v4 =	vadd.f32 v55, v4;
	v55 =	vld [tilespmem:$0x1F570]  }
0x369: {  	v56 =	vld [tilespmem:$0x1F700];
	v14 =	vadd.f32 v54, v52  }
0x36a: {  	v26 =	vld [tilespmem:$0x1F4F0]  }
0x36b: {  	v37 =	vld [tilespmem:$0x1F740];
	v14 =	vadd.f32 v15, v14  }
0x36c: {  	v23 =	vmul.f32 v45, v9;
	v45 =	vld [tilespmem:$0x1F4B0]  }
0x36d: {  	v14 =	vadd.f32 v41, v14;
	v41 =	vld [tilespmem:$0x1F490]  }
0x36e: {  	v43 =	vmul.f32 v42, v9;
	v42 =	vld [tilespmem:$0x1F770]  }
0x36f: {  	v19 =	vadd.f32 v22, v7;
	v5 =	vadd.f32 v48, v5;
	v52 =	vld [tilespmem:$0x1F550]  }
0x370: {  	v2 =	vmul.f32 v2, v8;
	v3 =	vmul.f32 v3, v8;
	v54 =	vld [tilespmem:$0x1F6F0];
	v12 =	vadd.f32 v51, v12  }
0x371: {  	v19 =	vadd.f32 v43, v19;
	v51 =	vld [tilespmem:$0x1F510];
	v5 =	vadd.f32 v58, v5;
	v1 =	vmul.f32 v1, v9  }
0x372: {  	v13 =	vld.idx.msk [tilespmem:v13+s31+$0x0], $0xffff;
	v6 =	vmul.f32 v6, v9;
	v46 =	vadd.f32 v45, v29;
	v21 =	vadd.f32 v41, v21  }
0x373: {  	v58 =	vld [tilespmem:$0x1F580];
	v2 =	vadd.f32 v2, v19;
	v25 =	vadd.f32 v44, v25;
	v11 =	vmul.f32 v11, v8  }
0x374: {  	v15 =	vmul.f32 v39, v9;
	v39 =	vld [tilespmem:$0x1F750];
	v6 =	vadd.f32 v6, v46;
	v21 =	vadd.f32 v23, v21  }
0x375: {  	v10 =	vmul.f32 v10, v8;
	v2 =	vadd.f32 v59, v2;
	v59 =	vld [tilespmem:$0x1F4C0];
	v1 =	vadd.f32 v1, v25  }
0x376: {  	v25 =	vld [tilespmem:$0x1F5A0];
	v6 =	vadd.f32 v11, v6;
	v3 =	vadd.f32 v3, v21  }
0x377: {  	v48 =	vld.idx.msk [tilespmem:v47+s31+$0x0], $0xffff;
	v1 =	vadd.f32 v10, v1  }
0x378: {  	v0 =	vadd.f32 v0, v3;
	v3 =	vadd.f32 v28, v6;
	v28 =	vld [tilespmem:$0x1F500]  }
0x379: {  	v22 =	vld.idx.msk [tilespmem:v49+s31+$0x0], $0xffff  }
0x37a: {  	v1 =	vadd.f32 v60, v1;
	v60 =	vld [tilespmem:$0x1F4E0]  }
0x37b: {  	v21 =	vld [tilespmem:$0x1F710]  }
0x37c: {  	v6 =	vadd.f32 v59, v27;
	v27 =	vadd.f32 v26, v32;
	v32 =	vld [tilespmem:$0x1F720]  }
0x37d: {  	s5 =	sor.u32 s26, s12;
	v4 =	vadd.f32 v31, v4;
	v31 =	vadd.f32 v28, v33;
	v33 =	vld [tilespmem:$0x1F730]  }
0x37e: {  	v23 =	vld.idx.msk [tilespmem:v50+s31+$0x0], $0xffff;
	[tilespmem:s5+$0x18C00] =	vst v51  }
0x37f: {  	v41 =	vld [tilespmem:$0x1F760];
	[tilespmem:s5+$0x18E00] =	vst v52;
	s5 =	sand.u32 $0x70, s5  }
0x380: {  	[tilespmem:v53+s5+$0x0 ss:$0x1] =	vst.idx.msk $0xffff, v38;
	v62 =	vadd.f32 v60, v35;
	v35 =	vld [tilespmem:$0x1F5E0]  }
0x381: {  	v38 =	vld [tilespmem:$0x1F600];
	[tilespmem:v54+s5+$0x0 ss:$0x1] =	vst.idx.msk $0xffff, v55  }
0x382: {  	v47 =	vld [tilespmem:$0x1F780];
	[tilespmem:v56+s5+$0x0 ss:$0x1] =	vst.idx.msk $0xffff, v58  }
0x383: {  	v49 =	vld [tilespmem:$0x1F790];
	[tilespmem:v21+s5+$0x0 ss:$0x1] =	vst.idx.msk $0xffff, v25  }
0x384: {  	v12 =	vadd.f32 v40, v12;
	v17 =	vmul.f32 v17, v9;
	v52 =	vld [tilespmem:$0x1F7A0];
	[tilespmem:v32+s5+$0x0 ss:$0x1] =	vst.idx.msk $0xffff, v30  }
0x385: {  	v44 =	vmul.f32 v16, v8;
	v43 =	vmul.f32 v13, v8;
	v54 =	vld [tilespmem:$0x1F7B0];
	[tilespmem:v33+s5+$0x0 ss:$0x1] =	vst.idx.msk $0xffff, v35  }
0x386: {  	v46 =	vmul.f32 v48, v8;
	v58 =	vld [tilespmem:$0x1F7C0];
	v10 =	vadd.f32 v15, v62;
	[tilespmem:v37+s5+$0x0 ss:$0x1] =	vst.idx.msk $0xffff, v38  }
0x387: {  	v55 =	vmul.f32 v22, v61;
	v59 =	vld [tilespmem:$0x1F7D0];
	v56 =	vmul.f32 v23, v61;
	[tilespmem:v39+s5+$0x0 ss:$0x1] =	vst.idx.msk $0xffff, v4  }
0x388: {  	v61 =	vld [tilespmem:$0x1F7E0];
	v6 =	vadd.f32 v17, v6;
	v48 =	vadd.f32 v44, v10;
	[tilespmem:v41+s5+$0x0 ss:$0x1] =	vst.idx.msk $0xffff, v5  }
0x389: {  	v18 =	vmul.f32 v18, v9;
	v36 =	vmul.f32 v20, v9;
	v62 =	vld [tilespmem:$0x1F7F0];
	[tilespmem:v42+s5+$0x0 ss:$0x1] =	vst.idx.msk $0xffff, v12  }
0x38a: {  	v5 =	vadd.f32 v43, v6;
	v6 =	vadd.f32 v63, v48;
	v63 =	vld [tilespmem:$0x1F800];
	[tilespmem:v47+s5+$0x0 ss:$0x1] =	vst.idx.msk $0xffff, v14  }
0x38b: {  	v45 =	vmul.f32 v24, v8;
	v40 =	vadd.f32 v18, v27;
	[tilespmem:v49+s5+$0x0 ss:$0x1] =	vst.idx.msk $0xffff, v2  }
0x38c: {  	v9 =	vadd.f32 v36, v31;
	[tilespmem:v52+s5+$0x0 ss:$0x1] =	vst.idx.msk $0xffff, v0  }
0x38d: {  	v50 =	vadd.f32 v45, v40;
	v53 =	vadd.f32 v34, v5;
	[tilespmem:v54+s5+$0x0 ss:$0x1] =	vst.idx.msk $0xffff, v1  }
.Ltmp3:
0x38e: {  	v51 =	vadd.f32 v46, v9;
	[tilespmem:v58+s5+$0x0 ss:$0x1] =	vst.idx.msk $0xffff, v3;
	(pc) =	sbr.rel @p0 .LBB2_7-.Ltmp3, $4  }
0x38f: {  	v1 =	vadd.f32 v55, v50;
	[tilespmem:v59+s5+$0x0 ss:$0x1] =	vst.idx.msk $0xffff, v53  }
0x390: {  	v60 =	vadd.f32 v56, v51;
	[tilespmem:v61+s5+$0x0 ss:$0x1] =	vst.idx.msk $0xffff, v6  }
0x391: {  	[tilespmem:v62+s5+$0x0 ss:$0x1] =	vst.idx.msk $0xffff, v1  }
0x392: {  	s12 =	simm.s32 $0x10;
	p1 =	por $0x0, $0x0;
	[tilespmem:v63+s5+$0x0 ss:$0x1] =	vst.idx.msk $0xffff, v60  }
0x393: {  	s25 =	sadd.s32 $0x1, s25  }
0x394: {  	p0 =	sne.s32 s25, $0x8  }
.Ltmp4:
0x395: {  	_ = 	snop;
	(pc) =	sbr.rel @p0 .LBB2_2-.Ltmp4, $1  }
0x396: {  	_ =	sdelay $0x3  }
0x397: {  	s5 =	simm.s32 $0x18C00  }
0x398: {  	[hbm4b:s8+s2] =	stream.linear.scatter [tilespmem:s5], [sflag:$0x3], $0x200, $0x38;
	[tilespmem:$0x1B600] =	vst v63  }
0x399: {  	s24 =	sadd.s32 $0x1, s24;
	_ =	swait.ge [sflag:s11], $0x200  }
0x39a: {  	p0 =	sne.s32 s24, s10;
	[sflag:s11] =	ssyncset.done $0x0  }
.Ltmp5:
0x39b: {  	s26 =	simm.s32 $0x18E00;
	[sflag:s11] =	ssyncadd.s32 $0xFFFFFE00;
	(pc) =	sbr.rel @p0 .LBB2_1-.Ltmp5, $4  }
0x39c: {  	[hbm4b:s9+s2] =	stream.linear.scatter [tilespmem:s26], [sflag:$0x3], $0x2800, $0x38;
	[tilespmem:$0x1B600] =	vst v63  }
0x39d: {  	_ =	swait.ge [sflag:s11], $0x2800  }
0x39e: {  	[sflag:s11] =	ssyncset.done $0x0  }
0x39f: {  	[sflag:s11] =	ssyncadd.s32 $0xFFFFD800  }
0x3a0: {  	_ =	sfence.sel $0x180000  }
0x3a1: {  	[bflag:$0x0] =	sbarrier.arrive $0xFFFF  }
0x3a2: {  	_ =	strace $0x90000047  }
0x3a3: {  	s0 =	stileid.u32;
	[bflag:$0x2] =	sbarrier.arrive $0xFFFF  }
0x3a4: {  	p0 =	sne.s32 s0, $0x0;
	s0 =	rddreg [dreg:$0x3]  }
0x3a5: {  	s0 =	sadd.s32 @!p0 $0x100000, s0  }
0x3a6: {  	[sflag:s0] =	ssyncadd.tile.s32 @!p0 $0x1;
	_ =	shalt  }
.Lfunc_end2:
_tile_overlayer_lowered:
.L_overlay_start_2:
0x3a7: {  	(tag) =	ssettag $0x2  }
0x3a8: {  	s0 =	rddreg [dreg:$0x0];
	s2 =	stileid.u32  }
0x3a9: {  	s1 =	rddreg [dreg:$0x1];
	p0 =	sne.s32 s2, $0x0  }
0x3aa: {  	s3 =	rddreg [dreg:$0x2];
	[bflag:$0x3] =	sbarrier.arrive $0xFFFF;
	s2 =	simm.s32 @!p0 $0x1C03  }
0x3ab: {  	[timem:s3], [sflag:s2] =	dma.local @!p0 [hbm:s0], s1  }
0x3ac: {  	s0 =	simm.s32 @!p0 $0x3  }
0x3ad: {  	_ =	swait.ge @!p0 [sflag:s0], s1  }
0x3ae: {  	s1 =	ssub.s32 @!p0 $0x0, s1;
	[sflag:s0] =	ssyncset.done @!p0 $0x0  }
0x3af: {  	[sflag:s0] =	ssyncadd.s32 @!p0 s1  }
0x3b0: {  	[bflag:$0x3] =	sbarrier.arrive $0xFFFF  }
0x3b1: {  	_ =	shalt  }

</sc_bundles>
